<compile_context>
chip_gen: v7x
topology: tpu7x:2x2x1
jax: 0.10.2.dev20260603
libtpu: 0.0.44.dev20260713+nightly
codegen_flags: <defaults>
</compile_context>

<pallas_src>
import functools

import jax
import jax.numpy as jnp
from jax import lax
from jax.experimental import pallas as pl
from jax.experimental.pallas import tpu as pltpu
from jax.experimental.pallas import tpu_sc as plsc

N = 10000
E = 320000
D = 128
H = 64
G = 64

NC = 2
NS = 16
NW = NC * NS
CH = 125
EPW = E // NW
NJ = EPW // CH
NBUF = 5
RPT = 624
TAILB = RPT * NS
TAILN = N - TAILB
DEGW = 16
ZR = 208

NB = 5
BLK = N // NB



def _sc_body(want_deg, h_hbm, src_hbm, dst_hbm, *rest):
    if want_deg:
        (s_out, deg_out, src_v, dst_v, rows_v, ones_v, zbuf, dzbuf,
         acc_sh, deg_sh, sem0, sem1, sem2, sem3, sem4) = rest
    else:
        (s_out, src_v, dst_v, rows_v, zbuf, acc_sh,
         sem0, sem1, sem2, sem3, sem4) = rest
    sems = (sem0, sem1, sem2, sem3, sem4)
    c = lax.axis_index("c")
    s = lax.axis_index("s")
    w = s * NC + c

    pltpu.sync_copy(src_hbm.at[pl.ds(w * NJ, NJ)], src_v)
    pltpu.sync_copy(dst_hbm.at[pl.ds(w * NJ, NJ)], dst_v)

    def zrow(i, _):
        for cc in range(H // 16):
            zbuf[i, pl.ds(cc * 16, 16)] = jnp.zeros((16,), jnp.float32)
        return 0
    lax.fori_loop(0, ZR, zrow, 0)
    for k in range(RPT // ZR):
        pltpu.sync_copy(zbuf, acc_sh.at[pl.ds(s * RPT + k * ZR, ZR)])

    @pl.when(s == NS - 1)
    def _():
        pltpu.sync_copy(zbuf.at[pl.ds(0, TAILN)], acc_sh.at[pl.ds(TAILB, TAILN)])
    if want_deg:
        def zdrow(i, _):
            dzbuf[i, pl.ds(0, DEGW)] = jnp.zeros((DEGW,), jnp.float32)
            return 0
        lax.fori_loop(0, ZR, zdrow, 0)
        for k in range(RPT // ZR):
            pltpu.sync_copy(dzbuf, deg_sh.at[pl.ds(s * RPT + k * ZR, ZR)])

        @pl.when(s == NS - 1)
        def _():
            pltpu.sync_copy(dzbuf.at[pl.ds(0, TAILN)],
                            deg_sh.at[pl.ds(TAILB, TAILN)])

        def orow(i, _):
            ones_v[i, pl.ds(0, DEGW)] = jnp.ones((DEGW,), jnp.float32)
            return 0
        lax.fori_loop(0, CH, orow, 0)
    plsc.subcore_barrier()

    for b in range(NBUF):
        pltpu.async_copy(h_hbm.at[src_v.at[b]], rows_v.at[b], sems[b])

    def edge_iter(jo, _):
        for b in range(NBUF):
            j = jo * NBUF + b
            pltpu.make_async_copy(h_hbm.at[src_v.at[j]], rows_v.at[b],
                                  sems[b]).wait()
            pltpu.sync_copy(rows_v.at[b], acc_sh.at[dst_v.at[j]], add=True)
            if want_deg:
                pltpu.sync_copy(ones_v, deg_sh.at[dst_v.at[j]], add=True)

            @pl.when(j + NBUF < NJ)
            def _():
                pltpu.async_copy(h_hbm.at[src_v.at[j + NBUF]],
                                 rows_v.at[b], sems[b])
        return 0
    lax.fori_loop(0, NJ // NBUF, edge_iter, 0)
    plsc.subcore_barrier()

    pltpu.sync_copy(acc_sh.at[pl.ds(s * RPT, RPT)],
                    s_out.at[c, pl.ds(s * RPT, RPT)])

    @pl.when(s == NS - 1)
    def _():
        pltpu.sync_copy(acc_sh.at[pl.ds(TAILB, TAILN)],
                        s_out.at[c, pl.ds(TAILB, TAILN)])
    if want_deg:
        pltpu.sync_copy(deg_sh.at[pl.ds(s * RPT, RPT)],
                        deg_out.at[c, pl.ds(s * RPT, RPT)])

        @pl.when(s == NS - 1)
        def _():
            pltpu.sync_copy(deg_sh.at[pl.ds(TAILB, TAILN)],
                            deg_out.at[c, pl.ds(TAILB, TAILN)])


def _sc_segment_sum(h, src2d, dst2d, want_deg):
    mesh = plsc.VectorSubcoreMesh(core_axis_name="c", subcore_axis_name="s")
    out_type = [jax.ShapeDtypeStruct((NC, N, H), jnp.float32)]
    sems = [pltpu.SemaphoreType.DMA] * NBUF
    if want_deg:
        out_type.append(jax.ShapeDtypeStruct((NC, N, DEGW), jnp.float32))
        scratch = [
            pltpu.VMEM((NJ, CH), jnp.int32),
            pltpu.VMEM((NJ, CH), jnp.int32),
            pltpu.VMEM((NBUF, CH, H), jnp.float32),
            pltpu.VMEM((CH, DEGW), jnp.float32),
            pltpu.VMEM((ZR, H), jnp.float32),
            pltpu.VMEM((ZR, DEGW), jnp.float32),
            pltpu.VMEM_SHARED((N, H), jnp.float32),
            pltpu.VMEM_SHARED((N, DEGW), jnp.float32),
        ] + sems
    else:
        scratch = [
            pltpu.VMEM((NJ, CH), jnp.int32),
            pltpu.VMEM((NJ, CH), jnp.int32),
            pltpu.VMEM((NBUF, CH, H), jnp.float32),
            pltpu.VMEM((ZR, H), jnp.float32),
            pltpu.VMEM_SHARED((N, H), jnp.float32),
        ] + sems
    fn = pl.kernel(
        functools.partial(_sc_body, want_deg),
        out_type=tuple(out_type),
        mesh=mesh,
        scratch_types=tuple(scratch),
        compiler_params=pltpu.CompilerParams(use_tc_tiling_on_sc=False),
    )
    return fn(h, src2d, dst2d)



def _kl_rows(a, wn, l):
    nrm = jnp.sqrt(jnp.sum(a * a, axis=1, keepdims=True))
    xh = a / jnp.maximum(nrm, 1e-6)
    t = lax.dot_general(xh, wn, (((1,), (1,)), ((), ())),
                        preferred_element_type=jnp.float32)
    emb = nrm * jnp.exp(t - 1.0)
    return lax.dot_general(emb, l, (((1,), (0,)), ((), ())),
                           preferred_element_type=jnp.float32)


def _tc_kl0_body(x_ref, wn_ref, l_ref, out_ref):
    out_ref[...] = _kl_rows(x_ref[...], wn_ref[...], l_ref[...])


def _tc_kl0(x, wn, l):
    return pl.pallas_call(
        _tc_kl0_body,
        grid=(NB,),
        in_specs=[
            pl.BlockSpec((BLK, D), lambda i: (i, 0)),
            pl.BlockSpec((H, D), lambda i: (0, 0)),
            pl.BlockSpec((H, H), lambda i: (0, 0)),
        ],
        out_specs=pl.BlockSpec((BLK, H), lambda i: (i, 0)),
        out_shape=jax.ShapeDtypeStruct((N, H), jnp.float32),
    )(x, wn, l)


def _tc_fie1_body(sp_ref, degp_ref, h0_ref, mu_ref, wn_ref, l_ref, out_ref):
    s = sp_ref[0] + sp_ref[1]
    deg = degp_ref[0, :, 0:1] + degp_ref[1, :, 0:1]
    a = (s - deg * mu_ref[...]) / jnp.sqrt(jnp.maximum(deg, 1.0))
    out_ref[...] = _kl_rows(a, wn_ref[...], l_ref[...]) + h0_ref[...]


def _tc_fie1(sp, degp, h0, mu, wn, l):
    return pl.pallas_call(
        _tc_fie1_body,
        grid=(NB,),
        in_specs=[
            pl.BlockSpec((NC, BLK, H), lambda i: (0, i, 0)),
            pl.BlockSpec((NC, BLK, DEGW), lambda i: (0, i, 0)),
            pl.BlockSpec((BLK, H), lambda i: (i, 0)),
            pl.BlockSpec((1, H), lambda i: (0, 0)),
            pl.BlockSpec((H, H), lambda i: (0, 0)),
            pl.BlockSpec((H, H), lambda i: (0, 0)),
        ],
        out_specs=pl.BlockSpec((BLK, H), lambda i: (i, 0)),
        out_shape=jax.ShapeDtypeStruct((N, H), jnp.float32),
    )(sp, degp, h0, mu, wn, l)


def _tc_final_body(sp_ref, degp_ref, h1_ref, b_ref, mu2_ref, mup_ref,
                   wn_ref, l_ref, out_ref, acc_ref):
    i = pl.program_id(0)
    s = sp_ref[0] + sp_ref[1]
    deg = degp_ref[0, :, 0:1] + degp_ref[1, :, 0:1]
    h2 = ((s - deg * mu2_ref[...]) / jnp.sqrt(jnp.maximum(deg, 1.0))
          + h1_ref[...])
    b = b_ref[0, 0, :]
    onehot = (b[None, :] == lax.broadcasted_iota(jnp.int32, (G, BLK), 0)
              ).astype(jnp.bfloat16)
    hcat = jnp.concatenate([h2, jnp.ones_like(h2)], axis=1)
    hi = hcat.astype(jnp.bfloat16)
    lo = (hcat - hi.astype(jnp.float32)).astype(jnp.bfloat16)
    part = (lax.dot_general(onehot, hi, (((1,), (0,)), ((), ())),
                            preferred_element_type=jnp.float32)
            + lax.dot_general(onehot, lo, (((1,), (0,)), ((), ())),
                              preferred_element_type=jnp.float32))

    @pl.when(i == 0)
    def _():
        acc_ref[...] = part

    @pl.when(i > 0)
    def _():
        acc_ref[...] += part

    @pl.when(i == NB - 1)
    def _():
        p = acc_ref[:, :H]
        cnt = acc_ref[:, H:H + 1]
        ap = (p - cnt * mup_ref[...]) * lax.rsqrt(jnp.maximum(cnt, 1.0))
        out_ref[...] = (_kl_rows(ap, wn_ref[...], l_ref[...])
                        + p / jnp.maximum(cnt, 1.0))


def _tc_final(sp, degp, h1, batch3, mu2, mup, wn, l):
    return pl.pallas_call(
        _tc_final_body,
        grid=(NB,),
        in_specs=[
            pl.BlockSpec((NC, BLK, H), lambda i: (0, i, 0)),
            pl.BlockSpec((NC, BLK, DEGW), lambda i: (0, i, 0)),
            pl.BlockSpec((BLK, H), lambda i: (i, 0)),
            pl.BlockSpec((1, 1, BLK), lambda i: (i, 0, 0)),
            pl.BlockSpec((1, H), lambda i: (0, 0)),
            pl.BlockSpec((1, H), lambda i: (0, 0)),
            pl.BlockSpec((H, H), lambda i: (0, 0)),
            pl.BlockSpec((H, H), lambda i: (0, 0)),
        ],
        out_specs=pl.BlockSpec((G, H), lambda i: (0, 0)),
        out_shape=jax.ShapeDtypeStruct((G, H), jnp.float32),
        scratch_shapes=[pltpu.VMEM((G, 2 * H), jnp.float32)],
    )(sp, degp, h1, batch3, mu2, mup, wn, l)



def _prep(w):
    wn = w / jnp.maximum(jnp.linalg.norm(w, axis=1, keepdims=True), 1e-6)
    kmat = jnp.exp(wn @ wn.T - 1.0)
    ev, v = jnp.linalg.eigh(kmat)
    lintrans = (v * (1.0 / jnp.sqrt(jnp.maximum(ev, 1e-6)))) @ v.T
    return wn, lintrans


def kernel(x, edge_index, batch, W0, mu1, Wp1, mu2, mu_pool, Wpool):
    src = edge_index[0].astype(jnp.int32).reshape(NW * NJ, CH)
    dst = edge_index[1].astype(jnp.int32).reshape(NW * NJ, CH)
    batch3 = batch.astype(jnp.int32).reshape(NB, 1, BLK)

    wn0, l0 = _prep(W0)
    wn1, l1 = _prep(Wp1)
    wnp, lp = _prep(Wpool)

    h0 = _tc_kl0(x, wn0, l0)
    s1p, degp = _sc_segment_sum(h0, src, dst, want_deg=True)
    h1 = _tc_fie1(s1p, degp, h0, mu1, wn1, l1)
    (s2p,) = _sc_segment_sum(h1, src, dst, want_deg=False)
    return _tc_final(s2p, degp, h1, batch3, mu2, mu_pool, wnp, lp)

# --- scband reference (transcript-rebuilt; emitter-appended) ---
"""Pipeline reference for scband-fienet-46703474377402 (READ-ONLY COPY).

The authoritative reference and input builder live on the scoring server;
editing this copy changes nothing except your own understanding.
"""

import jax, jax.numpy as jnp
import numpy as np

N = 10000
E = 320000
D = 128
H = 64
K = 1
G = 64
SIGMA = 1.0


def _kernel_layer(x, W, sigma):
    # CKN-style exp dot-product kernel layer with linear transform kappa(WW^T)^{-1/2}
    Wn = W / jnp.maximum(jnp.linalg.norm(W, axis=1, keepdims=True), 1e-6)
    norm = jnp.linalg.norm(x, axis=-1, keepdims=True)
    xh = x / jnp.maximum(norm, 1e-6)
    emb = norm * jnp.exp((xh @ Wn.T - 1.0) / (sigma ** 2))
    Kmat = jnp.exp((Wn @ Wn.T - 1.0) / (sigma ** 2))
    w_eig, v = jnp.linalg.eigh(Kmat)
    lintrans = (v * (1.0 / jnp.sqrt(jnp.maximum(w_eig, 1e-6)))) @ v.T
    return emb @ lintrans


def _fie_layer(x, src, dst, mu, Wp, sigma, residue=True):
    # Fisher-information-embedding message passing: soft mixture assignment of
    # source features, gradient-of-log-likelihood messages, scatter-add to dst.
    n = x.shape[0]
    xs = x[src]
    norm = jnp.linalg.norm(xs, axis=-1, keepdims=True)
    xh = xs / jnp.maximum(norm, 1e-6)
    mun = mu / jnp.maximum(jnp.linalg.norm(mu, axis=1, keepdims=True), 1e-6)
    logits = (xh @ mun.T - 1.0) / (sigma ** 2)
    w = jax.nn.softmax(logits, axis=-1)
    msg = w[:, :, None] * (xs[:, None, :] - mu[None, :, :])
    agg = jax.ops.segment_sum(msg, dst, num_segments=n)
    deg = jax.ops.segment_sum(jnp.ones((src.shape[0],), x.dtype), dst, num_segments=n)
    agg = agg / jnp.sqrt(jnp.maximum(deg, 1.0))[:, None, None]
    out = agg.reshape(n, -1)
    if Wp is not None:
        out = _kernel_layer(out, Wp, sigma)
    if residue:
        out = out + x
    return out


def _fie_pool(x, batch, mu, Wp, sigma, num_graphs, residue=True):
    norm = jnp.linalg.norm(x, axis=-1, keepdims=True)
    xh = x / jnp.maximum(norm, 1e-6)
    mun = mu / jnp.maximum(jnp.linalg.norm(mu, axis=1, keepdims=True), 1e-6)
    logits = (xh @ mun.T - 1.0) / (sigma ** 2)
    w = jax.nn.softmax(logits, axis=-1)
    msg = w[:, :, None] * (x[:, None, :] - mu[None, :, :])
    agg = jax.ops.segment_sum(msg, batch, num_segments=num_graphs)
    cnt = jax.ops.segment_sum(jnp.ones((x.shape[0],), x.dtype), batch, num_segments=num_graphs)
    agg = agg / jnp.sqrt(jnp.maximum(cnt, 1.0))[:, None, None]
    out = _kernel_layer(agg.reshape(num_graphs, -1), Wp, sigma)
    if residue:
        mean_x = jax.ops.segment_sum(x, batch, num_segments=num_graphs) / jnp.maximum(cnt, 1.0)[:, None]
        out = out + mean_x
    return out


def setup_inputs(seed: int = 0) -> dict:
    key = jax.random.key(seed)
    ks = [jax.random.fold_in(key, i) for i in range(10)]
    x = jax.random.normal(ks[0], (N, D), dtype=jnp.float32)
    edge_index = jax.random.randint(ks[1], (2, E), 0, N, dtype=jnp.int64)
    batch = jnp.sort(jax.random.randint(ks[2], (N,), 0, G, dtype=jnp.int64))
    W0 = jax.random.normal(ks[3], (H, D), dtype=jnp.float32) * 0.1       # in_head KernelLayer
    mu1 = jax.random.normal(ks[4], (K, H), dtype=jnp.float32) * 0.1      # FIELayer 1 mixture means
    Wp1 = jax.random.normal(ks[5], (H, K * H), dtype=jnp.float32) * 0.1  # FIELayer 1 out_proj
    mu2 = jax.random.normal(ks[6], (K, H), dtype=jnp.float32) * 0.1      # FIELayer 2 (out_proj=None)
    mu_pool = jax.random.normal(ks[7], (K, H), dtype=jnp.float32) * 0.1  # FIEPooling mixture means
    Wpool = jax.random.normal(ks[8], (H, K * H), dtype=jnp.float32) * 0.1
    return {"x": x, "edge_index": edge_index, "batch": batch, "W0": W0,
            "mu1": mu1, "Wp1": Wp1, "mu2": mu2, "mu_pool": mu_pool, "Wpool": Wpool}


def reference(x, edge_index, batch, W0, mu1, Wp1, mu2, mu_pool, Wpool):
    src = edge_index[0]
    dst = edge_index[1]
    h = _kernel_layer(x, W0, SIGMA)
    h = _fie_layer(h, src, dst, mu1, Wp1, SIGMA, residue=True)
    h = _fie_layer(h, src, dst, mu2, None, SIGMA, residue=True)
    out = _fie_pool(h, batch, mu_pool, Wpool, SIGMA, G, residue=True)
    return out

if __name__ == "__main__":
    import jax
    _d = setup_inputs()
    print(jax.jit(kernel)(*tuple(_d.values())))

</pallas_src>

<mosaic_0001>
#map = affine_map<(d0, d1) -> (0, 0)>
#map1 = affine_map<(d0, d1) -> (0, 0, 0)>
module attributes {stable_mosaic.version = 14 : i64} {
  func.func @_sc_body(%arg0: i32, %arg1: i32, %arg2: memref<10000x64xf32, #tpu.memory_space<hbm>>, %arg3: memref<2560x125xi32, #tpu.memory_space<hbm>>, %arg4: memref<2560x125xi32, #tpu.memory_space<hbm>>, %arg5: memref<2x10000x64xf32, #tpu.memory_space<hbm>>, %arg6: memref<2x10000x16xf32, #tpu.memory_space<hbm>>, %arg7: memref<80x125xi32, #tpu.memory_space<vmem>>, %arg8: memref<80x125xi32, #tpu.memory_space<vmem>>, %arg9: memref<5x125x64xf32, #tpu.memory_space<vmem>>, %arg10: memref<125x16xf32, #tpu.memory_space<vmem>>, %arg11: memref<208x64xf32, #tpu.memory_space<vmem>>, %arg12: memref<208x16xf32, #tpu.memory_space<vmem>>, %arg13: memref<10000x64xf32, #tpu.memory_space<vmem_shared>>, %arg14: memref<10000x16xf32, #tpu.memory_space<vmem_shared>>, %arg15: memref<!tpu.dma_semaphore, #tpu.memory_space<semaphore_mem>>, %arg16: memref<!tpu.dma_semaphore, #tpu.memory_space<semaphore_mem>>, %arg17: memref<!tpu.dma_semaphore, #tpu.memory_space<semaphore_mem>>, %arg18: memref<!tpu.dma_semaphore, #tpu.memory_space<semaphore_mem>>, %arg19: memref<!tpu.dma_semaphore, #tpu.memory_space<semaphore_mem>>) attributes {dimension_semantics = [#tpu.dimension_semantics<core_parallel>, #tpu.dimension_semantics<subcore_parallel>], iteration_bounds = array<i64: 2, 16>, scalar_prefetch = 0 : i64, scratch_operands = 13 : i64, tpu.core_type = #tpu.core_type<sc_vector_subcore>, window_params = [{transform_indices = #map}, {transform_indices = #map}, {transform_indices = #map}, {transform_indices = #map1}, {transform_indices = #map1}]} {
    %mul3A = arith.constant 2 : i32
    %mul3A_0 = arith.muli %arg1, %mul3A : i32
    %add3A = arith.addi %mul3A_0, %arg0 : i32
    %mul3A_1 = arith.constant 80 : i32
    %mul3A_2 = arith.muli %add3A, %mul3A_1 : i32
    "tpu.region"() ({
      %run_scoped3A = tpu.sem_alloc : memref<!tpu.dma_semaphore, #tpu.memory_space<semaphore_mem>>
      %dma_start3A_141 = arith.constant 0 : i32
      %dma_start3A_142 = tpu.memref_slice %arg3[%mul3A_2, %dma_start3A_141] : memref<2560x125xi32, #tpu.memory_space<hbm>> -> memref<80x125xi32, #tpu.memory_space<hbm>>
      %dma_start3A_143 = arith.constant 0 : i32
      %dma_start3A_144 = tpu.memref_slice %arg3[%mul3A_2, %dma_start3A_143] : memref<2560x125xi32, #tpu.memory_space<hbm>> -> memref<80x125xi32, #tpu.memory_space<hbm>>
      tpu.enqueue_dma source(%dma_start3A_144 : memref<80x125xi32, #tpu.memory_space<hbm>>) target(%arg7 : memref<80x125xi32, #tpu.memory_space<vmem>>) target_semaphore(%run_scoped3A : memref<!tpu.dma_semaphore, #tpu.memory_space<semaphore_mem>>)
      %dma_wait3A = arith.constant 0 : i32
      %dma_wait3A_145 = tpu.memref_slice %arg3[%mul3A_2, %dma_wait3A] : memref<2560x125xi32, #tpu.memory_space<hbm>> -> memref<80x125xi32, #tpu.memory_space<hbm>>
      %dma_wait3A_146 = arith.constant 0 : i32
      %dma_wait3A_147 = tpu.memref_slice %arg3[%mul3A_2, %dma_wait3A_146] : memref<2560x125xi32, #tpu.memory_space<hbm>> -> memref<80x125xi32, #tpu.memory_space<hbm>>
      tpu.wait_dma2 semaphore(%run_scoped3A : memref<!tpu.dma_semaphore, #tpu.memory_space<semaphore_mem>>) src(%dma_wait3A_147 : memref<80x125xi32, #tpu.memory_space<hbm>>) dst(%arg7 : memref<80x125xi32, #tpu.memory_space<vmem>>)
      tpu.yield
    }) : () -> ()
    %mul3A_3 = arith.constant 80 : i32
    %mul3A_4 = arith.muli %add3A, %mul3A_3 : i32
    "tpu.region"() ({
      %run_scoped3A = tpu.sem_alloc : memref<!tpu.dma_semaphore, #tpu.memory_space<semaphore_mem>>
      %dma_start3A_141 = arith.constant 0 : i32
      %dma_start3A_142 = tpu.memref_slice %arg4[%mul3A_4, %dma_start3A_141] : memref<2560x125xi32, #tpu.memory_space<hbm>> -> memref<80x125xi32, #tpu.memory_space<hbm>>
      %dma_start3A_143 = arith.constant 0 : i32
      %dma_start3A_144 = tpu.memref_slice %arg4[%mul3A_4, %dma_start3A_143] : memref<2560x125xi32, #tpu.memory_space<hbm>> -> memref<80x125xi32, #tpu.memory_space<hbm>>
      tpu.enqueue_dma source(%dma_start3A_144 : memref<80x125xi32, #tpu.memory_space<hbm>>) target(%arg8 : memref<80x125xi32, #tpu.memory_space<vmem>>) target_semaphore(%run_scoped3A : memref<!tpu.dma_semaphore, #tpu.memory_space<semaphore_mem>>)
      %dma_wait3A = arith.constant 0 : i32
      %dma_wait3A_145 = tpu.memref_slice %arg4[%mul3A_4, %dma_wait3A] : memref<2560x125xi32, #tpu.memory_space<hbm>> -> memref<80x125xi32, #tpu.memory_space<hbm>>
      %dma_wait3A_146 = arith.constant 0 : i32
      %dma_wait3A_147 = tpu.memref_slice %arg4[%mul3A_4, %dma_wait3A_146] : memref<2560x125xi32, #tpu.memory_space<hbm>> -> memref<80x125xi32, #tpu.memory_space<hbm>>
      tpu.wait_dma2 semaphore(%run_scoped3A : memref<!tpu.dma_semaphore, #tpu.memory_space<semaphore_mem>>) src(%dma_wait3A_147 : memref<80x125xi32, #tpu.memory_space<hbm>>) dst(%arg8 : memref<80x125xi32, #tpu.memory_space<vmem>>)
      tpu.yield
    }) : () -> ()
    %scan3A = arith.constant 0 : i32
    %scan3A_5 = arith.constant 0 : i32
    %scan3A_6 = arith.constant 208 : i32
    %scan3A_7 = arith.addi %scan3A_5, %scan3A_6 : i32
    %scan3A_8 = arith.constant 1 : i32
    %scan3A_9 = scf.for %scan3A_141 = %scan3A_5 to %scan3A_7 step %scan3A_8 iter_args(%scan3A_142 = %scan3A) -> (i32)  : i32 {
      %broadcast_in_dim3A = arith.constant 0.000000e+00 : f32
      %broadcast_in_dim3A_143 = vector.broadcast %broadcast_in_dim3A : f32 to vector<16xf32>
      %swap3A = arith.index_cast %scan3A_141 : i32 to index
      %swap3A_144 = arith.constant 0 : index
      %swap3A_145 = tpu.vector_load %arg11[%swap3A, %swap3A_144] {strides = array<i32>} : memref<208x64xf32, #tpu.memory_space<vmem>>, vector<1x16xf32>,
      %swap3A_146 = vector.shape_cast %swap3A_145 : vector<1x16xf32> to vector<16xf32>
      %swap3A_147 = vector.shape_cast %broadcast_in_dim3A_143 : vector<16xf32> to vector<1x16xf32>
      tpu.vector_store %arg11[%swap3A, %swap3A_144], %swap3A_147 {strides = array<i32>} : memref<208x64xf32, #tpu.memory_space<vmem>>, vector<1x16xf32>,
      %broadcast_in_dim3A_148 = arith.constant 0.000000e+00 : f32
      %broadcast_in_dim3A_149 = vector.broadcast %broadcast_in_dim3A_148 : f32 to vector<16xf32>
      %swap3A_150 = arith.index_cast %scan3A_141 : i32 to index
      %swap3A_151 = arith.constant 16 : index
      %swap3A_152 = tpu.vector_load %arg11[%swap3A_150, %swap3A_151] {strides = array<i32>} : memref<208x64xf32, #tpu.memory_space<vmem>>, vector<1x16xf32>,
      %swap3A_153 = vector.shape_cast %swap3A_152 : vector<1x16xf32> to vector<16xf32>
      %swap3A_154 = vector.shape_cast %broadcast_in_dim3A_149 : vector<16xf32> to vector<1x16xf32>
      tpu.vector_store %arg11[%swap3A_150, %swap3A_151], %swap3A_154 {strides = array<i32>} : memref<208x64xf32, #tpu.memory_space<vmem>>, vector<1x16xf32>,
      %broadcast_in_dim3A_155 = arith.constant 0.000000e+00 : f32
      %broadcast_in_dim3A_156 = vector.broadcast %broadcast_in_dim3A_155 : f32 to vector<16xf32>
      %swap3A_157 = arith.index_cast %scan3A_141 : i32 to index
      %swap3A_158 = arith.constant 32 : index
      %swap3A_159 = tpu.vector_load %arg11[%swap3A_157, %swap3A_158] {strides = array<i32>} : memref<208x64xf32, #tpu.memory_space<vmem>>, vector<1x16xf32>,
      %swap3A_160 = vector.shape_cast %swap3A_159 : vector<1x16xf32> to vector<16xf32>
      %swap3A_161 = vector.shape_cast %broadcast_in_dim3A_156 : vector<16xf32> to vector<1x16xf32>
      tpu.vector_store %arg11[%swap3A_157, %swap3A_158], %swap3A_161 {strides = array<i32>} : memref<208x64xf32, #tpu.memory_space<vmem>>, vector<1x16xf32>,
      %broadcast_in_dim3A_162 = arith.constant 0.000000e+00 : f32
      %broadcast_in_dim3A_163 = vector.broadcast %broadcast_in_dim3A_162 : f32 to vector<16xf32>
      %swap3A_164 = arith.index_cast %scan3A_141 : i32 to index
      %swap3A_165 = arith.constant 48 : index
      %swap3A_166 = tpu.vector_load %arg11[%swap3A_164, %swap3A_165] {strides = array<i32>} : memref<208x64xf32, #tpu.memory_space<vmem>>, vector<1x16xf32>,
      %swap3A_167 = vector.shape_cast %swap3A_166 : vector<1x16xf32> to vector<16xf32>
      %swap3A_168 = vector.shape_cast %broadcast_in_dim3A_163 : vector<16xf32> to vector<1x16xf32>
      tpu.vector_store %arg11[%swap3A_164, %swap3A_165], %swap3A_168 {strides = array<i32>} : memref<208x64xf32, #tpu.memory_space<vmem>>, vector<1x16xf32>,
      %scan3A_169 = arith.constant 0 : i32
      scf.yield %scan3A_169 : i32
    }
    %scan3A_10 = arith.constant 208 : i32
    %mul3A_11 = arith.constant 624 : i32
    %mul3A_12 = arith.muli %arg1, %mul3A_11 : i32
    %add3A_13 = arith.constant 0 : i32
    %add3A_14 = arith.addi %mul3A_12, %add3A_13 : i32
    "tpu.region"() ({
      %run_scoped3A = tpu.sem_alloc : memref<!tpu.dma_semaphore, #tpu.memory_space<semaphore_mem>>
      %dma_start3A_141 = arith.constant 0 : i32
      %dma_start3A_142 = tpu.memref_slice %arg13[%add3A_14, %dma_start3A_141] : memref<10000x64xf32, #tpu.memory_space<vmem_shared>> -> memref<208x64xf32, #tpu.memory_space<vmem_shared>>
      %dma_start3A_143 = arith.constant 0 : i32
      %dma_start3A_144 = tpu.memref_slice %arg13[%add3A_14, %dma_start3A_143] : memref<10000x64xf32, #tpu.memory_space<vmem_shared>> -> memref<208x64xf32, #tpu.memory_space<vmem_shared>>
      tpu.enqueue_dma source(%arg11 : memref<208x64xf32, #tpu.memory_space<vmem>>) target(%dma_start3A_144 : memref<208x64xf32, #tpu.memory_space<vmem_shared>>) target_semaphore(%run_scoped3A : memref<!tpu.dma_semaphore, #tpu.memory_space<semaphore_mem>>)
      %dma_wait3A = arith.constant 0 : i32
      %dma_wait3A_145 = tpu.memref_slice %arg13[%add3A_14, %dma_wait3A] : memref<10000x64xf32, #tpu.memory_space<vmem_shared>> -> memref<208x64xf32, #tpu.memory_space<vmem_shared>>
      %dma_wait3A_146 = arith.constant 0 : i32
      %dma_wait3A_147 = tpu.memref_slice %arg13[%add3A_14, %dma_wait3A_146] : memref<10000x64xf32, #tpu.memory_space<vmem_shared>> -> memref<208x64xf32, #tpu.memory_space<vmem_shared>>
      tpu.wait_dma2 semaphore(%run_scoped3A : memref<!tpu.dma_semaphore, #tpu.memory_space<semaphore_mem>>) src(%arg11 : memref<208x64xf32, #tpu.memory_space<vmem>>) dst(%dma_wait3A_147 : memref<208x64xf32, #tpu.memory_space<vmem_shared>>)
      tpu.yield
    }) : () -> ()
    %mul3A_15 = arith.constant 624 : i32
    %mul3A_16 = arith.muli %arg1, %mul3A_15 : i32
    %add3A_17 = arith.constant 208 : i32
    %add3A_18 = arith.addi %mul3A_16, %add3A_17 : i32
    "tpu.region"() ({
      %run_scoped3A = tpu.sem_alloc : memref<!tpu.dma_semaphore, #tpu.memory_space<semaphore_mem>>
      %dma_start3A_141 = arith.constant 0 : i32
      %dma_start3A_142 = tpu.memref_slice %arg13[%add3A_18, %dma_start3A_141] : memref<10000x64xf32, #tpu.memory_space<vmem_shared>> -> memref<208x64xf32, #tpu.memory_space<vmem_shared>>
      %dma_start3A_143 = arith.constant 0 : i32
      %dma_start3A_144 = tpu.memref_slice %arg13[%add3A_18, %dma_start3A_143] : memref<10000x64xf32, #tpu.memory_space<vmem_shared>> -> memref<208x64xf32, #tpu.memory_space<vmem_shared>>
      tpu.enqueue_dma source(%arg11 : memref<208x64xf32, #tpu.memory_space<vmem>>) target(%dma_start3A_144 : memref<208x64xf32, #tpu.memory_space<vmem_shared>>) target_semaphore(%run_scoped3A : memref<!tpu.dma_semaphore, #tpu.memory_space<semaphore_mem>>)
      %dma_wait3A = arith.constant 0 : i32
      %dma_wait3A_145 = tpu.memref_slice %arg13[%add3A_18, %dma_wait3A] : memref<10000x64xf32, #tpu.memory_space<vmem_shared>> -> memref<208x64xf32, #tpu.memory_space<vmem_shared>>
      %dma_wait3A_146 = arith.constant 0 : i32
      %dma_wait3A_147 = tpu.memref_slice %arg13[%add3A_18, %dma_wait3A_146] : memref<10000x64xf32, #tpu.memory_space<vmem_shared>> -> memref<208x64xf32, #tpu.memory_space<vmem_shared>>
      tpu.wait_dma2 semaphore(%run_scoped3A : memref<!tpu.dma_semaphore, #tpu.memory_space<semaphore_mem>>) src(%arg11 : memref<208x64xf32, #tpu.memory_space<vmem>>) dst(%dma_wait3A_147 : memref<208x64xf32, #tpu.memory_space<vmem_shared>>)
      tpu.yield
    }) : () -> ()
    %mul3A_19 = arith.constant 624 : i32
    %mul3A_20 = arith.muli %arg1, %mul3A_19 : i32
    %add3A_21 = arith.constant 416 : i32
    %add3A_22 = arith.addi %mul3A_20, %add3A_21 : i32
    "tpu.region"() ({
      %run_scoped3A = tpu.sem_alloc : memref<!tpu.dma_semaphore, #tpu.memory_space<semaphore_mem>>
      %dma_start3A_141 = arith.constant 0 : i32
      %dma_start3A_142 = tpu.memref_slice %arg13[%add3A_22, %dma_start3A_141] : memref<10000x64xf32, #tpu.memory_space<vmem_shared>> -> memref<208x64xf32, #tpu.memory_space<vmem_shared>>
      %dma_start3A_143 = arith.constant 0 : i32
      %dma_start3A_144 = tpu.memref_slice %arg13[%add3A_22, %dma_start3A_143] : memref<10000x64xf32, #tpu.memory_space<vmem_shared>> -> memref<208x64xf32, #tpu.memory_space<vmem_shared>>
      tpu.enqueue_dma source(%arg11 : memref<208x64xf32, #tpu.memory_space<vmem>>) target(%dma_start3A_144 : memref<208x64xf32, #tpu.memory_space<vmem_shared>>) target_semaphore(%run_scoped3A : memref<!tpu.dma_semaphore, #tpu.memory_space<semaphore_mem>>)
      %dma_wait3A = arith.constant 0 : i32
      %dma_wait3A_145 = tpu.memref_slice %arg13[%add3A_22, %dma_wait3A] : memref<10000x64xf32, #tpu.memory_space<vmem_shared>> -> memref<208x64xf32, #tpu.memory_space<vmem_shared>>
      %dma_wait3A_146 = arith.constant 0 : i32
      %dma_wait3A_147 = tpu.memref_slice %arg13[%add3A_22, %dma_wait3A_146] : memref<10000x64xf32, #tpu.memory_space<vmem_shared>> -> memref<208x64xf32, #tpu.memory_space<vmem_shared>>
      tpu.wait_dma2 semaphore(%run_scoped3A : memref<!tpu.dma_semaphore, #tpu.memory_space<semaphore_mem>>) src(%arg11 : memref<208x64xf32, #tpu.memory_space<vmem>>) dst(%dma_wait3A_147 : memref<208x64xf32, #tpu.memory_space<vmem_shared>>)
      tpu.yield
    }) : () -> ()
    %eq3A = arith.constant 15 : i32
    %eq3A_23 = arith.cmpi eq, %arg1, %eq3A : i32
    %convert_element_type3A = arith.extui %eq3A_23 : i1 to i32
    %cond3A = arith.constant 0 : i32
    %cond3A_24 = arith.cmpi ne, %convert_element_type3A, %cond3A : i32
    scf.if %cond3A_24 {
      "tpu.region"() ({
        %run_scoped3A = tpu.sem_alloc : memref<!tpu.dma_semaphore, #tpu.memory_space<semaphore_mem>>
        %dma_start3A_141 = arith.constant 0 : i32
        %dma_start3A_142 = arith.constant 0 : i32
        %dma_start3A_143 = tpu.memref_slice %arg11[%dma_start3A_141, %dma_start3A_142] : memref<208x64xf32, #tpu.memory_space<vmem>> -> memref<16x64xf32, #tpu.memory_space<vmem>>
        %dma_start3A_144 = arith.constant 9984 : i32
        %dma_start3A_145 = arith.constant 0 : i32
        %dma_start3A_146 = tpu.memref_slice %arg13[%dma_start3A_144, %dma_start3A_145] : memref<10000x64xf32, #tpu.memory_space<vmem_shared>> -> memref<16x64xf32, #tpu.memory_space<vmem_shared>>
        %dma_start3A_147 = arith.constant 9984 : i32
        %dma_start3A_148 = arith.constant 0 : i32
        %dma_start3A_149 = tpu.memref_slice %arg13[%dma_start3A_147, %dma_start3A_148] : memref<10000x64xf32, #tpu.memory_space<vmem_shared>> -> memref<16x64xf32, #tpu.memory_space<vmem_shared>>
        %dma_start3A_150 = arith.constant 0 : i32
        %dma_start3A_151 = arith.constant 0 : i32
        %dma_start3A_152 = tpu.memref_slice %arg11[%dma_start3A_150, %dma_start3A_151] : memref<208x64xf32, #tpu.memory_space<vmem>> -> memref<16x64xf32, #tpu.memory_space<vmem>>
        tpu.enqueue_dma source(%dma_start3A_152 : memref<16x64xf32, #tpu.memory_space<vmem>>) target(%dma_start3A_149 : memref<16x64xf32, #tpu.memory_space<vmem_shared>>) target_semaphore(%run_scoped3A : memref<!tpu.dma_semaphore, #tpu.memory_space<semaphore_mem>>)
        %dma_wait3A = arith.constant 0 : i32
        %dma_wait3A_153 = arith.constant 0 : i32
        %dma_wait3A_154 = tpu.memref_slice %arg11[%dma_wait3A, %dma_wait3A_153] : memref<208x64xf32, #tpu.memory_space<vmem>> -> memref<16x64xf32, #tpu.memory_space<vmem>>
        %dma_wait3A_155 = arith.constant 9984 : i32
        %dma_wait3A_156 = arith.constant 0 : i32
        %dma_wait3A_157 = tpu.memref_slice %arg13[%dma_wait3A_155, %dma_wait3A_156] : memref<10000x64xf32, #tpu.memory_space<vmem_shared>> -> memref<16x64xf32, #tpu.memory_space<vmem_shared>>
        %dma_wait3A_158 = arith.constant 9984 : i32
        %dma_wait3A_159 = arith.constant 0 : i32
        %dma_wait3A_160 = tpu.memref_slice %arg13[%dma_wait3A_158, %dma_wait3A_159] : memref<10000x64xf32, #tpu.memory_space<vmem_shared>> -> memref<16x64xf32, #tpu.memory_space<vmem_shared>>
        %dma_wait3A_161 = arith.constant 0 : i32
        %dma_wait3A_162 = arith.constant 0 : i32
        %dma_wait3A_163 = tpu.memref_slice %arg11[%dma_wait3A_161, %dma_wait3A_162] : memref<208x64xf32, #tpu.memory_space<vmem>> -> memref<16x64xf32, #tpu.memory_space<vmem>>
        tpu.wait_dma2 semaphore(%run_scoped3A : memref<!tpu.dma_semaphore, #tpu.memory_space<semaphore_mem>>) src(%dma_wait3A_163 : memref<16x64xf32, #tpu.memory_space<vmem>>) dst(%dma_wait3A_160 : memref<16x64xf32, #tpu.memory_space<vmem_shared>>)
        tpu.yield
      }) : () -> ()
    } else {
    }
    %scan3A_25 = arith.constant 0 : i32
    %scan3A_26 = arith.constant 0 : i32
    %scan3A_27 = arith.constant 208 : i32
    %scan3A_28 = arith.addi %scan3A_26, %scan3A_27 : i32
    %scan3A_29 = arith.constant 1 : i32
    %scan3A_30 = scf.for %scan3A_141 = %scan3A_26 to %scan3A_28 step %scan3A_29 iter_args(%scan3A_142 = %scan3A_25) -> (i32)  : i32 {
      %broadcast_in_dim3A = arith.constant 0.000000e+00 : f32
      %broadcast_in_dim3A_143 = vector.broadcast %broadcast_in_dim3A : f32 to vector<16xf32>
      %swap3A = arith.index_cast %scan3A_141 : i32 to index
      %swap3A_144 = arith.constant 0 : index
      %swap3A_145 = tpu.vector_load %arg12[%swap3A, %swap3A_144] {strides = array<i32>} : memref<208x16xf32, #tpu.memory_space<vmem>>, vector<1x16xf32>,
      %swap3A_146 = vector.shape_cast %swap3A_145 : vector<1x16xf32> to vector<16xf32>
      %swap3A_147 = vector.shape_cast %broadcast_in_dim3A_143 : vector<16xf32> to vector<1x16xf32>
      tpu.vector_store %arg12[%swap3A, %swap3A_144], %swap3A_147 {strides = array<i32>} : memref<208x16xf32, #tpu.memory_space<vmem>>, vector<1x16xf32>,
      %scan3A_148 = arith.constant 0 : i32
      scf.yield %scan3A_148 : i32
    }
    %scan3A_31 = arith.constant 208 : i32
    %mul3A_32 = arith.constant 624 : i32
    %mul3A_33 = arith.muli %arg1, %mul3A_32 : i32
    %add3A_34 = arith.constant 0 : i32
    %add3A_35 = arith.addi %mul3A_33, %add3A_34 : i32
    "tpu.region"() ({
      %run_scoped3A = tpu.sem_alloc : memref<!tpu.dma_semaphore, #tpu.memory_space<semaphore_mem>>
      %dma_start3A_141 = arith.constant 0 : i32
      %dma_start3A_142 = tpu.memref_slice %arg14[%add3A_35, %dma_start3A_141] : memref<10000x16xf32, #tpu.memory_space<vmem_shared>> -> memref<208x16xf32, #tpu.memory_space<vmem_shared>>
      %dma_start3A_143 = arith.constant 0 : i32
      %dma_start3A_144 = tpu.memref_slice %arg14[%add3A_35, %dma_start3A_143] : memref<10000x16xf32, #tpu.memory_space<vmem_shared>> -> memref<208x16xf32, #tpu.memory_space<vmem_shared>>
      tpu.enqueue_dma source(%arg12 : memref<208x16xf32, #tpu.memory_space<vmem>>) target(%dma_start3A_144 : memref<208x16xf32, #tpu.memory_space<vmem_shared>>) target_semaphore(%run_scoped3A : memref<!tpu.dma_semaphore, #tpu.memory_space<semaphore_mem>>)
      %dma_wait3A = arith.constant 0 : i32
      %dma_wait3A_145 = tpu.memref_slice %arg14[%add3A_35, %dma_wait3A] : memref<10000x16xf32, #tpu.memory_space<vmem_shared>> -> memref<208x16xf32, #tpu.memory_space<vmem_shared>>
      %dma_wait3A_146 = arith.constant 0 : i32
      %dma_wait3A_147 = tpu.memref_slice %arg14[%add3A_35, %dma_wait3A_146] : memref<10000x16xf32, #tpu.memory_space<vmem_shared>> -> memref<208x16xf32, #tpu.memory_space<vmem_shared>>
      tpu.wait_dma2 semaphore(%run_scoped3A : memref<!tpu.dma_semaphore, #tpu.memory_space<semaphore_mem>>) src(%arg12 : memref<208x16xf32, #tpu.memory_space<vmem>>) dst(%dma_wait3A_147 : memref<208x16xf32, #tpu.memory_space<vmem_shared>>)
      tpu.yield
    }) : () -> ()
    %mul3A_36 = arith.constant 624 : i32
    %mul3A_37 = arith.muli %arg1, %mul3A_36 : i32
    %add3A_38 = arith.constant 208 : i32
    %add3A_39 = arith.addi %mul3A_37, %add3A_38 : i32
    "tpu.region"() ({
      %run_scoped3A = tpu.sem_alloc : memref<!tpu.dma_semaphore, #tpu.memory_space<semaphore_mem>>
      %dma_start3A_141 = arith.constant 0 : i32
      %dma_start3A_142 = tpu.memref_slice %arg14[%add3A_39, %dma_start3A_141] : memref<10000x16xf32, #tpu.memory_space<vmem_shared>> -> memref<208x16xf32, #tpu.memory_space<vmem_shared>>
      %dma_start3A_143 = arith.constant 0 : i32
      %dma_start3A_144 = tpu.memref_slice %arg14[%add3A_39, %dma_start3A_143] : memref<10000x16xf32, #tpu.memory_space<vmem_shared>> -> memref<208x16xf32, #tpu.memory_space<vmem_shared>>
      tpu.enqueue_dma source(%arg12 : memref<208x16xf32, #tpu.memory_space<vmem>>) target(%dma_start3A_144 : memref<208x16xf32, #tpu.memory_space<vmem_shared>>) target_semaphore(%run_scoped3A : memref<!tpu.dma_semaphore, #tpu.memory_space<semaphore_mem>>)
      %dma_wait3A = arith.constant 0 : i32
      %dma_wait3A_145 = tpu.memref_slice %arg14[%add3A_39, %dma_wait3A] : memref<10000x16xf32, #tpu.memory_space<vmem_shared>> -> memref<208x16xf32, #tpu.memory_space<vmem_shared>>
      %dma_wait3A_146 = arith.constant 0 : i32
      %dma_wait3A_147 = tpu.memref_slice %arg14[%add3A_39, %dma_wait3A_146] : memref<10000x16xf32, #tpu.memory_space<vmem_shared>> -> memref<208x16xf32, #tpu.memory_space<vmem_shared>>
      tpu.wait_dma2 semaphore(%run_scoped3A : memref<!tpu.dma_semaphore, #tpu.memory_space<semaphore_mem>>) src(%arg12 : memref<208x16xf32, #tpu.memory_space<vmem>>) dst(%dma_wait3A_147 : memref<208x16xf32, #tpu.memory_space<vmem_shared>>)
      tpu.yield
    }) : () -> ()
    %mul3A_40 = arith.constant 624 : i32
    %mul3A_41 = arith.muli %arg1, %mul3A_40 : i32
    %add3A_42 = arith.constant 416 : i32
    %add3A_43 = arith.addi %mul3A_41, %add3A_42 : i32
    "tpu.region"() ({
      %run_scoped3A = tpu.sem_alloc : memref<!tpu.dma_semaphore, #tpu.memory_space<semaphore_mem>>
      %dma_start3A_141 = arith.constant 0 : i32
      %dma_start3A_142 = tpu.memref_slice %arg14[%add3A_43, %dma_start3A_141] : memref<10000x16xf32, #tpu.memory_space<vmem_shared>> -> memref<208x16xf32, #tpu.memory_space<vmem_shared>>
      %dma_start3A_143 = arith.constant 0 : i32
      %dma_start3A_144 = tpu.memref_slice %arg14[%add3A_43, %dma_start3A_143] : memref<10000x16xf32, #tpu.memory_space<vmem_shared>> -> memref<208x16xf32, #tpu.memory_space<vmem_shared>>
      tpu.enqueue_dma source(%arg12 : memref<208x16xf32, #tpu.memory_space<vmem>>) target(%dma_start3A_144 : memref<208x16xf32, #tpu.memory_space<vmem_shared>>) target_semaphore(%run_scoped3A : memref<!tpu.dma_semaphore, #tpu.memory_space<semaphore_mem>>)
      %dma_wait3A = arith.constant 0 : i32
      %dma_wait3A_145 = tpu.memref_slice %arg14[%add3A_43, %dma_wait3A] : memref<10000x16xf32, #tpu.memory_space<vmem_shared>> -> memref<208x16xf32, #tpu.memory_space<vmem_shared>>
      %dma_wait3A_146 = arith.constant 0 : i32
      %dma_wait3A_147 = tpu.memref_slice %arg14[%add3A_43, %dma_wait3A_146] : memref<10000x16xf32, #tpu.memory_space<vmem_shared>> -> memref<208x16xf32, #tpu.memory_space<vmem_shared>>
      tpu.wait_dma2 semaphore(%run_scoped3A : memref<!tpu.dma_semaphore, #tpu.memory_space<semaphore_mem>>) src(%arg12 : memref<208x16xf32, #tpu.memory_space<vmem>>) dst(%dma_wait3A_147 : memref<208x16xf32, #tpu.memory_space<vmem_shared>>)
      tpu.yield
    }) : () -> ()
    %eq3A_44 = arith.constant 15 : i32
    %eq3A_45 = arith.cmpi eq, %arg1, %eq3A_44 : i32
    %convert_element_type3A_46 = arith.extui %eq3A_45 : i1 to i32
    %cond3A_47 = arith.constant 0 : i32
    %cond3A_48 = arith.cmpi ne, %convert_element_type3A_46, %cond3A_47 : i32
    scf.if %cond3A_48 {
      "tpu.region"() ({
        %run_scoped3A = tpu.sem_alloc : memref<!tpu.dma_semaphore, #tpu.memory_space<semaphore_mem>>
        %dma_start3A_141 = arith.constant 0 : i32
        %dma_start3A_142 = arith.constant 0 : i32
        %dma_start3A_143 = tpu.memref_slice %arg12[%dma_start3A_141, %dma_start3A_142] : memref<208x16xf32, #tpu.memory_space<vmem>> -> memref<16x16xf32, #tpu.memory_space<vmem>>
        %dma_start3A_144 = arith.constant 9984 : i32
        %dma_start3A_145 = arith.constant 0 : i32
        %dma_start3A_146 = tpu.memref_slice %arg14[%dma_start3A_144, %dma_start3A_145] : memref<10000x16xf32, #tpu.memory_space<vmem_shared>> -> memref<16x16xf32, #tpu.memory_space<vmem_shared>>
        %dma_start3A_147 = arith.constant 9984 : i32
        %dma_start3A_148 = arith.constant 0 : i32
        %dma_start3A_149 = tpu.memref_slice %arg14[%dma_start3A_147, %dma_start3A_148] : memref<10000x16xf32, #tpu.memory_space<vmem_shared>> -> memref<16x16xf32, #tpu.memory_space<vmem_shared>>
        %dma_start3A_150 = arith.constant 0 : i32
        %dma_start3A_151 = arith.constant 0 : i32
        %dma_start3A_152 = tpu.memref_slice %arg12[%dma_start3A_150, %dma_start3A_151] : memref<208x16xf32, #tpu.memory_space<vmem>> -> memref<16x16xf32, #tpu.memory_space<vmem>>
        tpu.enqueue_dma source(%dma_start3A_152 : memref<16x16xf32, #tpu.memory_space<vmem>>) target(%dma_start3A_149 : memref<16x16xf32, #tpu.memory_space<vmem_shared>>) target_semaphore(%run_scoped3A : memref<!tpu.dma_semaphore, #tpu.memory_space<semaphore_mem>>)
        %dma_wait3A = arith.constant 0 : i32
        %dma_wait3A_153 = arith.constant 0 : i32
        %dma_wait3A_154 = tpu.memref_slice %arg12[%dma_wait3A, %dma_wait3A_153] : memref<208x16xf32, #tpu.memory_space<vmem>> -> memref<16x16xf32, #tpu.memory_space<vmem>>
        %dma_wait3A_155 = arith.constant 9984 : i32
        %dma_wait3A_156 = arith.constant 0 : i32
        %dma_wait3A_157 = tpu.memref_slice %arg14[%dma_wait3A_155, %dma_wait3A_156] : memref<10000x16xf32, #tpu.memory_space<vmem_shared>> -> memref<16x16xf32, #tpu.memory_space<vmem_shared>>
        %dma_wait3A_158 = arith.constant 9984 : i32
        %dma_wait3A_159 = arith.constant 0 : i32
        %dma_wait3A_160 = tpu.memref_slice %arg14[%dma_wait3A_158, %dma_wait3A_159] : memref<10000x16xf32, #tpu.memory_space<vmem_shared>> -> memref<16x16xf32, #tpu.memory_space<vmem_shared>>
        %dma_wait3A_161 = arith.constant 0 : i32
        %dma_wait3A_162 = arith.constant 0 : i32
        %dma_wait3A_163 = tpu.memref_slice %arg12[%dma_wait3A_161, %dma_wait3A_162] : memref<208x16xf32, #tpu.memory_space<vmem>> -> memref<16x16xf32, #tpu.memory_space<vmem>>
        tpu.wait_dma2 semaphore(%run_scoped3A : memref<!tpu.dma_semaphore, #tpu.memory_space<semaphore_mem>>) src(%dma_wait3A_163 : memref<16x16xf32, #tpu.memory_space<vmem>>) dst(%dma_wait3A_160 : memref<16x16xf32, #tpu.memory_space<vmem_shared>>)
        tpu.yield
      }) : () -> ()
    } else {
    }
    %scan3A_49 = arith.constant 0 : i32
    %scan3A_50 = arith.constant 0 : i32
    %scan3A_51 = arith.constant 125 : i32
    %scan3A_52 = arith.addi %scan3A_50, %scan3A_51 : i32
    %scan3A_53 = arith.constant 1 : i32
    %scan3A_54 = scf.for %scan3A_141 = %scan3A_50 to %scan3A_52 step %scan3A_53 iter_args(%scan3A_142 = %scan3A_49) -> (i32)  : i32 {
      %broadcast_in_dim3A = arith.constant 1.000000e+00 : f32
      %broadcast_in_dim3A_143 = vector.broadcast %broadcast_in_dim3A : f32 to vector<16xf32>
      %swap3A = arith.index_cast %scan3A_141 : i32 to index
      %swap3A_144 = arith.constant 0 : index
      %swap3A_145 = tpu.vector_load %arg10[%swap3A, %swap3A_144] {strides = array<i32>} : memref<125x16xf32, #tpu.memory_space<vmem>>, vector<1x16xf32>,
      %swap3A_146 = vector.shape_cast %swap3A_145 : vector<1x16xf32> to vector<16xf32>
      %swap3A_147 = vector.shape_cast %broadcast_in_dim3A_143 : vector<16xf32> to vector<1x16xf32>
      tpu.vector_store %arg10[%swap3A, %swap3A_144], %swap3A_147 {strides = array<i32>} : memref<125x16xf32, #tpu.memory_space<vmem>>, vector<1x16xf32>,
      %scan3A_148 = arith.constant 0 : i32
      scf.yield %scan3A_148 : i32
    }
    %scan3A_55 = arith.constant 125 : i32
    %barrier3A = arith.constant 0 : index
    tpu.barrier barrier_id(%barrier3A)
    %dma_start3A = arith.constant 0 : i32
    %dma_start3A_56 = arith.constant 0 : i32
    %dma_start3A_57 = arith.constant 0 : i32
    %dma_start3A_58 = arith.constant 0 : i32
    %dma_start3A_59 = tpu.memref_slice %arg9[%dma_start3A_56, %dma_start3A_57, %dma_start3A_58] : memref<5x125x64xf32, #tpu.memory_space<vmem>> -> memref<1x125x64xf32, #tpu.memory_space<vmem>>
    %dma_start3A_60 = tpu.memref_squeeze %dma_start3A_59 : memref<1x125x64xf32, #tpu.memory_space<vmem>> -> memref<125x64xf32, #tpu.memory_space<vmem>>
    %dma_start3A_61 = arith.constant 0 : i32
    %dma_start3A_62 = tpu.memref_slice %arg7[%dma_start3A, %dma_start3A_61] : memref<80x125xi32, #tpu.memory_space<vmem>> -> memref<1x125xi32, #tpu.memory_space<vmem>>
    %dma_start3A_63 = tpu.memref_squeeze %dma_start3A_62 : memref<1x125xi32, #tpu.memory_space<vmem>> -> memref<125xi32, #tpu.memory_space<vmem>>
    %dma_start3A_64 = arith.constant 0 : i32
    %dma_start3A_65 = arith.constant 0 : i32
    %dma_start3A_66 = tpu.memref_slice %arg2[%dma_start3A_64, %dma_start3A_65] : memref<10000x64xf32, #tpu.memory_space<hbm>> -> memref<10000x64xf32, #tpu.memory_space<hbm>>
    tpu.enqueue_indirect_dma source(%dma_start3A_66 : memref<10000x64xf32, #tpu.memory_space<hbm>>) target(%dma_start3A_60 : memref<125x64xf32, #tpu.memory_space<vmem>>) offsets(%dma_start3A_63 : memref<125xi32, #tpu.memory_space<vmem>>) semaphore(%arg15 : memref<!tpu.dma_semaphore, #tpu.memory_space<semaphore_mem>>)
    %dma_start3A_67 = arith.constant 1 : i32
    %dma_start3A_68 = arith.constant 1 : i32
    %dma_start3A_69 = arith.constant 0 : i32
    %dma_start3A_70 = arith.constant 0 : i32
    %dma_start3A_71 = tpu.memref_slice %arg9[%dma_start3A_68, %dma_start3A_69, %dma_start3A_70] : memref<5x125x64xf32, #tpu.memory_space<vmem>> -> memref<1x125x64xf32, #tpu.memory_space<vmem>>
    %dma_start3A_72 = tpu.memref_squeeze %dma_start3A_71 : memref<1x125x64xf32, #tpu.memory_space<vmem>> -> memref<125x64xf32, #tpu.memory_space<vmem>>
    %dma_start3A_73 = arith.constant 0 : i32
    %dma_start3A_74 = tpu.memref_slice %arg7[%dma_start3A_67, %dma_start3A_73] : memref<80x125xi32, #tpu.memory_space<vmem>> -> memref<1x125xi32, #tpu.memory_space<vmem>>
    %dma_start3A_75 = tpu.memref_squeeze %dma_start3A_74 : memref<1x125xi32, #tpu.memory_space<vmem>> -> memref<125xi32, #tpu.memory_space<vmem>>
    %dma_start3A_76 = arith.constant 0 : i32
    %dma_start3A_77 = arith.constant 0 : i32
    %dma_start3A_78 = tpu.memref_slice %arg2[%dma_start3A_76, %dma_start3A_77] : memref<10000x64xf32, #tpu.memory_space<hbm>> -> memref<10000x64xf32, #tpu.memory_space<hbm>>
    tpu.enqueue_indirect_dma source(%dma_start3A_78 : memref<10000x64xf32, #tpu.memory_space<hbm>>) target(%dma_start3A_72 : memref<125x64xf32, #tpu.memory_space<vmem>>) offsets(%dma_start3A_75 : memref<125xi32, #tpu.memory_space<vmem>>) semaphore(%arg16 : memref<!tpu.dma_semaphore, #tpu.memory_space<semaphore_mem>>)
    %dma_start3A_79 = arith.constant 2 : i32
    %dma_start3A_80 = arith.constant 2 : i32
    %dma_start3A_81 = arith.constant 0 : i32
    %dma_start3A_82 = arith.constant 0 : i32
    %dma_start3A_83 = tpu.memref_slice %arg9[%dma_start3A_80, %dma_start3A_81, %dma_start3A_82] : memref<5x125x64xf32, #tpu.memory_space<vmem>> -> memref<1x125x64xf32, #tpu.memory_space<vmem>>
    %dma_start3A_84 = tpu.memref_squeeze %dma_start3A_83 : memref<1x125x64xf32, #tpu.memory_space<vmem>> -> memref<125x64xf32, #tpu.memory_space<vmem>>
    %dma_start3A_85 = arith.constant 0 : i32
    %dma_start3A_86 = tpu.memref_slice %arg7[%dma_start3A_79, %dma_start3A_85] : memref<80x125xi32, #tpu.memory_space<vmem>> -> memref<1x125xi32, #tpu.memory_space<vmem>>
    %dma_start3A_87 = tpu.memref_squeeze %dma_start3A_86 : memref<1x125xi32, #tpu.memory_space<vmem>> -> memref<125xi32, #tpu.memory_space<vmem>>
    %dma_start3A_88 = arith.constant 0 : i32
    %dma_start3A_89 = arith.constant 0 : i32
    %dma_start3A_90 = tpu.memref_slice %arg2[%dma_start3A_88, %dma_start3A_89] : memref<10000x64xf32, #tpu.memory_space<hbm>> -> memref<10000x64xf32, #tpu.memory_space<hbm>>
    tpu.enqueue_indirect_dma source(%dma_start3A_90 : memref<10000x64xf32, #tpu.memory_space<hbm>>) target(%dma_start3A_84 : memref<125x64xf32, #tpu.memory_space<vmem>>) offsets(%dma_start3A_87 : memref<125xi32, #tpu.memory_space<vmem>>) semaphore(%arg17 : memref<!tpu.dma_semaphore, #tpu.memory_space<semaphore_mem>>)
    %dma_start3A_91 = arith.constant 3 : i32
    %dma_start3A_92 = arith.constant 3 : i32
    %dma_start3A_93 = arith.constant 0 : i32
    %dma_start3A_94 = arith.constant 0 : i32
    %dma_start3A_95 = tpu.memref_slice %arg9[%dma_start3A_92, %dma_start3A_93, %dma_start3A_94] : memref<5x125x64xf32, #tpu.memory_space<vmem>> -> memref<1x125x64xf32, #tpu.memory_space<vmem>>
    %dma_start3A_96 = tpu.memref_squeeze %dma_start3A_95 : memref<1x125x64xf32, #tpu.memory_space<vmem>> -> memref<125x64xf32, #tpu.memory_space<vmem>>
    %dma_start3A_97 = arith.constant 0 : i32
    %dma_start3A_98 = tpu.memref_slice %arg7[%dma_start3A_91, %dma_start3A_97] : memref<80x125xi32, #tpu.memory_space<vmem>> -> memref<1x125xi32, #tpu.memory_space<vmem>>
    %dma_start3A_99 = tpu.memref_squeeze %dma_start3A_98 : memref<1x125xi32, #tpu.memory_space<vmem>> -> memref<125xi32, #tpu.memory_space<vmem>>
    %dma_start3A_100 = arith.constant 0 : i32
    %dma_start3A_101 = arith.constant 0 : i32
    %dma_start3A_102 = tpu.memref_slice %arg2[%dma_start3A_100, %dma_start3A_101] : memref<10000x64xf32, #tpu.memory_space<hbm>> -> memref<10000x64xf32, #tpu.memory_space<hbm>>
    tpu.enqueue_indirect_dma source(%dma_start3A_102 : memref<10000x64xf32, #tpu.memory_space<hbm>>) target(%dma_start3A_96 : memref<125x64xf32, #tpu.memory_space<vmem>>) offsets(%dma_start3A_99 : memref<125xi32, #tpu.memory_space<vmem>>) semaphore(%arg18 : memref<!tpu.dma_semaphore, #tpu.memory_space<semaphore_mem>>)
    %dma_start3A_103 = arith.constant 4 : i32
    %dma_start3A_104 = arith.constant 4 : i32
    %dma_start3A_105 = arith.constant 0 : i32
    %dma_start3A_106 = arith.constant 0 : i32
    %dma_start3A_107 = tpu.memref_slice %arg9[%dma_start3A_104, %dma_start3A_105, %dma_start3A_106] : memref<5x125x64xf32, #tpu.memory_space<vmem>> -> memref<1x125x64xf32, #tpu.memory_space<vmem>>
    %dma_start3A_108 = tpu.memref_squeeze %dma_start3A_107 : memref<1x125x64xf32, #tpu.memory_space<vmem>> -> memref<125x64xf32, #tpu.memory_space<vmem>>
    %dma_start3A_109 = arith.constant 0 : i32
    %dma_start3A_110 = tpu.memref_slice %arg7[%dma_start3A_103, %dma_start3A_109] : memref<80x125xi32, #tpu.memory_space<vmem>> -> memref<1x125xi32, #tpu.memory_space<vmem>>
    %dma_start3A_111 = tpu.memref_squeeze %dma_start3A_110 : memref<1x125xi32, #tpu.memory_space<vmem>> -> memref<125xi32, #tpu.memory_space<vmem>>
    %dma_start3A_112 = arith.constant 0 : i32
    %dma_start3A_113 = arith.constant 0 : i32
    %dma_start3A_114 = tpu.memref_slice %arg2[%dma_start3A_112, %dma_start3A_113] : memref<10000x64xf32, #tpu.memory_space<hbm>> -> memref<10000x64xf32, #tpu.memory_space<hbm>>
    tpu.enqueue_indirect_dma source(%dma_start3A_114 : memref<10000x64xf32, #tpu.memory_space<hbm>>) target(%dma_start3A_108 : memref<125x64xf32, #tpu.memory_space<vmem>>) offsets(%dma_start3A_111 : memref<125xi32, #tpu.memory_space<vmem>>) semaphore(%arg19 : memref<!tpu.dma_semaphore, #tpu.memory_space<semaphore_mem>>)
    %scan3A_115 = arith.constant 0 : i32
    %scan3A_116 = arith.constant 0 : i32
    %scan3A_117 = arith.constant 16 : i32
    %scan3A_118 = arith.addi %scan3A_116, %scan3A_117 : i32
    %scan3A_119 = arith.constant 1 : i32
    %scan3A_120 = scf.for %scan3A_141 = %scan3A_116 to %scan3A_118 step %scan3A_119 iter_args(%scan3A_142 = %scan3A_115) -> (i32)  : i32 {
      %mul3A_143 = arith.constant 5 : i32
      %mul3A_144 = arith.muli %scan3A_141, %mul3A_143 : i32
      %add3A_145 = arith.constant 0 : i32
      %add3A_146 = arith.addi %mul3A_144, %add3A_145 : i32
      %dma_wait3A = arith.constant 0 : i32
      %dma_wait3A_147 = arith.constant 0 : i32
      %dma_wait3A_148 = arith.constant 0 : i32
      %dma_wait3A_149 = tpu.memref_slice %arg9[%dma_wait3A, %dma_wait3A_147, %dma_wait3A_148] : memref<5x125x64xf32, #tpu.memory_space<vmem>> -> memref<1x125x64xf32, #tpu.memory_space<vmem>>
      %dma_wait3A_150 = tpu.memref_squeeze %dma_wait3A_149 : memref<1x125x64xf32, #tpu.memory_space<vmem>> -> memref<125x64xf32, #tpu.memory_space<vmem>>
      %dma_wait3A_151 = arith.constant 0 : i32
      %dma_wait3A_152 = tpu.memref_slice %arg7[%add3A_146, %dma_wait3A_151] : memref<80x125xi32, #tpu.memory_space<vmem>> -> memref<1x125xi32, #tpu.memory_space<vmem>>
      %dma_wait3A_153 = tpu.memref_squeeze %dma_wait3A_152 : memref<1x125xi32, #tpu.memory_space<vmem>> -> memref<125xi32, #tpu.memory_space<vmem>>
      %dma_wait3A_154 = arith.constant 0 : i32
      %dma_wait3A_155 = arith.constant 0 : i32
      %dma_wait3A_156 = tpu.memref_slice %arg2[%dma_wait3A_154, %dma_wait3A_155] : memref<10000x64xf32, #tpu.memory_space<hbm>> -> memref<10000x64xf32, #tpu.memory_space<hbm>>
      tpu.wait_indirect_dma semaphore(%arg15 : memref<!tpu.dma_semaphore, #tpu.memory_space<semaphore_mem>>) src(%dma_wait3A_156 : memref<10000x64xf32, #tpu.memory_space<hbm>>) dst(%dma_wait3A_150 : memref<125x64xf32, #tpu.memory_space<vmem>>)
      %run_scoped3A = arith.constant 0 : i32
      "tpu.region"() ({
        %run_scoped3A_256 = tpu.sem_alloc : memref<!tpu.dma_semaphore, #tpu.memory_space<semaphore_mem>>
        %dma_start3A_257 = arith.constant 0 : i32
        %dma_start3A_258 = arith.constant 0 : i32
        %dma_start3A_259 = tpu.memref_slice %arg9[%run_scoped3A, %dma_start3A_257, %dma_start3A_258] : memref<5x125x64xf32, #tpu.memory_space<vmem>> -> memref<1x125x64xf32, #tpu.memory_space<vmem>>
        %dma_start3A_260 = tpu.memref_squeeze %dma_start3A_259 : memref<1x125x64xf32, #tpu.memory_space<vmem>> -> memref<125x64xf32, #tpu.memory_space<vmem>>
        %dma_start3A_261 = arith.constant 0 : i32
        %dma_start3A_262 = tpu.memref_slice %arg8[%add3A_146, %dma_start3A_261] : memref<80x125xi32, #tpu.memory_space<vmem>> -> memref<1x125xi32, #tpu.memory_space<vmem>>
        %dma_start3A_263 = tpu.memref_squeeze %dma_start3A_262 : memref<1x125xi32, #tpu.memory_space<vmem>> -> memref<125xi32, #tpu.memory_space<vmem>>
        %dma_start3A_264 = arith.constant 0 : i32
        %dma_start3A_265 = arith.constant 0 : i32
        %dma_start3A_266 = tpu.memref_slice %arg13[%dma_start3A_264, %dma_start3A_265] : memref<10000x64xf32, #tpu.memory_space<vmem_shared>> -> memref<10000x64xf32, #tpu.memory_space<vmem_shared>>
        tpu.enqueue_indirect_dma source(%dma_start3A_260 : memref<125x64xf32, #tpu.memory_space<vmem>>) target(%dma_start3A_266 : memref<10000x64xf32, #tpu.memory_space<vmem_shared>>) offsets(%dma_start3A_263 : memref<125xi32, #tpu.memory_space<vmem>>) semaphore(%run_scoped3A_256 : memref<!tpu.dma_semaphore, #tpu.memory_space<semaphore_mem>>) {add = true}
        %dma_wait3A_267 = arith.constant 0 : i32
        %dma_wait3A_268 = arith.constant 0 : i32
        %dma_wait3A_269 = tpu.memref_slice %arg9[%run_scoped3A, %dma_wait3A_267, %dma_wait3A_268] : memref<5x125x64xf32, #tpu.memory_space<vmem>> -> memref<1x125x64xf32, #tpu.memory_space<vmem>>
        %dma_wait3A_270 = tpu.memref_squeeze %dma_wait3A_269 : memref<1x125x64xf32, #tpu.memory_space<vmem>> -> memref<125x64xf32, #tpu.memory_space<vmem>>
        %dma_wait3A_271 = arith.constant 0 : i32
        %dma_wait3A_272 = tpu.memref_slice %arg8[%add3A_146, %dma_wait3A_271] : memref<80x125xi32, #tpu.memory_space<vmem>> -> memref<1x125xi32, #tpu.memory_space<vmem>>
        %dma_wait3A_273 = tpu.memref_squeeze %dma_wait3A_272 : memref<1x125xi32, #tpu.memory_space<vmem>> -> memref<125xi32, #tpu.memory_space<vmem>>
        %dma_wait3A_274 = arith.constant 0 : i32
        %dma_wait3A_275 = arith.constant 0 : i32
        %dma_wait3A_276 = tpu.memref_slice %arg13[%dma_wait3A_274, %dma_wait3A_275] : memref<10000x64xf32, #tpu.memory_space<vmem_shared>> -> memref<10000x64xf32, #tpu.memory_space<vmem_shared>>
        tpu.wait_indirect_dma semaphore(%run_scoped3A_256 : memref<!tpu.dma_semaphore, #tpu.memory_space<semaphore_mem>>) src(%dma_wait3A_270 : memref<125x64xf32, #tpu.memory_space<vmem>>) dst(%dma_wait3A_276 : memref<10000x64xf32, #tpu.memory_space<vmem_shared>>)
        tpu.yield
      }) : () -> ()
      "tpu.region"() ({
        %run_scoped3A_256 = tpu.sem_alloc : memref<!tpu.dma_semaphore, #tpu.memory_space<semaphore_mem>>
        %dma_start3A_257 = arith.constant 0 : i32
        %dma_start3A_258 = tpu.memref_slice %arg8[%add3A_146, %dma_start3A_257] : memref<80x125xi32, #tpu.memory_space<vmem>> -> memref<1x125xi32, #tpu.memory_space<vmem>>
        %dma_start3A_259 = tpu.memref_squeeze %dma_start3A_258 : memref<1x125xi32, #tpu.memory_space<vmem>> -> memref<125xi32, #tpu.memory_space<vmem>>
        %dma_start3A_260 = arith.constant 0 : i32
        %dma_start3A_261 = arith.constant 0 : i32
        %dma_start3A_262 = tpu.memref_slice %arg14[%dma_start3A_260, %dma_start3A_261] : memref<10000x16xf32, #tpu.memory_space<vmem_shared>> -> memref<10000x16xf32, #tpu.memory_space<vmem_shared>>
        tpu.enqueue_indirect_dma source(%arg10 : memref<125x16xf32, #tpu.memory_space<vmem>>) target(%dma_start3A_262 : memref<10000x16xf32, #tpu.memory_space<vmem_shared>>) offsets(%dma_start3A_259 : memref<125xi32, #tpu.memory_space<vmem>>) semaphore(%run_scoped3A_256 : memref<!tpu.dma_semaphore, #tpu.memory_space<semaphore_mem>>) {add = true}
        %dma_wait3A_263 = arith.constant 0 : i32
        %dma_wait3A_264 = tpu.memref_slice %arg8[%add3A_146, %dma_wait3A_263] : memref<80x125xi32, #tpu.memory_space<vmem>> -> memref<1x125xi32, #tpu.memory_space<vmem>>
        %dma_wait3A_265 = tpu.memref_squeeze %dma_wait3A_264 : memref<1x125xi32, #tpu.memory_space<vmem>> -> memref<125xi32, #tpu.memory_space<vmem>>
        %dma_wait3A_266 = arith.constant 0 : i32
        %dma_wait3A_267 = arith.constant 0 : i32
        %dma_wait3A_268 = tpu.memref_slice %arg14[%dma_wait3A_266, %dma_wait3A_267] : memref<10000x16xf32, #tpu.memory_space<vmem_shared>> -> memref<10000x16xf32, #tpu.memory_space<vmem_shared>>
        tpu.wait_indirect_dma semaphore(%run_scoped3A_256 : memref<!tpu.dma_semaphore, #tpu.memory_space<semaphore_mem>>) src(%arg10 : memref<125x16xf32, #tpu.memory_space<vmem>>) dst(%dma_wait3A_268 : memref<10000x16xf32, #tpu.memory_space<vmem_shared>>)
        tpu.yield
      }) : () -> ()
      %add3A_157 = arith.constant 5 : i32
      %add3A_158 = arith.addi %add3A_146, %add3A_157 : i32
      %lt3A = arith.constant 80 : i32
      %lt3A_159 = arith.cmpi slt, %add3A_158, %lt3A : i32
      %convert_element_type3A_160 = arith.extui %lt3A_159 : i1 to i32
      %cond3A_161 = arith.constant 0 : i32
      %cond3A_162 = arith.cmpi ne, %convert_element_type3A_160, %cond3A_161 : i32
      scf.if %cond3A_162 {
        %add3A_256 = arith.constant 5 : i32
        %add3A_257 = arith.addi %add3A_146, %add3A_256 : i32
        %dma_start3A_258 = arith.constant 0 : i32
        %dma_start3A_259 = arith.constant 0 : i32
        %dma_start3A_260 = arith.constant 0 : i32
        %dma_start3A_261 = tpu.memref_slice %arg9[%dma_start3A_258, %dma_start3A_259, %dma_start3A_260] : memref<5x125x64xf32, #tpu.memory_space<vmem>> -> memref<1x125x64xf32, #tpu.memory_space<vmem>>
        %dma_start3A_262 = tpu.memref_squeeze %dma_start3A_261 : memref<1x125x64xf32, #tpu.memory_space<vmem>> -> memref<125x64xf32, #tpu.memory_space<vmem>>
        %dma_start3A_263 = arith.constant 0 : i32
        %dma_start3A_264 = tpu.memref_slice %arg7[%add3A_257, %dma_start3A_263] : memref<80x125xi32, #tpu.memory_space<vmem>> -> memref<1x125xi32, #tpu.memory_space<vmem>>
        %dma_start3A_265 = tpu.memref_squeeze %dma_start3A_264 : memref<1x125xi32, #tpu.memory_space<vmem>> -> memref<125xi32, #tpu.memory_space<vmem>>
        %dma_start3A_266 = arith.constant 0 : i32
        %dma_start3A_267 = arith.constant 0 : i32
        %dma_start3A_268 = tpu.memref_slice %arg2[%dma_start3A_266, %dma_start3A_267] : memref<10000x64xf32, #tpu.memory_space<hbm>> -> memref<10000x64xf32, #tpu.memory_space<hbm>>
        tpu.enqueue_indirect_dma source(%dma_start3A_268 : memref<10000x64xf32, #tpu.memory_space<hbm>>) target(%dma_start3A_262 : memref<125x64xf32, #tpu.memory_space<vmem>>) offsets(%dma_start3A_265 : memref<125xi32, #tpu.memory_space<vmem>>) semaphore(%arg15 : memref<!tpu.dma_semaphore, #tpu.memory_space<semaphore_mem>>)
      } else {
      }
      %mul3A_163 = arith.constant 5 : i32
      %mul3A_164 = arith.muli %scan3A_141, %mul3A_163 : i32
      %add3A_165 = arith.constant 1 : i32
      %add3A_166 = arith.addi %mul3A_164, %add3A_165 : i32
      %dma_wait3A_167 = arith.constant 1 : i32
      %dma_wait3A_168 = arith.constant 0 : i32
      %dma_wait3A_169 = arith.constant 0 : i32
      %dma_wait3A_170 = tpu.memref_slice %arg9[%dma_wait3A_167, %dma_wait3A_168, %dma_wait3A_169] : memref<5x125x64xf32, #tpu.memory_space<vmem>> -> memref<1x125x64xf32, #tpu.memory_space<vmem>>
      %dma_wait3A_171 = tpu.memref_squeeze %dma_wait3A_170 : memref<1x125x64xf32, #tpu.memory_space<vmem>> -> memref<125x64xf32, #tpu.memory_space<vmem>>
      %dma_wait3A_172 = arith.constant 0 : i32
      %dma_wait3A_173 = tpu.memref_slice %arg7[%add3A_166, %dma_wait3A_172] : memref<80x125xi32, #tpu.memory_space<vmem>> -> memref<1x125xi32, #tpu.memory_space<vmem>>
      %dma_wait3A_174 = tpu.memref_squeeze %dma_wait3A_173 : memref<1x125xi32, #tpu.memory_space<vmem>> -> memref<125xi32, #tpu.memory_space<vmem>>
      %dma_wait3A_175 = arith.constant 0 : i32
      %dma_wait3A_176 = arith.constant 0 : i32
      %dma_wait3A_177 = tpu.memref_slice %arg2[%dma_wait3A_175, %dma_wait3A_176] : memref<10000x64xf32, #tpu.memory_space<hbm>> -> memref<10000x64xf32, #tpu.memory_space<hbm>>
      tpu.wait_indirect_dma semaphore(%arg16 : memref<!tpu.dma_semaphore, #tpu.memory_space<semaphore_mem>>) src(%dma_wait3A_177 : memref<10000x64xf32, #tpu.memory_space<hbm>>) dst(%dma_wait3A_171 : memref<125x64xf32, #tpu.memory_space<vmem>>)
      %run_scoped3A_178 = arith.constant 1 : i32
      "tpu.region"() ({
        %run_scoped3A_256 = tpu.sem_alloc : memref<!tpu.dma_semaphore, #tpu.memory_space<semaphore_mem>>
        %dma_start3A_257 = arith.constant 0 : i32
        %dma_start3A_258 = arith.constant 0 : i32
        %dma_start3A_259 = tpu.memref_slice %arg9[%run_scoped3A_178, %dma_start3A_257, %dma_start3A_258] : memref<5x125x64xf32, #tpu.memory_space<vmem>> -> memref<1x125x64xf32, #tpu.memory_space<vmem>>
        %dma_start3A_260 = tpu.memref_squeeze %dma_start3A_259 : memref<1x125x64xf32, #tpu.memory_space<vmem>> -> memref<125x64xf32, #tpu.memory_space<vmem>>
        %dma_start3A_261 = arith.constant 0 : i32
        %dma_start3A_262 = tpu.memref_slice %arg8[%add3A_166, %dma_start3A_261] : memref<80x125xi32, #tpu.memory_space<vmem>> -> memref<1x125xi32, #tpu.memory_space<vmem>>
        %dma_start3A_263 = tpu.memref_squeeze %dma_start3A_262 : memref<1x125xi32, #tpu.memory_space<vmem>> -> memref<125xi32, #tpu.memory_space<vmem>>
        %dma_start3A_264 = arith.constant 0 : i32
        %dma_start3A_265 = arith.constant 0 : i32
        %dma_start3A_266 = tpu.memref_slice %arg13[%dma_start3A_264, %dma_start3A_265] : memref<10000x64xf32, #tpu.memory_space<vmem_shared>> -> memref<10000x64xf32, #tpu.memory_space<vmem_shared>>
        tpu.enqueue_indirect_dma source(%dma_start3A_260 : memref<125x64xf32, #tpu.memory_space<vmem>>) target(%dma_start3A_266 : memref<10000x64xf32, #tpu.memory_space<vmem_shared>>) offsets(%dma_start3A_263 : memref<125xi32, #tpu.memory_space<vmem>>) semaphore(%run_scoped3A_256 : memref<!tpu.dma_semaphore, #tpu.memory_space<semaphore_mem>>) {add = true}
        %dma_wait3A_267 = arith.constant 0 : i32
        %dma_wait3A_268 = arith.constant 0 : i32
        %dma_wait3A_269 = tpu.memref_slice %arg9[%run_scoped3A_178, %dma_wait3A_267, %dma_wait3A_268] : memref<5x125x64xf32, #tpu.memory_space<vmem>> -> memref<1x125x64xf32, #tpu.memory_space<vmem>>
        %dma_wait3A_270 = tpu.memref_squeeze %dma_wait3A_269 : memref<1x125x64xf32, #tpu.memory_space<vmem>> -> memref<125x64xf32, #tpu.memory_space<vmem>>
        %dma_wait3A_271 = arith.constant 0 : i32
        %dma_wait3A_272 = tpu.memref_slice %arg8[%add3A_166, %dma_wait3A_271] : memref<80x125xi32, #tpu.memory_space<vmem>> -> memref<1x125xi32, #tpu.memory_space<vmem>>
        %dma_wait3A_273 = tpu.memref_squeeze %dma_wait3A_272 : memref<1x125xi32, #tpu.memory_space<vmem>> -> memref<125xi32, #tpu.memory_space<vmem>>
        %dma_wait3A_274 = arith.constant 0 : i32
        %dma_wait3A_275 = arith.constant 0 : i32
        %dma_wait3A_276 = tpu.memref_slice %arg13[%dma_wait3A_274, %dma_wait3A_275] : memref<10000x64xf32, #tpu.memory_space<vmem_shared>> -> memref<10000x64xf32, #tpu.memory_space<vmem_shared>>
        tpu.wait_indirect_dma semaphore(%run_scoped3A_256 : memref<!tpu.dma_semaphore, #tpu.memory_space<semaphore_mem>>) src(%dma_wait3A_270 : memref<125x64xf32, #tpu.memory_space<vmem>>) dst(%dma_wait3A_276 : memref<10000x64xf32, #tpu.memory_space<vmem_shared>>)
        tpu.yield
      }) : () -> ()
      "tpu.region"() ({
        %run_scoped3A_256 = tpu.sem_alloc : memref<!tpu.dma_semaphore, #tpu.memory_space<semaphore_mem>>
        %dma_start3A_257 = arith.constant 0 : i32
        %dma_start3A_258 = tpu.memref_slice %arg8[%add3A_166, %dma_start3A_257] : memref<80x125xi32, #tpu.memory_space<vmem>> -> memref<1x125xi32, #tpu.memory_space<vmem>>
        %dma_start3A_259 = tpu.memref_squeeze %dma_start3A_258 : memref<1x125xi32, #tpu.memory_space<vmem>> -> memref<125xi32, #tpu.memory_space<vmem>>
        %dma_start3A_260 = arith.constant 0 : i32
        %dma_start3A_261 = arith.constant 0 : i32
        %dma_start3A_262 = tpu.memref_slice %arg14[%dma_start3A_260, %dma_start3A_261] : memref<10000x16xf32, #tpu.memory_space<vmem_shared>> -> memref<10000x16xf32, #tpu.memory_space<vmem_shared>>
        tpu.enqueue_indirect_dma source(%arg10 : memref<125x16xf32, #tpu.memory_space<vmem>>) target(%dma_start3A_262 : memref<10000x16xf32, #tpu.memory_space<vmem_shared>>) offsets(%dma_start3A_259 : memref<125xi32, #tpu.memory_space<vmem>>) semaphore(%run_scoped3A_256 : memref<!tpu.dma_semaphore, #tpu.memory_space<semaphore_mem>>) {add = true}
        %dma_wait3A_263 = arith.constant 0 : i32
        %dma_wait3A_264 = tpu.memref_slice %arg8[%add3A_166, %dma_wait3A_263] : memref<80x125xi32, #tpu.memory_space<vmem>> -> memref<1x125xi32, #tpu.memory_space<vmem>>
        %dma_wait3A_265 = tpu.memref_squeeze %dma_wait3A_264 : memref<1x125xi32, #tpu.memory_space<vmem>> -> memref<125xi32, #tpu.memory_space<vmem>>
        %dma_wait3A_266 = arith.constant 0 : i32
        %dma_wait3A_267 = arith.constant 0 : i32
        %dma_wait3A_268 = tpu.memref_slice %arg14[%dma_wait3A_266, %dma_wait3A_267] : memref<10000x16xf32, #tpu.memory_space<vmem_shared>> -> memref<10000x16xf32, #tpu.memory_space<vmem_shared>>
        tpu.wait_indirect_dma semaphore(%run_scoped3A_256 : memref<!tpu.dma_semaphore, #tpu.memory_space<semaphore_mem>>) src(%arg10 : memref<125x16xf32, #tpu.memory_space<vmem>>) dst(%dma_wait3A_268 : memref<10000x16xf32, #tpu.memory_space<vmem_shared>>)
        tpu.yield
      }) : () -> ()
      %add3A_179 = arith.constant 5 : i32
      %add3A_180 = arith.addi %add3A_166, %add3A_179 : i32
      %lt3A_181 = arith.constant 80 : i32
      %lt3A_182 = arith.cmpi slt, %add3A_180, %lt3A_181 : i32
      %convert_element_type3A_183 = arith.extui %lt3A_182 : i1 to i32
      %cond3A_184 = arith.constant 0 : i32
      %cond3A_185 = arith.cmpi ne, %convert_element_type3A_183, %cond3A_184 : i32
      scf.if %cond3A_185 {
        %add3A_256 = arith.constant 5 : i32
        %add3A_257 = arith.addi %add3A_166, %add3A_256 : i32
        %dma_start3A_258 = arith.constant 1 : i32
        %dma_start3A_259 = arith.constant 0 : i32
        %dma_start3A_260 = arith.constant 0 : i32
        %dma_start3A_261 = tpu.memref_slice %arg9[%dma_start3A_258, %dma_start3A_259, %dma_start3A_260] : memref<5x125x64xf32, #tpu.memory_space<vmem>> -> memref<1x125x64xf32, #tpu.memory_space<vmem>>
        %dma_start3A_262 = tpu.memref_squeeze %dma_start3A_261 : memref<1x125x64xf32, #tpu.memory_space<vmem>> -> memref<125x64xf32, #tpu.memory_space<vmem>>
        %dma_start3A_263 = arith.constant 0 : i32
        %dma_start3A_264 = tpu.memref_slice %arg7[%add3A_257, %dma_start3A_263] : memref<80x125xi32, #tpu.memory_space<vmem>> -> memref<1x125xi32, #tpu.memory_space<vmem>>
        %dma_start3A_265 = tpu.memref_squeeze %dma_start3A_264 : memref<1x125xi32, #tpu.memory_space<vmem>> -> memref<125xi32, #tpu.memory_space<vmem>>
        %dma_start3A_266 = arith.constant 0 : i32
        %dma_start3A_267 = arith.constant 0 : i32
        %dma_start3A_268 = tpu.memref_slice %arg2[%dma_start3A_266, %dma_start3A_267] : memref<10000x64xf32, #tpu.memory_space<hbm>> -> memref<10000x64xf32, #tpu.memory_space<hbm>>
        tpu.enqueue_indirect_dma source(%dma_start3A_268 : memref<10000x64xf32, #tpu.memory_space<hbm>>) target(%dma_start3A_262 : memref<125x64xf32, #tpu.memory_space<vmem>>) offsets(%dma_start3A_265 : memref<125xi32, #tpu.memory_space<vmem>>) semaphore(%arg16 : memref<!tpu.dma_semaphore, #tpu.memory_space<semaphore_mem>>)
      } else {
      }
      %mul3A_186 = arith.constant 5 : i32
      %mul3A_187 = arith.muli %scan3A_141, %mul3A_186 : i32
      %add3A_188 = arith.constant 2 : i32
      %add3A_189 = arith.addi %mul3A_187, %add3A_188 : i32
      %dma_wait3A_190 = arith.constant 2 : i32
      %dma_wait3A_191 = arith.constant 0 : i32
      %dma_wait3A_192 = arith.constant 0 : i32
      %dma_wait3A_193 = tpu.memref_slice %arg9[%dma_wait3A_190, %dma_wait3A_191, %dma_wait3A_192] : memref<5x125x64xf32, #tpu.memory_space<vmem>> -> memref<1x125x64xf32, #tpu.memory_space<vmem>>
      %dma_wait3A_194 = tpu.memref_squeeze %dma_wait3A_193 : memref<1x125x64xf32, #tpu.memory_space<vmem>> -> memref<125x64xf32, #tpu.memory_space<vmem>>
      %dma_wait3A_195 = arith.constant 0 : i32
      %dma_wait3A_196 = tpu.memref_slice %arg7[%add3A_189, %dma_wait3A_195] : memref<80x125xi32, #tpu.memory_space<vmem>> -> memref<1x125xi32, #tpu.memory_space<vmem>>
      %dma_wait3A_197 = tpu.memref_squeeze %dma_wait3A_196 : memref<1x125xi32, #tpu.memory_space<vmem>> -> memref<125xi32, #tpu.memory_space<vmem>>
      %dma_wait3A_198 = arith.constant 0 : i32
      %dma_wait3A_199 = arith.constant 0 : i32
      %dma_wait3A_200 = tpu.memref_slice %arg2[%dma_wait3A_198, %dma_wait3A_199] : memref<10000x64xf32, #tpu.memory_space<hbm>> -> memref<10000x64xf32, #tpu.memory_space<hbm>>
      tpu.wait_indirect_dma semaphore(%arg17 : memref<!tpu.dma_semaphore, #tpu.memory_space<semaphore_mem>>) src(%dma_wait3A_200 : memref<10000x64xf32, #tpu.memory_space<hbm>>) dst(%dma_wait3A_194 : memref<125x64xf32, #tpu.memory_space<vmem>>)
      %run_scoped3A_201 = arith.constant 2 : i32
      "tpu.region"() ({
        %run_scoped3A_256 = tpu.sem_alloc : memref<!tpu.dma_semaphore, #tpu.memory_space<semaphore_mem>>
        %dma_start3A_257 = arith.constant 0 : i32
        %dma_start3A_258 = arith.constant 0 : i32
        %dma_start3A_259 = tpu.memref_slice %arg9[%run_scoped3A_201, %dma_start3A_257, %dma_start3A_258] : memref<5x125x64xf32, #tpu.memory_space<vmem>> -> memref<1x125x64xf32, #tpu.memory_space<vmem>>
        %dma_start3A_260 = tpu.memref_squeeze %dma_start3A_259 : memref<1x125x64xf32, #tpu.memory_space<vmem>> -> memref<125x64xf32, #tpu.memory_space<vmem>>
        %dma_start3A_261 = arith.constant 0 : i32
        %dma_start3A_262 = tpu.memref_slice %arg8[%add3A_189, %dma_start3A_261] : memref<80x125xi32, #tpu.memory_space<vmem>> -> memref<1x125xi32, #tpu.memory_space<vmem>>
        %dma_start3A_263 = tpu.memref_squeeze %dma_start3A_262 : memref<1x125xi32, #tpu.memory_space<vmem>> -> memref<125xi32, #tpu.memory_space<vmem>>
        %dma_start3A_264 = arith.constant 0 : i32
        %dma_start3A_265 = arith.constant 0 : i32
        %dma_start3A_266 = tpu.memref_slice %arg13[%dma_start3A_264, %dma_start3A_265] : memref<10000x64xf32, #tpu.memory_space<vmem_shared>> -> memref<10000x64xf32, #tpu.memory_space<vmem_shared>>
        tpu.enqueue_indirect_dma source(%dma_start3A_260 : memref<125x64xf32, #tpu.memory_space<vmem>>) target(%dma_start3A_266 : memref<10000x64xf32, #tpu.memory_space<vmem_shared>>) offsets(%dma_start3A_263 : memref<125xi32, #tpu.memory_space<vmem>>) semaphore(%run_scoped3A_256 : memref<!tpu.dma_semaphore, #tpu.memory_space<semaphore_mem>>) {add = true}
        %dma_wait3A_267 = arith.constant 0 : i32
        %dma_wait3A_268 = arith.constant 0 : i32
        %dma_wait3A_269 = tpu.memref_slice %arg9[%run_scoped3A_201, %dma_wait3A_267, %dma_wait3A_268] : memref<5x125x64xf32, #tpu.memory_space<vmem>> -> memref<1x125x64xf32, #tpu.memory_space<vmem>>
        %dma_wait3A_270 = tpu.memref_squeeze %dma_wait3A_269 : memref<1x125x64xf32, #tpu.memory_space<vmem>> -> memref<125x64xf32, #tpu.memory_space<vmem>>
        %dma_wait3A_271 = arith.constant 0 : i32
        %dma_wait3A_272 = tpu.memref_slice %arg8[%add3A_189, %dma_wait3A_271] : memref<80x125xi32, #tpu.memory_space<vmem>> -> memref<1x125xi32, #tpu.memory_space<vmem>>
        %dma_wait3A_273 = tpu.memref_squeeze %dma_wait3A_272 : memref<1x125xi32, #tpu.memory_space<vmem>> -> memref<125xi32, #tpu.memory_space<vmem>>
        %dma_wait3A_274 = arith.constant 0 : i32
        %dma_wait3A_275 = arith.constant 0 : i32
        %dma_wait3A_276 = tpu.memref_slice %arg13[%dma_wait3A_274, %dma_wait3A_275] : memref<10000x64xf32, #tpu.memory_space<vmem_shared>> -> memref<10000x64xf32, #tpu.memory_space<vmem_shared>>
        tpu.wait_indirect_dma semaphore(%run_scoped3A_256 : memref<!tpu.dma_semaphore, #tpu.memory_space<semaphore_mem>>) src(%dma_wait3A_270 : memref<125x64xf32, #tpu.memory_space<vmem>>) dst(%dma_wait3A_276 : memref<10000x64xf32, #tpu.memory_space<vmem_shared>>)
        tpu.yield
      }) : () -> ()
      "tpu.region"() ({
        %run_scoped3A_256 = tpu.sem_alloc : memref<!tpu.dma_semaphore, #tpu.memory_space<semaphore_mem>>
        %dma_start3A_257 = arith.constant 0 : i32
        %dma_start3A_258 = tpu.memref_slice %arg8[%add3A_189, %dma_start3A_257] : memref<80x125xi32, #tpu.memory_space<vmem>> -> memref<1x125xi32, #tpu.memory_space<vmem>>
        %dma_start3A_259 = tpu.memref_squeeze %dma_start3A_258 : memref<1x125xi32, #tpu.memory_space<vmem>> -> memref<125xi32, #tpu.memory_space<vmem>>
        %dma_start3A_260 = arith.constant 0 : i32
        %dma_start3A_261 = arith.constant 0 : i32
        %dma_start3A_262 = tpu.memref_slice %arg14[%dma_start3A_260, %dma_start3A_261] : memref<10000x16xf32, #tpu.memory_space<vmem_shared>> -> memref<10000x16xf32, #tpu.memory_space<vmem_shared>>
        tpu.enqueue_indirect_dma source(%arg10 : memref<125x16xf32, #tpu.memory_space<vmem>>) target(%dma_start3A_262 : memref<10000x16xf32, #tpu.memory_space<vmem_shared>>) offsets(%dma_start3A_259 : memref<125xi32, #tpu.memory_space<vmem>>) semaphore(%run_scoped3A_256 : memref<!tpu.dma_semaphore, #tpu.memory_space<semaphore_mem>>) {add = true}
        %dma_wait3A_263 = arith.constant 0 : i32
        %dma_wait3A_264 = tpu.memref_slice %arg8[%add3A_189, %dma_wait3A_263] : memref<80x125xi32, #tpu.memory_space<vmem>> -> memref<1x125xi32, #tpu.memory_space<vmem>>
        %dma_wait3A_265 = tpu.memref_squeeze %dma_wait3A_264 : memref<1x125xi32, #tpu.memory_space<vmem>> -> memref<125xi32, #tpu.memory_space<vmem>>
        %dma_wait3A_266 = arith.constant 0 : i32
        %dma_wait3A_267 = arith.constant 0 : i32
        %dma_wait3A_268 = tpu.memref_slice %arg14[%dma_wait3A_266, %dma_wait3A_267] : memref<10000x16xf32, #tpu.memory_space<vmem_shared>> -> memref<10000x16xf32, #tpu.memory_space<vmem_shared>>
        tpu.wait_indirect_dma semaphore(%run_scoped3A_256 : memref<!tpu.dma_semaphore, #tpu.memory_space<semaphore_mem>>) src(%arg10 : memref<125x16xf32, #tpu.memory_space<vmem>>) dst(%dma_wait3A_268 : memref<10000x16xf32, #tpu.memory_space<vmem_shared>>)
        tpu.yield
      }) : () -> ()
      %add3A_202 = arith.constant 5 : i32
      %add3A_203 = arith.addi %add3A_189, %add3A_202 : i32
      %lt3A_204 = arith.constant 80 : i32
      %lt3A_205 = arith.cmpi slt, %add3A_203, %lt3A_204 : i32
      %convert_element_type3A_206 = arith.extui %lt3A_205 : i1 to i32
      %cond3A_207 = arith.constant 0 : i32
      %cond3A_208 = arith.cmpi ne, %convert_element_type3A_206, %cond3A_207 : i32
      scf.if %cond3A_208 {
        %add3A_256 = arith.constant 5 : i32
        %add3A_257 = arith.addi %add3A_189, %add3A_256 : i32
        %dma_start3A_258 = arith.constant 2 : i32
        %dma_start3A_259 = arith.constant 0 : i32
        %dma_start3A_260 = arith.constant 0 : i32
        %dma_start3A_261 = tpu.memref_slice %arg9[%dma_start3A_258, %dma_start3A_259, %dma_start3A_260] : memref<5x125x64xf32, #tpu.memory_space<vmem>> -> memref<1x125x64xf32, #tpu.memory_space<vmem>>
        %dma_start3A_262 = tpu.memref_squeeze %dma_start3A_261 : memref<1x125x64xf32, #tpu.memory_space<vmem>> -> memref<125x64xf32, #tpu.memory_space<vmem>>
        %dma_start3A_263 = arith.constant 0 : i32
        %dma_start3A_264 = tpu.memref_slice %arg7[%add3A_257, %dma_start3A_263] : memref<80x125xi32, #tpu.memory_space<vmem>> -> memref<1x125xi32, #tpu.memory_space<vmem>>
        %dma_start3A_265 = tpu.memref_squeeze %dma_start3A_264 : memref<1x125xi32, #tpu.memory_space<vmem>> -> memref<125xi32, #tpu.memory_space<vmem>>
        %dma_start3A_266 = arith.constant 0 : i32
        %dma_start3A_267 = arith.constant 0 : i32
        %dma_start3A_268 = tpu.memref_slice %arg2[%dma_start3A_266, %dma_start3A_267] : memref<10000x64xf32, #tpu.memory_space<hbm>> -> memref<10000x64xf32, #tpu.memory_space<hbm>>
        tpu.enqueue_indirect_dma source(%dma_start3A_268 : memref<10000x64xf32, #tpu.memory_space<hbm>>) target(%dma_start3A_262 : memref<125x64xf32, #tpu.memory_space<vmem>>) offsets(%dma_start3A_265 : memref<125xi32, #tpu.memory_space<vmem>>) semaphore(%arg17 : memref<!tpu.dma_semaphore, #tpu.memory_space<semaphore_mem>>)
      } else {
      }
      %mul3A_209 = arith.constant 5 : i32
      %mul3A_210 = arith.muli %scan3A_141, %mul3A_209 : i32
      %add3A_211 = arith.constant 3 : i32
      %add3A_212 = arith.addi %mul3A_210, %add3A_211 : i32
      %dma_wait3A_213 = arith.constant 3 : i32
      %dma_wait3A_214 = arith.constant 0 : i32
      %dma_wait3A_215 = arith.constant 0 : i32
      %dma_wait3A_216 = tpu.memref_slice %arg9[%dma_wait3A_213, %dma_wait3A_214, %dma_wait3A_215] : memref<5x125x64xf32, #tpu.memory_space<vmem>> -> memref<1x125x64xf32, #tpu.memory_space<vmem>>
      %dma_wait3A_217 = tpu.memref_squeeze %dma_wait3A_216 : memref<1x125x64xf32, #tpu.memory_space<vmem>> -> memref<125x64xf32, #tpu.memory_space<vmem>>
      %dma_wait3A_218 = arith.constant 0 : i32
      %dma_wait3A_219 = tpu.memref_slice %arg7[%add3A_212, %dma_wait3A_218] : memref<80x125xi32, #tpu.memory_space<vmem>> -> memref<1x125xi32, #tpu.memory_space<vmem>>
      %dma_wait3A_220 = tpu.memref_squeeze %dma_wait3A_219 : memref<1x125xi32, #tpu.memory_space<vmem>> -> memref<125xi32, #tpu.memory_space<vmem>>
      %dma_wait3A_221 = arith.constant 0 : i32
      %dma_wait3A_222 = arith.constant 0 : i32
      %dma_wait3A_223 = tpu.memref_slice %arg2[%dma_wait3A_221, %dma_wait3A_222] : memref<10000x64xf32, #tpu.memory_space<hbm>> -> memref<10000x64xf32, #tpu.memory_space<hbm>>
      tpu.wait_indirect_dma semaphore(%arg18 : memref<!tpu.dma_semaphore, #tpu.memory_space<semaphore_mem>>) src(%dma_wait3A_223 : memref<10000x64xf32, #tpu.memory_space<hbm>>) dst(%dma_wait3A_217 : memref<125x64xf32, #tpu.memory_space<vmem>>)
      %run_scoped3A_224 = arith.constant 3 : i32
      "tpu.region"() ({
        %run_scoped3A_256 = tpu.sem_alloc : memref<!tpu.dma_semaphore, #tpu.memory_space<semaphore_mem>>
        %dma_start3A_257 = arith.constant 0 : i32
        %dma_start3A_258 = arith.constant 0 : i32
        %dma_start3A_259 = tpu.memref_slice %arg9[%run_scoped3A_224, %dma_start3A_257, %dma_start3A_258] : memref<5x125x64xf32, #tpu.memory_space<vmem>> -> memref<1x125x64xf32, #tpu.memory_space<vmem>>
        %dma_start3A_260 = tpu.memref_squeeze %dma_start3A_259 : memref<1x125x64xf32, #tpu.memory_space<vmem>> -> memref<125x64xf32, #tpu.memory_space<vmem>>
        %dma_start3A_261 = arith.constant 0 : i32
        %dma_start3A_262 = tpu.memref_slice %arg8[%add3A_212, %dma_start3A_261] : memref<80x125xi32, #tpu.memory_space<vmem>> -> memref<1x125xi32, #tpu.memory_space<vmem>>
        %dma_start3A_263 = tpu.memref_squeeze %dma_start3A_262 : memref<1x125xi32, #tpu.memory_space<vmem>> -> memref<125xi32, #tpu.memory_space<vmem>>
        %dma_start3A_264 = arith.constant 0 : i32
        %dma_start3A_265 = arith.constant 0 : i32
        %dma_start3A_266 = tpu.memref_slice %arg13[%dma_start3A_264, %dma_start3A_265] : memref<10000x64xf32, #tpu.memory_space<vmem_shared>> -> memref<10000x64xf32, #tpu.memory_space<vmem_shared>>
        tpu.enqueue_indirect_dma source(%dma_start3A_260 : memref<125x64xf32, #tpu.memory_space<vmem>>) target(%dma_start3A_266 : memref<10000x64xf32, #tpu.memory_space<vmem_shared>>) offsets(%dma_start3A_263 : memref<125xi32, #tpu.memory_space<vmem>>) semaphore(%run_scoped3A_256 : memref<!tpu.dma_semaphore, #tpu.memory_space<semaphore_mem>>) {add = true}
        %dma_wait3A_267 = arith.constant 0 : i32
        %dma_wait3A_268 = arith.constant 0 : i32
        %dma_wait3A_269 = tpu.memref_slice %arg9[%run_scoped3A_224, %dma_wait3A_267, %dma_wait3A_268] : memref<5x125x64xf32, #tpu.memory_space<vmem>> -> memref<1x125x64xf32, #tpu.memory_space<vmem>>
        %dma_wait3A_270 = tpu.memref_squeeze %dma_wait3A_269 : memref<1x125x64xf32, #tpu.memory_space<vmem>> -> memref<125x64xf32, #tpu.memory_space<vmem>>
        %dma_wait3A_271 = arith.constant 0 : i32
        %dma_wait3A_272 = tpu.memref_slice %arg8[%add3A_212, %dma_wait3A_271] : memref<80x125xi32, #tpu.memory_space<vmem>> -> memref<1x125xi32, #tpu.memory_space<vmem>>
        %dma_wait3A_273 = tpu.memref_squeeze %dma_wait3A_272 : memref<1x125xi32, #tpu.memory_space<vmem>> -> memref<125xi32, #tpu.memory_space<vmem>>
        %dma_wait3A_274 = arith.constant 0 : i32
        %dma_wait3A_275 = arith.constant 0 : i32
        %dma_wait3A_276 = tpu.memref_slice %arg13[%dma_wait3A_274, %dma_wait3A_275] : memref<10000x64xf32, #tpu.memory_space<vmem_shared>> -> memref<10000x64xf32, #tpu.memory_space<vmem_shared>>
        tpu.wait_indirect_dma semaphore(%run_scoped3A_256 : memref<!tpu.dma_semaphore, #tpu.memory_space<semaphore_mem>>) src(%dma_wait3A_270 : memref<125x64xf32, #tpu.memory_space<vmem>>) dst(%dma_wait3A_276 : memref<10000x64xf32, #tpu.memory_space<vmem_shared>>)
        tpu.yield
      }) : () -> ()
      "tpu.region"() ({
        %run_scoped3A_256 = tpu.sem_alloc : memref<!tpu.dma_semaphore, #tpu.memory_space<semaphore_mem>>
        %dma_start3A_257 = arith.constant 0 : i32
        %dma_start3A_258 = tpu.memref_slice %arg8[%add3A_212, %dma_start3A_257] : memref<80x125xi32, #tpu.memory_space<vmem>> -> memref<1x125xi32, #tpu.memory_space<vmem>>
        %dma_start3A_259 = tpu.memref_squeeze %dma_start3A_258 : memref<1x125xi32, #tpu.memory_space<vmem>> -> memref<125xi32, #tpu.memory_space<vmem>>
        %dma_start3A_260 = arith.constant 0 : i32
        %dma_start3A_261 = arith.constant 0 : i32
        %dma_start3A_262 = tpu.memref_slice %arg14[%dma_start3A_260, %dma_start3A_261] : memref<10000x16xf32, #tpu.memory_space<vmem_shared>> -> memref<10000x16xf32, #tpu.memory_space<vmem_shared>>
        tpu.enqueue_indirect_dma source(%arg10 : memref<125x16xf32, #tpu.memory_space<vmem>>) target(%dma_start3A_262 : memref<10000x16xf32, #tpu.memory_space<vmem_shared>>) offsets(%dma_start3A_259 : memref<125xi32, #tpu.memory_space<vmem>>) semaphore(%run_scoped3A_256 : memref<!tpu.dma_semaphore, #tpu.memory_space<semaphore_mem>>) {add = true}
        %dma_wait3A_263 = arith.constant 0 : i32
        %dma_wait3A_264 = tpu.memref_slice %arg8[%add3A_212, %dma_wait3A_263] : memref<80x125xi32, #tpu.memory_space<vmem>> -> memref<1x125xi32, #tpu.memory_space<vmem>>
        %dma_wait3A_265 = tpu.memref_squeeze %dma_wait3A_264 : memref<1x125xi32, #tpu.memory_space<vmem>> -> memref<125xi32, #tpu.memory_space<vmem>>
        %dma_wait3A_266 = arith.constant 0 : i32
        %dma_wait3A_267 = arith.constant 0 : i32
        %dma_wait3A_268 = tpu.memref_slice %arg14[%dma_wait3A_266, %dma_wait3A_267] : memref<10000x16xf32, #tpu.memory_space<vmem_shared>> -> memref<10000x16xf32, #tpu.memory_space<vmem_shared>>
        tpu.wait_indirect_dma semaphore(%run_scoped3A_256 : memref<!tpu.dma_semaphore, #tpu.memory_space<semaphore_mem>>) src(%arg10 : memref<125x16xf32, #tpu.memory_space<vmem>>) dst(%dma_wait3A_268 : memref<10000x16xf32, #tpu.memory_space<vmem_shared>>)
        tpu.yield
      }) : () -> ()
      %add3A_225 = arith.constant 5 : i32
      %add3A_226 = arith.addi %add3A_212, %add3A_225 : i32
      %lt3A_227 = arith.constant 80 : i32
      %lt3A_228 = arith.cmpi slt, %add3A_226, %lt3A_227 : i32
      %convert_element_type3A_229 = arith.extui %lt3A_228 : i1 to i32
      %cond3A_230 = arith.constant 0 : i32
      %cond3A_231 = arith.cmpi ne, %convert_element_type3A_229, %cond3A_230 : i32
      scf.if %cond3A_231 {
        %add3A_256 = arith.constant 5 : i32
        %add3A_257 = arith.addi %add3A_212, %add3A_256 : i32
        %dma_start3A_258 = arith.constant 3 : i32
        %dma_start3A_259 = arith.constant 0 : i32
        %dma_start3A_260 = arith.constant 0 : i32
        %dma_start3A_261 = tpu.memref_slice %arg9[%dma_start3A_258, %dma_start3A_259, %dma_start3A_260] : memref<5x125x64xf32, #tpu.memory_space<vmem>> -> memref<1x125x64xf32, #tpu.memory_space<vmem>>
        %dma_start3A_262 = tpu.memref_squeeze %dma_start3A_261 : memref<1x125x64xf32, #tpu.memory_space<vmem>> -> memref<125x64xf32, #tpu.memory_space<vmem>>
        %dma_start3A_263 = arith.constant 0 : i32
        %dma_start3A_264 = tpu.memref_slice %arg7[%add3A_257, %dma_start3A_263] : memref<80x125xi32, #tpu.memory_space<vmem>> -> memref<1x125xi32, #tpu.memory_space<vmem>>
        %dma_start3A_265 = tpu.memref_squeeze %dma_start3A_264 : memref<1x125xi32, #tpu.memory_space<vmem>> -> memref<125xi32, #tpu.memory_space<vmem>>
        %dma_start3A_266 = arith.constant 0 : i32
        %dma_start3A_267 = arith.constant 0 : i32
        %dma_start3A_268 = tpu.memref_slice %arg2[%dma_start3A_266, %dma_start3A_267] : memref<10000x64xf32, #tpu.memory_space<hbm>> -> memref<10000x64xf32, #tpu.memory_space<hbm>>
        tpu.enqueue_indirect_dma source(%dma_start3A_268 : memref<10000x64xf32, #tpu.memory_space<hbm>>) target(%dma_start3A_262 : memref<125x64xf32, #tpu.memory_space<vmem>>) offsets(%dma_start3A_265 : memref<125xi32, #tpu.memory_space<vmem>>) semaphore(%arg18 : memref<!tpu.dma_semaphore, #tpu.memory_space<semaphore_mem>>)
      } else {
      }
      %mul3A_232 = arith.constant 5 : i32
      %mul3A_233 = arith.muli %scan3A_141, %mul3A_232 : i32
      %add3A_234 = arith.constant 4 : i32
      %add3A_235 = arith.addi %mul3A_233, %add3A_234 : i32
      %dma_wait3A_236 = arith.constant 4 : i32
      %dma_wait3A_237 = arith.constant 0 : i32
      %dma_wait3A_238 = arith.constant 0 : i32
      %dma_wait3A_239 = tpu.memref_slice %arg9[%dma_wait3A_236, %dma_wait3A_237, %dma_wait3A_238] : memref<5x125x64xf32, #tpu.memory_space<vmem>> -> memref<1x125x64xf32, #tpu.memory_space<vmem>>
      %dma_wait3A_240 = tpu.memref_squeeze %dma_wait3A_239 : memref<1x125x64xf32, #tpu.memory_space<vmem>> -> memref<125x64xf32, #tpu.memory_space<vmem>>
      %dma_wait3A_241 = arith.constant 0 : i32
      %dma_wait3A_242 = tpu.memref_slice %arg7[%add3A_235, %dma_wait3A_241] : memref<80x125xi32, #tpu.memory_space<vmem>> -> memref<1x125xi32, #tpu.memory_space<vmem>>
      %dma_wait3A_243 = tpu.memref_squeeze %dma_wait3A_242 : memref<1x125xi32, #tpu.memory_space<vmem>> -> memref<125xi32, #tpu.memory_space<vmem>>
      %dma_wait3A_244 = arith.constant 0 : i32
      %dma_wait3A_245 = arith.constant 0 : i32
      %dma_wait3A_246 = tpu.memref_slice %arg2[%dma_wait3A_244, %dma_wait3A_245] : memref<10000x64xf32, #tpu.memory_space<hbm>> -> memref<10000x64xf32, #tpu.memory_space<hbm>>
      tpu.wait_indirect_dma semaphore(%arg19 : memref<!tpu.dma_semaphore, #tpu.memory_space<semaphore_mem>>) src(%dma_wait3A_246 : memref<10000x64xf32, #tpu.memory_space<hbm>>) dst(%dma_wait3A_240 : memref<125x64xf32, #tpu.memory_space<vmem>>)
      %run_scoped3A_247 = arith.constant 4 : i32
      "tpu.region"() ({
        %run_scoped3A_256 = tpu.sem_alloc : memref<!tpu.dma_semaphore, #tpu.memory_space<semaphore_mem>>
        %dma_start3A_257 = arith.constant 0 : i32
        %dma_start3A_258 = arith.constant 0 : i32
        %dma_start3A_259 = tpu.memref_slice %arg9[%run_scoped3A_247, %dma_start3A_257, %dma_start3A_258] : memref<5x125x64xf32, #tpu.memory_space<vmem>> -> memref<1x125x64xf32, #tpu.memory_space<vmem>>
        %dma_start3A_260 = tpu.memref_squeeze %dma_start3A_259 : memref<1x125x64xf32, #tpu.memory_space<vmem>> -> memref<125x64xf32, #tpu.memory_space<vmem>>
        %dma_start3A_261 = arith.constant 0 : i32
        %dma_start3A_262 = tpu.memref_slice %arg8[%add3A_235, %dma_start3A_261] : memref<80x125xi32, #tpu.memory_space<vmem>> -> memref<1x125xi32, #tpu.memory_space<vmem>>
        %dma_start3A_263 = tpu.memref_squeeze %dma_start3A_262 : memref<1x125xi32, #tpu.memory_space<vmem>> -> memref<125xi32, #tpu.memory_space<vmem>>
        %dma_start3A_264 = arith.constant 0 : i32
        %dma_start3A_265 = arith.constant 0 : i32
        %dma_start3A_266 = tpu.memref_slice %arg13[%dma_start3A_264, %dma_start3A_265] : memref<10000x64xf32, #tpu.memory_space<vmem_shared>> -> memref<10000x64xf32, #tpu.memory_space<vmem_shared>>
        tpu.enqueue_indirect_dma source(%dma_start3A_260 : memref<125x64xf32, #tpu.memory_space<vmem>>) target(%dma_start3A_266 : memref<10000x64xf32, #tpu.memory_space<vmem_shared>>) offsets(%dma_start3A_263 : memref<125xi32, #tpu.memory_space<vmem>>) semaphore(%run_scoped3A_256 : memref<!tpu.dma_semaphore, #tpu.memory_space<semaphore_mem>>) {add = true}
        %dma_wait3A_267 = arith.constant 0 : i32
        %dma_wait3A_268 = arith.constant 0 : i32
        %dma_wait3A_269 = tpu.memref_slice %arg9[%run_scoped3A_247, %dma_wait3A_267, %dma_wait3A_268] : memref<5x125x64xf32, #tpu.memory_space<vmem>> -> memref<1x125x64xf32, #tpu.memory_space<vmem>>
        %dma_wait3A_270 = tpu.memref_squeeze %dma_wait3A_269 : memref<1x125x64xf32, #tpu.memory_space<vmem>> -> memref<125x64xf32, #tpu.memory_space<vmem>>
        %dma_wait3A_271 = arith.constant 0 : i32
        %dma_wait3A_272 = tpu.memref_slice %arg8[%add3A_235, %dma_wait3A_271] : memref<80x125xi32, #tpu.memory_space<vmem>> -> memref<1x125xi32, #tpu.memory_space<vmem>>
        %dma_wait3A_273 = tpu.memref_squeeze %dma_wait3A_272 : memref<1x125xi32, #tpu.memory_space<vmem>> -> memref<125xi32, #tpu.memory_space<vmem>>
        %dma_wait3A_274 = arith.constant 0 : i32
        %dma_wait3A_275 = arith.constant 0 : i32
        %dma_wait3A_276 = tpu.memref_slice %arg13[%dma_wait3A_274, %dma_wait3A_275] : memref<10000x64xf32, #tpu.memory_space<vmem_shared>> -> memref<10000x64xf32, #tpu.memory_space<vmem_shared>>
        tpu.wait_indirect_dma semaphore(%run_scoped3A_256 : memref<!tpu.dma_semaphore, #tpu.memory_space<semaphore_mem>>) src(%dma_wait3A_270 : memref<125x64xf32, #tpu.memory_space<vmem>>) dst(%dma_wait3A_276 : memref<10000x64xf32, #tpu.memory_space<vmem_shared>>)
        tpu.yield
      }) : () -> ()
      "tpu.region"() ({
        %run_scoped3A_256 = tpu.sem_alloc : memref<!tpu.dma_semaphore, #tpu.memory_space<semaphore_mem>>
        %dma_start3A_257 = arith.constant 0 : i32
        %dma_start3A_258 = tpu.memref_slice %arg8[%add3A_235, %dma_start3A_257] : memref<80x125xi32, #tpu.memory_space<vmem>> -> memref<1x125xi32, #tpu.memory_space<vmem>>
        %dma_start3A_259 = tpu.memref_squeeze %dma_start3A_258 : memref<1x125xi32, #tpu.memory_space<vmem>> -> memref<125xi32, #tpu.memory_space<vmem>>
        %dma_start3A_260 = arith.constant 0 : i32
        %dma_start3A_261 = arith.constant 0 : i32
        %dma_start3A_262 = tpu.memref_slice %arg14[%dma_start3A_260, %dma_start3A_261] : memref<10000x16xf32, #tpu.memory_space<vmem_shared>> -> memref<10000x16xf32, #tpu.memory_space<vmem_shared>>
        tpu.enqueue_indirect_dma source(%arg10 : memref<125x16xf32, #tpu.memory_space<vmem>>) target(%dma_start3A_262 : memref<10000x16xf32, #tpu.memory_space<vmem_shared>>) offsets(%dma_start3A_259 : memref<125xi32, #tpu.memory_space<vmem>>) semaphore(%run_scoped3A_256 : memref<!tpu.dma_semaphore, #tpu.memory_space<semaphore_mem>>) {add = true}
        %dma_wait3A_263 = arith.constant 0 : i32
        %dma_wait3A_264 = tpu.memref_slice %arg8[%add3A_235, %dma_wait3A_263] : memref<80x125xi32, #tpu.memory_space<vmem>> -> memref<1x125xi32, #tpu.memory_space<vmem>>
        %dma_wait3A_265 = tpu.memref_squeeze %dma_wait3A_264 : memref<1x125xi32, #tpu.memory_space<vmem>> -> memref<125xi32, #tpu.memory_space<vmem>>
        %dma_wait3A_266 = arith.constant 0 : i32
        %dma_wait3A_267 = arith.constant 0 : i32
        %dma_wait3A_268 = tpu.memref_slice %arg14[%dma_wait3A_266, %dma_wait3A_267] : memref<10000x16xf32, #tpu.memory_space<vmem_shared>> -> memref<10000x16xf32, #tpu.memory_space<vmem_shared>>
        tpu.wait_indirect_dma semaphore(%run_scoped3A_256 : memref<!tpu.dma_semaphore, #tpu.memory_space<semaphore_mem>>) src(%arg10 : memref<125x16xf32, #tpu.memory_space<vmem>>) dst(%dma_wait3A_268 : memref<10000x16xf32, #tpu.memory_space<vmem_shared>>)
        tpu.yield
      }) : () -> ()
      %add3A_248 = arith.constant 5 : i32
      %add3A_249 = arith.addi %add3A_235, %add3A_248 : i32
      %lt3A_250 = arith.constant 80 : i32
      %lt3A_251 = arith.cmpi slt, %add3A_249, %lt3A_250 : i32
      %convert_element_type3A_252 = arith.extui %lt3A_251 : i1 to i32
      %cond3A_253 = arith.constant 0 : i32
      %cond3A_254 = arith.cmpi ne, %convert_element_type3A_252, %cond3A_253 : i32
      scf.if %cond3A_254 {
        %add3A_256 = arith.constant 5 : i32
        %add3A_257 = arith.addi %add3A_235, %add3A_256 : i32
        %dma_start3A_258 = arith.constant 4 : i32
        %dma_start3A_259 = arith.constant 0 : i32
        %dma_start3A_260 = arith.constant 0 : i32
        %dma_start3A_261 = tpu.memref_slice %arg9[%dma_start3A_258, %dma_start3A_259, %dma_start3A_260] : memref<5x125x64xf32, #tpu.memory_space<vmem>> -> memref<1x125x64xf32, #tpu.memory_space<vmem>>
        %dma_start3A_262 = tpu.memref_squeeze %dma_start3A_261 : memref<1x125x64xf32, #tpu.memory_space<vmem>> -> memref<125x64xf32, #tpu.memory_space<vmem>>
        %dma_start3A_263 = arith.constant 0 : i32
        %dma_start3A_264 = tpu.memref_slice %arg7[%add3A_257, %dma_start3A_263] : memref<80x125xi32, #tpu.memory_space<vmem>> -> memref<1x125xi32, #tpu.memory_space<vmem>>
        %dma_start3A_265 = tpu.memref_squeeze %dma_start3A_264 : memref<1x125xi32, #tpu.memory_space<vmem>> -> memref<125xi32, #tpu.memory_space<vmem>>
        %dma_start3A_266 = arith.constant 0 : i32
        %dma_start3A_267 = arith.constant 0 : i32
        %dma_start3A_268 = tpu.memref_slice %arg2[%dma_start3A_266, %dma_start3A_267] : memref<10000x64xf32, #tpu.memory_space<hbm>> -> memref<10000x64xf32, #tpu.memory_space<hbm>>
        tpu.enqueue_indirect_dma source(%dma_start3A_268 : memref<10000x64xf32, #tpu.memory_space<hbm>>) target(%dma_start3A_262 : memref<125x64xf32, #tpu.memory_space<vmem>>) offsets(%dma_start3A_265 : memref<125xi32, #tpu.memory_space<vmem>>) semaphore(%arg19 : memref<!tpu.dma_semaphore, #tpu.memory_space<semaphore_mem>>)
      } else {
      }
      %scan3A_255 = arith.constant 0 : i32
      scf.yield %scan3A_255 : i32
    }
    %scan3A_121 = arith.constant 16 : i32
    %barrier3A_122 = arith.constant 0 : index
    tpu.barrier barrier_id(%barrier3A_122)
    %mul3A_123 = arith.constant 624 : i32
    %mul3A_124 = arith.muli %arg1, %mul3A_123 : i32
    %mul3A_125 = arith.constant 624 : i32
    %mul3A_126 = arith.muli %arg1, %mul3A_125 : i32
    "tpu.region"() ({
      %run_scoped3A = tpu.sem_alloc : memref<!tpu.dma_semaphore, #tpu.memory_space<semaphore_mem>>
      %dma_start3A_141 = arith.constant 0 : i32
      %dma_start3A_142 = tpu.memref_slice %arg5[%arg0, %mul3A_126, %dma_start3A_141] : memref<2x10000x64xf32, #tpu.memory_space<hbm>> -> memref<1x624x64xf32, #tpu.memory_space<hbm>>
      %dma_start3A_143 = tpu.memref_squeeze %dma_start3A_142 : memref<1x624x64xf32, #tpu.memory_space<hbm>> -> memref<624x64xf32, #tpu.memory_space<hbm>>
      %dma_start3A_144 = arith.constant 0 : i32
      %dma_start3A_145 = tpu.memref_slice %arg13[%mul3A_124, %dma_start3A_144] : memref<10000x64xf32, #tpu.memory_space<vmem_shared>> -> memref<624x64xf32, #tpu.memory_space<vmem_shared>>
      tpu.enqueue_dma source(%dma_start3A_145 : memref<624x64xf32, #tpu.memory_space<vmem_shared>>) target(%dma_start3A_143 : memref<624x64xf32, #tpu.memory_space<hbm>>) target_semaphore(%run_scoped3A : memref<!tpu.dma_semaphore, #tpu.memory_space<semaphore_mem>>)
      %dma_wait3A = arith.constant 0 : i32
      %dma_wait3A_146 = tpu.memref_slice %arg5[%arg0, %mul3A_126, %dma_wait3A] : memref<2x10000x64xf32, #tpu.memory_space<hbm>> -> memref<1x624x64xf32, #tpu.memory_space<hbm>>
      %dma_wait3A_147 = tpu.memref_squeeze %dma_wait3A_146 : memref<1x624x64xf32, #tpu.memory_space<hbm>> -> memref<624x64xf32, #tpu.memory_space<hbm>>
      %dma_wait3A_148 = arith.constant 0 : i32
      %dma_wait3A_149 = tpu.memref_slice %arg13[%mul3A_124, %dma_wait3A_148] : memref<10000x64xf32, #tpu.memory_space<vmem_shared>> -> memref<624x64xf32, #tpu.memory_space<vmem_shared>>
      tpu.wait_dma2 semaphore(%run_scoped3A : memref<!tpu.dma_semaphore, #tpu.memory_space<semaphore_mem>>) src(%dma_wait3A_149 : memref<624x64xf32, #tpu.memory_space<vmem_shared>>) dst(%dma_wait3A_147 : memref<624x64xf32, #tpu.memory_space<hbm>>)
      tpu.yield
    }) : () -> ()
    %eq3A_127 = arith.constant 15 : i32
    %eq3A_128 = arith.cmpi eq, %arg1, %eq3A_127 : i32
    %convert_element_type3A_129 = arith.extui %eq3A_128 : i1 to i32
    %cond3A_130 = arith.constant 0 : i32
    %cond3A_131 = arith.cmpi ne, %convert_element_type3A_129, %cond3A_130 : i32
    scf.if %cond3A_131 {
      "tpu.region"() ({
        %run_scoped3A = tpu.sem_alloc : memref<!tpu.dma_semaphore, #tpu.memory_space<semaphore_mem>>
        %dma_start3A_141 = arith.constant 9984 : i32
        %dma_start3A_142 = arith.constant 0 : i32
        %dma_start3A_143 = tpu.memref_slice %arg5[%arg0, %dma_start3A_141, %dma_start3A_142] : memref<2x10000x64xf32, #tpu.memory_space<hbm>> -> memref<1x16x64xf32, #tpu.memory_space<hbm>>
        %dma_start3A_144 = tpu.memref_squeeze %dma_start3A_143 : memref<1x16x64xf32, #tpu.memory_space<hbm>> -> memref<16x64xf32, #tpu.memory_space<hbm>>
        %dma_start3A_145 = arith.constant 9984 : i32
        %dma_start3A_146 = arith.constant 0 : i32
        %dma_start3A_147 = tpu.memref_slice %arg13[%dma_start3A_145, %dma_start3A_146] : memref<10000x64xf32, #tpu.memory_space<vmem_shared>> -> memref<16x64xf32, #tpu.memory_space<vmem_shared>>
        tpu.enqueue_dma source(%dma_start3A_147 : memref<16x64xf32, #tpu.memory_space<vmem_shared>>) target(%dma_start3A_144 : memref<16x64xf32, #tpu.memory_space<hbm>>) target_semaphore(%run_scoped3A : memref<!tpu.dma_semaphore, #tpu.memory_space<semaphore_mem>>)
        %dma_wait3A = arith.constant 9984 : i32
        %dma_wait3A_148 = arith.constant 0 : i32
        %dma_wait3A_149 = tpu.memref_slice %arg5[%arg0, %dma_wait3A, %dma_wait3A_148] : memref<2x10000x64xf32, #tpu.memory_space<hbm>> -> memref<1x16x64xf32, #tpu.memory_space<hbm>>
        %dma_wait3A_150 = tpu.memref_squeeze %dma_wait3A_149 : memref<1x16x64xf32, #tpu.memory_space<hbm>> -> memref<16x64xf32, #tpu.memory_space<hbm>>
        %dma_wait3A_151 = arith.constant 9984 : i32
        %dma_wait3A_152 = arith.constant 0 : i32
        %dma_wait3A_153 = tpu.memref_slice %arg13[%dma_wait3A_151, %dma_wait3A_152] : memref<10000x64xf32, #tpu.memory_space<vmem_shared>> -> memref<16x64xf32, #tpu.memory_space<vmem_shared>>
        tpu.wait_dma2 semaphore(%run_scoped3A : memref<!tpu.dma_semaphore, #tpu.memory_space<semaphore_mem>>) src(%dma_wait3A_153 : memref<16x64xf32, #tpu.memory_space<vmem_shared>>) dst(%dma_wait3A_150 : memref<16x64xf32, #tpu.memory_space<hbm>>)
        tpu.yield
      }) : () -> ()
    } else {
    }
    %mul3A_132 = arith.constant 624 : i32
    %mul3A_133 = arith.muli %arg1, %mul3A_132 : i32
    %mul3A_134 = arith.constant 624 : i32
    %mul3A_135 = arith.muli %arg1, %mul3A_134 : i32
    "tpu.region"() ({
      %run_scoped3A = tpu.sem_alloc : memref<!tpu.dma_semaphore, #tpu.memory_space<semaphore_mem>>
      %dma_start3A_141 = arith.constant 0 : i32
      %dma_start3A_142 = tpu.memref_slice %arg6[%arg0, %mul3A_135, %dma_start3A_141] : memref<2x10000x16xf32, #tpu.memory_space<hbm>> -> memref<1x624x16xf32, #tpu.memory_space<hbm>>
      %dma_start3A_143 = tpu.memref_squeeze %dma_start3A_142 : memref<1x624x16xf32, #tpu.memory_space<hbm>> -> memref<624x16xf32, #tpu.memory_space<hbm>>
      %dma_start3A_144 = arith.constant 0 : i32
      %dma_start3A_145 = tpu.memref_slice %arg14[%mul3A_133, %dma_start3A_144] : memref<10000x16xf32, #tpu.memory_space<vmem_shared>> -> memref<624x16xf32, #tpu.memory_space<vmem_shared>>
      tpu.enqueue_dma source(%dma_start3A_145 : memref<624x16xf32, #tpu.memory_space<vmem_shared>>) target(%dma_start3A_143 : memref<624x16xf32, #tpu.memory_space<hbm>>) target_semaphore(%run_scoped3A : memref<!tpu.dma_semaphore, #tpu.memory_space<semaphore_mem>>)
      %dma_wait3A = arith.constant 0 : i32
      %dma_wait3A_146 = tpu.memref_slice %arg6[%arg0, %mul3A_135, %dma_wait3A] : memref<2x10000x16xf32, #tpu.memory_space<hbm>> -> memref<1x624x16xf32, #tpu.memory_space<hbm>>
      %dma_wait3A_147 = tpu.memref_squeeze %dma_wait3A_146 : memref<1x624x16xf32, #tpu.memory_space<hbm>> -> memref<624x16xf32, #tpu.memory_space<hbm>>
      %dma_wait3A_148 = arith.constant 0 : i32
      %dma_wait3A_149 = tpu.memref_slice %arg14[%mul3A_133, %dma_wait3A_148] : memref<10000x16xf32, #tpu.memory_space<vmem_shared>> -> memref<624x16xf32, #tpu.memory_space<vmem_shared>>
      tpu.wait_dma2 semaphore(%run_scoped3A : memref<!tpu.dma_semaphore, #tpu.memory_space<semaphore_mem>>) src(%dma_wait3A_149 : memref<624x16xf32, #tpu.memory_space<vmem_shared>>) dst(%dma_wait3A_147 : memref<624x16xf32, #tpu.memory_space<hbm>>)
      tpu.yield
    }) : () -> ()
    %eq3A_136 = arith.constant 15 : i32
    %eq3A_137 = arith.cmpi eq, %arg1, %eq3A_136 : i32
    %convert_element_type3A_138 = arith.extui %eq3A_137 : i1 to i32
    %cond3A_139 = arith.constant 0 : i32
    %cond3A_140 = arith.cmpi ne, %convert_element_type3A_138, %cond3A_139 : i32
    scf.if %cond3A_140 {
      "tpu.region"() ({
        %run_scoped3A = tpu.sem_alloc : memref<!tpu.dma_semaphore, #tpu.memory_space<semaphore_mem>>
        %dma_start3A_141 = arith.constant 9984 : i32
        %dma_start3A_142 = arith.constant 0 : i32
        %dma_start3A_143 = tpu.memref_slice %arg6[%arg0, %dma_start3A_141, %dma_start3A_142] : memref<2x10000x16xf32, #tpu.memory_space<hbm>> -> memref<1x16x16xf32, #tpu.memory_space<hbm>>
        %dma_start3A_144 = tpu.memref_squeeze %dma_start3A_143 : memref<1x16x16xf32, #tpu.memory_space<hbm>> -> memref<16x16xf32, #tpu.memory_space<hbm>>
        %dma_start3A_145 = arith.constant 9984 : i32
        %dma_start3A_146 = arith.constant 0 : i32
        %dma_start3A_147 = tpu.memref_slice %arg14[%dma_start3A_145, %dma_start3A_146] : memref<10000x16xf32, #tpu.memory_space<vmem_shared>> -> memref<16x16xf32, #tpu.memory_space<vmem_shared>>
        tpu.enqueue_dma source(%dma_start3A_147 : memref<16x16xf32, #tpu.memory_space<vmem_shared>>) target(%dma_start3A_144 : memref<16x16xf32, #tpu.memory_space<hbm>>) target_semaphore(%run_scoped3A : memref<!tpu.dma_semaphore, #tpu.memory_space<semaphore_mem>>)
        %dma_wait3A = arith.constant 9984 : i32
        %dma_wait3A_148 = arith.constant 0 : i32
        %dma_wait3A_149 = tpu.memref_slice %arg6[%arg0, %dma_wait3A, %dma_wait3A_148] : memref<2x10000x16xf32, #tpu.memory_space<hbm>> -> memref<1x16x16xf32, #tpu.memory_space<hbm>>
        %dma_wait3A_150 = tpu.memref_squeeze %dma_wait3A_149 : memref<1x16x16xf32, #tpu.memory_space<hbm>> -> memref<16x16xf32, #tpu.memory_space<hbm>>
        %dma_wait3A_151 = arith.constant 9984 : i32
        %dma_wait3A_152 = arith.constant 0 : i32
        %dma_wait3A_153 = tpu.memref_slice %arg14[%dma_wait3A_151, %dma_wait3A_152] : memref<10000x16xf32, #tpu.memory_space<vmem_shared>> -> memref<16x16xf32, #tpu.memory_space<vmem_shared>>
        tpu.wait_dma2 semaphore(%run_scoped3A : memref<!tpu.dma_semaphore, #tpu.memory_space<semaphore_mem>>) src(%dma_wait3A_153 : memref<16x16xf32, #tpu.memory_space<vmem_shared>>) dst(%dma_wait3A_150 : memref<16x16xf32, #tpu.memory_space<hbm>>)
        tpu.yield
      }) : () -> ()
    } else {
    }
    return
  }
}

#map = affine_map<(d0, d1) -> (0, 0)>
#map1 = affine_map<(d0, d1) -> (0, 0, 0)>
module attributes {stable_mosaic.version = 14 : i64} {
  func.func @_sc_body(%arg0: i32, %arg1: i32, %arg2: memref<10000x64xf32, #tpu.memory_space<hbm>>, %arg3: memref<2560x125xi32, #tpu.memory_space<hbm>>, %arg4: memref<2560x125xi32, #tpu.memory_space<hbm>>, %arg5: memref<2x10000x64xf32, #tpu.memory_space<hbm>>, %arg6: memref<80x125xi32, #tpu.memory_space<vmem>>, %arg7: memref<80x125xi32, #tpu.memory_space<vmem>>, %arg8: memref<5x125x64xf32, #tpu.memory_space<vmem>>, %arg9: memref<208x64xf32, #tpu.memory_space<vmem>>, %arg10: memref<10000x64xf32, #tpu.memory_space<vmem_shared>>, %arg11: memref<!tpu.dma_semaphore, #tpu.memory_space<semaphore_mem>>, %arg12: memref<!tpu.dma_semaphore, #tpu.memory_space<semaphore_mem>>, %arg13: memref<!tpu.dma_semaphore, #tpu.memory_space<semaphore_mem>>, %arg14: memref<!tpu.dma_semaphore, #tpu.memory_space<semaphore_mem>>, %arg15: memref<!tpu.dma_semaphore, #tpu.memory_space<semaphore_mem>>) attributes {dimension_semantics = [#tpu.dimension_semantics<core_parallel>, #tpu.dimension_semantics<subcore_parallel>], iteration_bounds = array<i64: 2, 16>, scalar_prefetch = 0 : i64, scratch_operands = 10 : i64, tpu.core_type = #tpu.core_type<sc_vector_subcore>, window_params = [{transform_indices = #map}, {transform_indices = #map}, {transform_indices = #map}, {transform_indices = #map1}]} {
    %mul3A = arith.constant 2 : i32
    %mul3A_0 = arith.muli %arg1, %mul3A : i32
    %add3A = arith.addi %mul3A_0, %arg0 : i32
    %mul3A_1 = arith.constant 80 : i32
    %mul3A_2 = arith.muli %add3A, %mul3A_1 : i32
    "tpu.region"() ({
      %run_scoped3A = tpu.sem_alloc : memref<!tpu.dma_semaphore, #tpu.memory_space<semaphore_mem>>
      %dma_start3A_101 = arith.constant 0 : i32
      %dma_start3A_102 = tpu.memref_slice %arg3[%mul3A_2, %dma_start3A_101] : memref<2560x125xi32, #tpu.memory_space<hbm>> -> memref<80x125xi32, #tpu.memory_space<hbm>>
      %dma_start3A_103 = arith.constant 0 : i32
      %dma_start3A_104 = tpu.memref_slice %arg3[%mul3A_2, %dma_start3A_103] : memref<2560x125xi32, #tpu.memory_space<hbm>> -> memref<80x125xi32, #tpu.memory_space<hbm>>
      tpu.enqueue_dma source(%dma_start3A_104 : memref<80x125xi32, #tpu.memory_space<hbm>>) target(%arg6 : memref<80x125xi32, #tpu.memory_space<vmem>>) target_semaphore(%run_scoped3A : memref<!tpu.dma_semaphore, #tpu.memory_space<semaphore_mem>>)
      %dma_wait3A = arith.constant 0 : i32
      %dma_wait3A_105 = tpu.memref_slice %arg3[%mul3A_2, %dma_wait3A] : memref<2560x125xi32, #tpu.memory_space<hbm>> -> memref<80x125xi32, #tpu.memory_space<hbm>>
      %dma_wait3A_106 = arith.constant 0 : i32
      %dma_wait3A_107 = tpu.memref_slice %arg3[%mul3A_2, %dma_wait3A_106] : memref<2560x125xi32, #tpu.memory_space<hbm>> -> memref<80x125xi32, #tpu.memory_space<hbm>>
      tpu.wait_dma2 semaphore(%run_scoped3A : memref<!tpu.dma_semaphore, #tpu.memory_space<semaphore_mem>>) src(%dma_wait3A_107 : memref<80x125xi32, #tpu.memory_space<hbm>>) dst(%arg6 : memref<80x125xi32, #tpu.memory_space<vmem>>)
      tpu.yield
    }) : () -> ()
    %mul3A_3 = arith.constant 80 : i32
    %mul3A_4 = arith.muli %add3A, %mul3A_3 : i32
    "tpu.region"() ({
      %run_scoped3A = tpu.sem_alloc : memref<!tpu.dma_semaphore, #tpu.memory_space<semaphore_mem>>
      %dma_start3A_101 = arith.constant 0 : i32
      %dma_start3A_102 = tpu.memref_slice %arg4[%mul3A_4, %dma_start3A_101] : memref<2560x125xi32, #tpu.memory_space<hbm>> -> memref<80x125xi32, #tpu.memory_space<hbm>>
      %dma_start3A_103 = arith.constant 0 : i32
      %dma_start3A_104 = tpu.memref_slice %arg4[%mul3A_4, %dma_start3A_103] : memref<2560x125xi32, #tpu.memory_space<hbm>> -> memref<80x125xi32, #tpu.memory_space<hbm>>
      tpu.enqueue_dma source(%dma_start3A_104 : memref<80x125xi32, #tpu.memory_space<hbm>>) target(%arg7 : memref<80x125xi32, #tpu.memory_space<vmem>>) target_semaphore(%run_scoped3A : memref<!tpu.dma_semaphore, #tpu.memory_space<semaphore_mem>>)
      %dma_wait3A = arith.constant 0 : i32
      %dma_wait3A_105 = tpu.memref_slice %arg4[%mul3A_4, %dma_wait3A] : memref<2560x125xi32, #tpu.memory_space<hbm>> -> memref<80x125xi32, #tpu.memory_space<hbm>>
      %dma_wait3A_106 = arith.constant 0 : i32
      %dma_wait3A_107 = tpu.memref_slice %arg4[%mul3A_4, %dma_wait3A_106] : memref<2560x125xi32, #tpu.memory_space<hbm>> -> memref<80x125xi32, #tpu.memory_space<hbm>>
      tpu.wait_dma2 semaphore(%run_scoped3A : memref<!tpu.dma_semaphore, #tpu.memory_space<semaphore_mem>>) src(%dma_wait3A_107 : memref<80x125xi32, #tpu.memory_space<hbm>>) dst(%arg7 : memref<80x125xi32, #tpu.memory_space<vmem>>)
      tpu.yield
    }) : () -> ()
    %scan3A = arith.constant 0 : i32
    %scan3A_5 = arith.constant 0 : i32
    %scan3A_6 = arith.constant 208 : i32
    %scan3A_7 = arith.addi %scan3A_5, %scan3A_6 : i32
    %scan3A_8 = arith.constant 1 : i32
    %scan3A_9 = scf.for %scan3A_101 = %scan3A_5 to %scan3A_7 step %scan3A_8 iter_args(%scan3A_102 = %scan3A) -> (i32)  : i32 {
      %broadcast_in_dim3A = arith.constant 0.000000e+00 : f32
      %broadcast_in_dim3A_103 = vector.broadcast %broadcast_in_dim3A : f32 to vector<16xf32>
      %swap3A = arith.index_cast %scan3A_101 : i32 to index
      %swap3A_104 = arith.constant 0 : index
      %swap3A_105 = tpu.vector_load %arg9[%swap3A, %swap3A_104] {strides = array<i32>} : memref<208x64xf32, #tpu.memory_space<vmem>>, vector<1x16xf32>,
      %swap3A_106 = vector.shape_cast %swap3A_105 : vector<1x16xf32> to vector<16xf32>
      %swap3A_107 = vector.shape_cast %broadcast_in_dim3A_103 : vector<16xf32> to vector<1x16xf32>
      tpu.vector_store %arg9[%swap3A, %swap3A_104], %swap3A_107 {strides = array<i32>} : memref<208x64xf32, #tpu.memory_space<vmem>>, vector<1x16xf32>,
      %broadcast_in_dim3A_108 = arith.constant 0.000000e+00 : f32
      %broadcast_in_dim3A_109 = vector.broadcast %broadcast_in_dim3A_108 : f32 to vector<16xf32>
      %swap3A_110 = arith.index_cast %scan3A_101 : i32 to index
      %swap3A_111 = arith.constant 16 : index
      %swap3A_112 = tpu.vector_load %arg9[%swap3A_110, %swap3A_111] {strides = array<i32>} : memref<208x64xf32, #tpu.memory_space<vmem>>, vector<1x16xf32>,
      %swap3A_113 = vector.shape_cast %swap3A_112 : vector<1x16xf32> to vector<16xf32>
      %swap3A_114 = vector.shape_cast %broadcast_in_dim3A_109 : vector<16xf32> to vector<1x16xf32>
      tpu.vector_store %arg9[%swap3A_110, %swap3A_111], %swap3A_114 {strides = array<i32>} : memref<208x64xf32, #tpu.memory_space<vmem>>, vector<1x16xf32>,
      %broadcast_in_dim3A_115 = arith.constant 0.000000e+00 : f32
      %broadcast_in_dim3A_116 = vector.broadcast %broadcast_in_dim3A_115 : f32 to vector<16xf32>
      %swap3A_117 = arith.index_cast %scan3A_101 : i32 to index
      %swap3A_118 = arith.constant 32 : index
      %swap3A_119 = tpu.vector_load %arg9[%swap3A_117, %swap3A_118] {strides = array<i32>} : memref<208x64xf32, #tpu.memory_space<vmem>>, vector<1x16xf32>,
      %swap3A_120 = vector.shape_cast %swap3A_119 : vector<1x16xf32> to vector<16xf32>
      %swap3A_121 = vector.shape_cast %broadcast_in_dim3A_116 : vector<16xf32> to vector<1x16xf32>
      tpu.vector_store %arg9[%swap3A_117, %swap3A_118], %swap3A_121 {strides = array<i32>} : memref<208x64xf32, #tpu.memory_space<vmem>>, vector<1x16xf32>,
      %broadcast_in_dim3A_122 = arith.constant 0.000000e+00 : f32
      %broadcast_in_dim3A_123 = vector.broadcast %broadcast_in_dim3A_122 : f32 to vector<16xf32>
      %swap3A_124 = arith.index_cast %scan3A_101 : i32 to index
      %swap3A_125 = arith.constant 48 : index
      %swap3A_126 = tpu.vector_load %arg9[%swap3A_124, %swap3A_125] {strides = array<i32>} : memref<208x64xf32, #tpu.memory_space<vmem>>, vector<1x16xf32>,
      %swap3A_127 = vector.shape_cast %swap3A_126 : vector<1x16xf32> to vector<16xf32>
      %swap3A_128 = vector.shape_cast %broadcast_in_dim3A_123 : vector<16xf32> to vector<1x16xf32>
      tpu.vector_store %arg9[%swap3A_124, %swap3A_125], %swap3A_128 {strides = array<i32>} : memref<208x64xf32, #tpu.memory_space<vmem>>, vector<1x16xf32>,
      %scan3A_129 = arith.constant 0 : i32
      scf.yield %scan3A_129 : i32
    }
    %scan3A_10 = arith.constant 208 : i32
    %mul3A_11 = arith.constant 624 : i32
    %mul3A_12 = arith.muli %arg1, %mul3A_11 : i32
    %add3A_13 = arith.constant 0 : i32
    %add3A_14 = arith.addi %mul3A_12, %add3A_13 : i32
    "tpu.region"() ({
      %run_scoped3A = tpu.sem_alloc : memref<!tpu.dma_semaphore, #tpu.memory_space<semaphore_mem>>
      %dma_start3A_101 = arith.constant 0 : i32
      %dma_start3A_102 = tpu.memref_slice %arg10[%add3A_14, %dma_start3A_101] : memref<10000x64xf32, #tpu.memory_space<vmem_shared>> -> memref<208x64xf32, #tpu.memory_space<vmem_shared>>
      %dma_start3A_103 = arith.constant 0 : i32
      %dma_start3A_104 = tpu.memref_slice %arg10[%add3A_14, %dma_start3A_103] : memref<10000x64xf32, #tpu.memory_space<vmem_shared>> -> memref<208x64xf32, #tpu.memory_space<vmem_shared>>
      tpu.enqueue_dma source(%arg9 : memref<208x64xf32, #tpu.memory_space<vmem>>) target(%dma_start3A_104 : memref<208x64xf32, #tpu.memory_space<vmem_shared>>) target_semaphore(%run_scoped3A : memref<!tpu.dma_semaphore, #tpu.memory_space<semaphore_mem>>)
      %dma_wait3A = arith.constant 0 : i32
      %dma_wait3A_105 = tpu.memref_slice %arg10[%add3A_14, %dma_wait3A] : memref<10000x64xf32, #tpu.memory_space<vmem_shared>> -> memref<208x64xf32, #tpu.memory_space<vmem_shared>>
      %dma_wait3A_106 = arith.constant 0 : i32
      %dma_wait3A_107 = tpu.memref_slice %arg10[%add3A_14, %dma_wait3A_106] : memref<10000x64xf32, #tpu.memory_space<vmem_shared>> -> memref<208x64xf32, #tpu.memory_space<vmem_shared>>
      tpu.wait_dma2 semaphore(%run_scoped3A : memref<!tpu.dma_semaphore, #tpu.memory_space<semaphore_mem>>) src(%arg9 : memref<208x64xf32, #tpu.memory_space<vmem>>) dst(%dma_wait3A_107 : memref<208x64xf32, #tpu.memory_space<vmem_shared>>)
      tpu.yield
    }) : () -> ()
    %mul3A_15 = arith.constant 624 : i32
    %mul3A_16 = arith.muli %arg1, %mul3A_15 : i32
    %add3A_17 = arith.constant 208 : i32
    %add3A_18 = arith.addi %mul3A_16, %add3A_17 : i32
    "tpu.region"() ({
      %run_scoped3A = tpu.sem_alloc : memref<!tpu.dma_semaphore, #tpu.memory_space<semaphore_mem>>
      %dma_start3A_101 = arith.constant 0 : i32
      %dma_start3A_102 = tpu.memref_slice %arg10[%add3A_18, %dma_start3A_101] : memref<10000x64xf32, #tpu.memory_space<vmem_shared>> -> memref<208x64xf32, #tpu.memory_space<vmem_shared>>
      %dma_start3A_103 = arith.constant 0 : i32
      %dma_start3A_104 = tpu.memref_slice %arg10[%add3A_18, %dma_start3A_103] : memref<10000x64xf32, #tpu.memory_space<vmem_shared>> -> memref<208x64xf32, #tpu.memory_space<vmem_shared>>
      tpu.enqueue_dma source(%arg9 : memref<208x64xf32, #tpu.memory_space<vmem>>) target(%dma_start3A_104 : memref<208x64xf32, #tpu.memory_space<vmem_shared>>) target_semaphore(%run_scoped3A : memref<!tpu.dma_semaphore, #tpu.memory_space<semaphore_mem>>)
      %dma_wait3A = arith.constant 0 : i32
      %dma_wait3A_105 = tpu.memref_slice %arg10[%add3A_18, %dma_wait3A] : memref<10000x64xf32, #tpu.memory_space<vmem_shared>> -> memref<208x64xf32, #tpu.memory_space<vmem_shared>>
      %dma_wait3A_106 = arith.constant 0 : i32
      %dma_wait3A_107 = tpu.memref_slice %arg10[%add3A_18, %dma_wait3A_106] : memref<10000x64xf32, #tpu.memory_space<vmem_shared>> -> memref<208x64xf32, #tpu.memory_space<vmem_shared>>
      tpu.wait_dma2 semaphore(%run_scoped3A : memref<!tpu.dma_semaphore, #tpu.memory_space<semaphore_mem>>) src(%arg9 : memref<208x64xf32, #tpu.memory_space<vmem>>) dst(%dma_wait3A_107 : memref<208x64xf32, #tpu.memory_space<vmem_shared>>)
      tpu.yield
    }) : () -> ()
    %mul3A_19 = arith.constant 624 : i32
    %mul3A_20 = arith.muli %arg1, %mul3A_19 : i32
    %add3A_21 = arith.constant 416 : i32
    %add3A_22 = arith.addi %mul3A_20, %add3A_21 : i32
    "tpu.region"() ({
      %run_scoped3A = tpu.sem_alloc : memref<!tpu.dma_semaphore, #tpu.memory_space<semaphore_mem>>
      %dma_start3A_101 = arith.constant 0 : i32
      %dma_start3A_102 = tpu.memref_slice %arg10[%add3A_22, %dma_start3A_101] : memref<10000x64xf32, #tpu.memory_space<vmem_shared>> -> memref<208x64xf32, #tpu.memory_space<vmem_shared>>
      %dma_start3A_103 = arith.constant 0 : i32
      %dma_start3A_104 = tpu.memref_slice %arg10[%add3A_22, %dma_start3A_103] : memref<10000x64xf32, #tpu.memory_space<vmem_shared>> -> memref<208x64xf32, #tpu.memory_space<vmem_shared>>
      tpu.enqueue_dma source(%arg9 : memref<208x64xf32, #tpu.memory_space<vmem>>) target(%dma_start3A_104 : memref<208x64xf32, #tpu.memory_space<vmem_shared>>) target_semaphore(%run_scoped3A : memref<!tpu.dma_semaphore, #tpu.memory_space<semaphore_mem>>)
      %dma_wait3A = arith.constant 0 : i32
      %dma_wait3A_105 = tpu.memref_slice %arg10[%add3A_22, %dma_wait3A] : memref<10000x64xf32, #tpu.memory_space<vmem_shared>> -> memref<208x64xf32, #tpu.memory_space<vmem_shared>>
      %dma_wait3A_106 = arith.constant 0 : i32
      %dma_wait3A_107 = tpu.memref_slice %arg10[%add3A_22, %dma_wait3A_106] : memref<10000x64xf32, #tpu.memory_space<vmem_shared>> -> memref<208x64xf32, #tpu.memory_space<vmem_shared>>
      tpu.wait_dma2 semaphore(%run_scoped3A : memref<!tpu.dma_semaphore, #tpu.memory_space<semaphore_mem>>) src(%arg9 : memref<208x64xf32, #tpu.memory_space<vmem>>) dst(%dma_wait3A_107 : memref<208x64xf32, #tpu.memory_space<vmem_shared>>)
      tpu.yield
    }) : () -> ()
    %eq3A = arith.constant 15 : i32
    %eq3A_23 = arith.cmpi eq, %arg1, %eq3A : i32
    %convert_element_type3A = arith.extui %eq3A_23 : i1 to i32
    %cond3A = arith.constant 0 : i32
    %cond3A_24 = arith.cmpi ne, %convert_element_type3A, %cond3A : i32
    scf.if %cond3A_24 {
      "tpu.region"() ({
        %run_scoped3A = tpu.sem_alloc : memref<!tpu.dma_semaphore, #tpu.memory_space<semaphore_mem>>
        %dma_start3A_101 = arith.constant 0 : i32
        %dma_start3A_102 = arith.constant 0 : i32
        %dma_start3A_103 = tpu.memref_slice %arg9[%dma_start3A_101, %dma_start3A_102] : memref<208x64xf32, #tpu.memory_space<vmem>> -> memref<16x64xf32, #tpu.memory_space<vmem>>
        %dma_start3A_104 = arith.constant 9984 : i32
        %dma_start3A_105 = arith.constant 0 : i32
        %dma_start3A_106 = tpu.memref_slice %arg10[%dma_start3A_104, %dma_start3A_105] : memref<10000x64xf32, #tpu.memory_space<vmem_shared>> -> memref<16x64xf32, #tpu.memory_space<vmem_shared>>
        %dma_start3A_107 = arith.constant 9984 : i32
        %dma_start3A_108 = arith.constant 0 : i32
        %dma_start3A_109 = tpu.memref_slice %arg10[%dma_start3A_107, %dma_start3A_108] : memref<10000x64xf32, #tpu.memory_space<vmem_shared>> -> memref<16x64xf32, #tpu.memory_space<vmem_shared>>
        %dma_start3A_110 = arith.constant 0 : i32
        %dma_start3A_111 = arith.constant 0 : i32
        %dma_start3A_112 = tpu.memref_slice %arg9[%dma_start3A_110, %dma_start3A_111] : memref<208x64xf32, #tpu.memory_space<vmem>> -> memref<16x64xf32, #tpu.memory_space<vmem>>
        tpu.enqueue_dma source(%dma_start3A_112 : memref<16x64xf32, #tpu.memory_space<vmem>>) target(%dma_start3A_109 : memref<16x64xf32, #tpu.memory_space<vmem_shared>>) target_semaphore(%run_scoped3A : memref<!tpu.dma_semaphore, #tpu.memory_space<semaphore_mem>>)
        %dma_wait3A = arith.constant 0 : i32
        %dma_wait3A_113 = arith.constant 0 : i32
        %dma_wait3A_114 = tpu.memref_slice %arg9[%dma_wait3A, %dma_wait3A_113] : memref<208x64xf32, #tpu.memory_space<vmem>> -> memref<16x64xf32, #tpu.memory_space<vmem>>
        %dma_wait3A_115 = arith.constant 9984 : i32
        %dma_wait3A_116 = arith.constant 0 : i32
        %dma_wait3A_117 = tpu.memref_slice %arg10[%dma_wait3A_115, %dma_wait3A_116] : memref<10000x64xf32, #tpu.memory_space<vmem_shared>> -> memref<16x64xf32, #tpu.memory_space<vmem_shared>>
        %dma_wait3A_118 = arith.constant 9984 : i32
        %dma_wait3A_119 = arith.constant 0 : i32
        %dma_wait3A_120 = tpu.memref_slice %arg10[%dma_wait3A_118, %dma_wait3A_119] : memref<10000x64xf32, #tpu.memory_space<vmem_shared>> -> memref<16x64xf32, #tpu.memory_space<vmem_shared>>
        %dma_wait3A_121 = arith.constant 0 : i32
        %dma_wait3A_122 = arith.constant 0 : i32
        %dma_wait3A_123 = tpu.memref_slice %arg9[%dma_wait3A_121, %dma_wait3A_122] : memref<208x64xf32, #tpu.memory_space<vmem>> -> memref<16x64xf32, #tpu.memory_space<vmem>>
        tpu.wait_dma2 semaphore(%run_scoped3A : memref<!tpu.dma_semaphore, #tpu.memory_space<semaphore_mem>>) src(%dma_wait3A_123 : memref<16x64xf32, #tpu.memory_space<vmem>>) dst(%dma_wait3A_120 : memref<16x64xf32, #tpu.memory_space<vmem_shared>>)
        tpu.yield
      }) : () -> ()
    } else {
    }
    %barrier3A = arith.constant 0 : index
    tpu.barrier barrier_id(%barrier3A)
    %dma_start3A = arith.constant 0 : i32
    %dma_start3A_25 = arith.constant 0 : i32
    %dma_start3A_26 = arith.constant 0 : i32
    %dma_start3A_27 = arith.constant 0 : i32
    %dma_start3A_28 = tpu.memref_slice %arg8[%dma_start3A_25, %dma_start3A_26, %dma_start3A_27] : memref<5x125x64xf32, #tpu.memory_space<vmem>> -> memref<1x125x64xf32, #tpu.memory_space<vmem>>
    %dma_start3A_29 = tpu.memref_squeeze %dma_start3A_28 : memref<1x125x64xf32, #tpu.memory_space<vmem>> -> memref<125x64xf32, #tpu.memory_space<vmem>>
    %dma_start3A_30 = arith.constant 0 : i32
    %dma_start3A_31 = tpu.memref_slice %arg6[%dma_start3A, %dma_start3A_30] : memref<80x125xi32, #tpu.memory_space<vmem>> -> memref<1x125xi32, #tpu.memory_space<vmem>>
    %dma_start3A_32 = tpu.memref_squeeze %dma_start3A_31 : memref<1x125xi32, #tpu.memory_space<vmem>> -> memref<125xi32, #tpu.memory_space<vmem>>
    %dma_start3A_33 = arith.constant 0 : i32
    %dma_start3A_34 = arith.constant 0 : i32
    %dma_start3A_35 = tpu.memref_slice %arg2[%dma_start3A_33, %dma_start3A_34] : memref<10000x64xf32, #tpu.memory_space<hbm>> -> memref<10000x64xf32, #tpu.memory_space<hbm>>
    tpu.enqueue_indirect_dma source(%dma_start3A_35 : memref<10000x64xf32, #tpu.memory_space<hbm>>) target(%dma_start3A_29 : memref<125x64xf32, #tpu.memory_space<vmem>>) offsets(%dma_start3A_32 : memref<125xi32, #tpu.memory_space<vmem>>) semaphore(%arg11 : memref<!tpu.dma_semaphore, #tpu.memory_space<semaphore_mem>>)
    %dma_start3A_36 = arith.constant 1 : i32
    %dma_start3A_37 = arith.constant 1 : i32
    %dma_start3A_38 = arith.constant 0 : i32
    %dma_start3A_39 = arith.constant 0 : i32
    %dma_start3A_40 = tpu.memref_slice %arg8[%dma_start3A_37, %dma_start3A_38, %dma_start3A_39] : memref<5x125x64xf32, #tpu.memory_space<vmem>> -> memref<1x125x64xf32, #tpu.memory_space<vmem>>
    %dma_start3A_41 = tpu.memref_squeeze %dma_start3A_40 : memref<1x125x64xf32, #tpu.memory_space<vmem>> -> memref<125x64xf32, #tpu.memory_space<vmem>>
    %dma_start3A_42 = arith.constant 0 : i32
    %dma_start3A_43 = tpu.memref_slice %arg6[%dma_start3A_36, %dma_start3A_42] : memref<80x125xi32, #tpu.memory_space<vmem>> -> memref<1x125xi32, #tpu.memory_space<vmem>>
    %dma_start3A_44 = tpu.memref_squeeze %dma_start3A_43 : memref<1x125xi32, #tpu.memory_space<vmem>> -> memref<125xi32, #tpu.memory_space<vmem>>
    %dma_start3A_45 = arith.constant 0 : i32
    %dma_start3A_46 = arith.constant 0 : i32
    %dma_start3A_47 = tpu.memref_slice %arg2[%dma_start3A_45, %dma_start3A_46] : memref<10000x64xf32, #tpu.memory_space<hbm>> -> memref<10000x64xf32, #tpu.memory_space<hbm>>
    tpu.enqueue_indirect_dma source(%dma_start3A_47 : memref<10000x64xf32, #tpu.memory_space<hbm>>) target(%dma_start3A_41 : memref<125x64xf32, #tpu.memory_space<vmem>>) offsets(%dma_start3A_44 : memref<125xi32, #tpu.memory_space<vmem>>) semaphore(%arg12 : memref<!tpu.dma_semaphore, #tpu.memory_space<semaphore_mem>>)
    %dma_start3A_48 = arith.constant 2 : i32
    %dma_start3A_49 = arith.constant 2 : i32
    %dma_start3A_50 = arith.constant 0 : i32
    %dma_start3A_51 = arith.constant 0 : i32
    %dma_start3A_52 = tpu.memref_slice %arg8[%dma_start3A_49, %dma_start3A_50, %dma_start3A_51] : memref<5x125x64xf32, #tpu.memory_space<vmem>> -> memref<1x125x64xf32, #tpu.memory_space<vmem>>
    %dma_start3A_53 = tpu.memref_squeeze %dma_start3A_52 : memref<1x125x64xf32, #tpu.memory_space<vmem>> -> memref<125x64xf32, #tpu.memory_space<vmem>>
    %dma_start3A_54 = arith.constant 0 : i32
    %dma_start3A_55 = tpu.memref_slice %arg6[%dma_start3A_48, %dma_start3A_54] : memref<80x125xi32, #tpu.memory_space<vmem>> -> memref<1x125xi32, #tpu.memory_space<vmem>>
    %dma_start3A_56 = tpu.memref_squeeze %dma_start3A_55 : memref<1x125xi32, #tpu.memory_space<vmem>> -> memref<125xi32, #tpu.memory_space<vmem>>
    %dma_start3A_57 = arith.constant 0 : i32
    %dma_start3A_58 = arith.constant 0 : i32
    %dma_start3A_59 = tpu.memref_slice %arg2[%dma_start3A_57, %dma_start3A_58] : memref<10000x64xf32, #tpu.memory_space<hbm>> -> memref<10000x64xf32, #tpu.memory_space<hbm>>
    tpu.enqueue_indirect_dma source(%dma_start3A_59 : memref<10000x64xf32, #tpu.memory_space<hbm>>) target(%dma_start3A_53 : memref<125x64xf32, #tpu.memory_space<vmem>>) offsets(%dma_start3A_56 : memref<125xi32, #tpu.memory_space<vmem>>) semaphore(%arg13 : memref<!tpu.dma_semaphore, #tpu.memory_space<semaphore_mem>>)
    %dma_start3A_60 = arith.constant 3 : i32
    %dma_start3A_61 = arith.constant 3 : i32
    %dma_start3A_62 = arith.constant 0 : i32
    %dma_start3A_63 = arith.constant 0 : i32
    %dma_start3A_64 = tpu.memref_slice %arg8[%dma_start3A_61, %dma_start3A_62, %dma_start3A_63] : memref<5x125x64xf32, #tpu.memory_space<vmem>> -> memref<1x125x64xf32, #tpu.memory_space<vmem>>
    %dma_start3A_65 = tpu.memref_squeeze %dma_start3A_64 : memref<1x125x64xf32, #tpu.memory_space<vmem>> -> memref<125x64xf32, #tpu.memory_space<vmem>>
    %dma_start3A_66 = arith.constant 0 : i32
    %dma_start3A_67 = tpu.memref_slice %arg6[%dma_start3A_60, %dma_start3A_66] : memref<80x125xi32, #tpu.memory_space<vmem>> -> memref<1x125xi32, #tpu.memory_space<vmem>>
    %dma_start3A_68 = tpu.memref_squeeze %dma_start3A_67 : memref<1x125xi32, #tpu.memory_space<vmem>> -> memref<125xi32, #tpu.memory_space<vmem>>
    %dma_start3A_69 = arith.constant 0 : i32
    %dma_start3A_70 = arith.constant 0 : i32
    %dma_start3A_71 = tpu.memref_slice %arg2[%dma_start3A_69, %dma_start3A_70] : memref<10000x64xf32, #tpu.memory_space<hbm>> -> memref<10000x64xf32, #tpu.memory_space<hbm>>
    tpu.enqueue_indirect_dma source(%dma_start3A_71 : memref<10000x64xf32, #tpu.memory_space<hbm>>) target(%dma_start3A_65 : memref<125x64xf32, #tpu.memory_space<vmem>>) offsets(%dma_start3A_68 : memref<125xi32, #tpu.memory_space<vmem>>) semaphore(%arg14 : memref<!tpu.dma_semaphore, #tpu.memory_space<semaphore_mem>>)
    %dma_start3A_72 = arith.constant 4 : i32
    %dma_start3A_73 = arith.constant 4 : i32
    %dma_start3A_74 = arith.constant 0 : i32
    %dma_start3A_75 = arith.constant 0 : i32
    %dma_start3A_76 = tpu.memref_slice %arg8[%dma_start3A_73, %dma_start3A_74, %dma_start3A_75] : memref<5x125x64xf32, #tpu.memory_space<vmem>> -> memref<1x125x64xf32, #tpu.memory_space<vmem>>
    %dma_start3A_77 = tpu.memref_squeeze %dma_start3A_76 : memref<1x125x64xf32, #tpu.memory_space<vmem>> -> memref<125x64xf32, #tpu.memory_space<vmem>>
    %dma_start3A_78 = arith.constant 0 : i32
    %dma_start3A_79 = tpu.memref_slice %arg6[%dma_start3A_72, %dma_start3A_78] : memref<80x125xi32, #tpu.memory_space<vmem>> -> memref<1x125xi32, #tpu.memory_space<vmem>>
    %dma_start3A_80 = tpu.memref_squeeze %dma_start3A_79 : memref<1x125xi32, #tpu.memory_space<vmem>> -> memref<125xi32, #tpu.memory_space<vmem>>
    %dma_start3A_81 = arith.constant 0 : i32
    %dma_start3A_82 = arith.constant 0 : i32
    %dma_start3A_83 = tpu.memref_slice %arg2[%dma_start3A_81, %dma_start3A_82] : memref<10000x64xf32, #tpu.memory_space<hbm>> -> memref<10000x64xf32, #tpu.memory_space<hbm>>
    tpu.enqueue_indirect_dma source(%dma_start3A_83 : memref<10000x64xf32, #tpu.memory_space<hbm>>) target(%dma_start3A_77 : memref<125x64xf32, #tpu.memory_space<vmem>>) offsets(%dma_start3A_80 : memref<125xi32, #tpu.memory_space<vmem>>) semaphore(%arg15 : memref<!tpu.dma_semaphore, #tpu.memory_space<semaphore_mem>>)
    %scan3A_84 = arith.constant 0 : i32
    %scan3A_85 = arith.constant 0 : i32
    %scan3A_86 = arith.constant 16 : i32
    %scan3A_87 = arith.addi %scan3A_85, %scan3A_86 : i32
    %scan3A_88 = arith.constant 1 : i32
    %scan3A_89 = scf.for %scan3A_101 = %scan3A_85 to %scan3A_87 step %scan3A_88 iter_args(%scan3A_102 = %scan3A_84) -> (i32)  : i32 {
      %mul3A_103 = arith.constant 5 : i32
      %mul3A_104 = arith.muli %scan3A_101, %mul3A_103 : i32
      %add3A_105 = arith.constant 0 : i32
      %add3A_106 = arith.addi %mul3A_104, %add3A_105 : i32
      %dma_wait3A = arith.constant 0 : i32
      %dma_wait3A_107 = arith.constant 0 : i32
      %dma_wait3A_108 = arith.constant 0 : i32
      %dma_wait3A_109 = tpu.memref_slice %arg8[%dma_wait3A, %dma_wait3A_107, %dma_wait3A_108] : memref<5x125x64xf32, #tpu.memory_space<vmem>> -> memref<1x125x64xf32, #tpu.memory_space<vmem>>
      %dma_wait3A_110 = tpu.memref_squeeze %dma_wait3A_109 : memref<1x125x64xf32, #tpu.memory_space<vmem>> -> memref<125x64xf32, #tpu.memory_space<vmem>>
      %dma_wait3A_111 = arith.constant 0 : i32
      %dma_wait3A_112 = tpu.memref_slice %arg6[%add3A_106, %dma_wait3A_111] : memref<80x125xi32, #tpu.memory_space<vmem>> -> memref<1x125xi32, #tpu.memory_space<vmem>>
      %dma_wait3A_113 = tpu.memref_squeeze %dma_wait3A_112 : memref<1x125xi32, #tpu.memory_space<vmem>> -> memref<125xi32, #tpu.memory_space<vmem>>
      %dma_wait3A_114 = arith.constant 0 : i32
      %dma_wait3A_115 = arith.constant 0 : i32
      %dma_wait3A_116 = tpu.memref_slice %arg2[%dma_wait3A_114, %dma_wait3A_115] : memref<10000x64xf32, #tpu.memory_space<hbm>> -> memref<10000x64xf32, #tpu.memory_space<hbm>>
      tpu.wait_indirect_dma semaphore(%arg11 : memref<!tpu.dma_semaphore, #tpu.memory_space<semaphore_mem>>) src(%dma_wait3A_116 : memref<10000x64xf32, #tpu.memory_space<hbm>>) dst(%dma_wait3A_110 : memref<125x64xf32, #tpu.memory_space<vmem>>)
      %run_scoped3A = arith.constant 0 : i32
      "tpu.region"() ({
        %run_scoped3A_216 = tpu.sem_alloc : memref<!tpu.dma_semaphore, #tpu.memory_space<semaphore_mem>>
        %dma_start3A_217 = arith.constant 0 : i32
        %dma_start3A_218 = arith.constant 0 : i32
        %dma_start3A_219 = tpu.memref_slice %arg8[%run_scoped3A, %dma_start3A_217, %dma_start3A_218] : memref<5x125x64xf32, #tpu.memory_space<vmem>> -> memref<1x125x64xf32, #tpu.memory_space<vmem>>
        %dma_start3A_220 = tpu.memref_squeeze %dma_start3A_219 : memref<1x125x64xf32, #tpu.memory_space<vmem>> -> memref<125x64xf32, #tpu.memory_space<vmem>>
        %dma_start3A_221 = arith.constant 0 : i32
        %dma_start3A_222 = tpu.memref_slice %arg7[%add3A_106, %dma_start3A_221] : memref<80x125xi32, #tpu.memory_space<vmem>> -> memref<1x125xi32, #tpu.memory_space<vmem>>
        %dma_start3A_223 = tpu.memref_squeeze %dma_start3A_222 : memref<1x125xi32, #tpu.memory_space<vmem>> -> memref<125xi32, #tpu.memory_space<vmem>>
        %dma_start3A_224 = arith.constant 0 : i32
        %dma_start3A_225 = arith.constant 0 : i32
        %dma_start3A_226 = tpu.memref_slice %arg10[%dma_start3A_224, %dma_start3A_225] : memref<10000x64xf32, #tpu.memory_space<vmem_shared>> -> memref<10000x64xf32, #tpu.memory_space<vmem_shared>>
        tpu.enqueue_indirect_dma source(%dma_start3A_220 : memref<125x64xf32, #tpu.memory_space<vmem>>) target(%dma_start3A_226 : memref<10000x64xf32, #tpu.memory_space<vmem_shared>>) offsets(%dma_start3A_223 : memref<125xi32, #tpu.memory_space<vmem>>) semaphore(%run_scoped3A_216 : memref<!tpu.dma_semaphore, #tpu.memory_space<semaphore_mem>>) {add = true}
        %dma_wait3A_227 = arith.constant 0 : i32
        %dma_wait3A_228 = arith.constant 0 : i32
        %dma_wait3A_229 = tpu.memref_slice %arg8[%run_scoped3A, %dma_wait3A_227, %dma_wait3A_228] : memref<5x125x64xf32, #tpu.memory_space<vmem>> -> memref<1x125x64xf32, #tpu.memory_space<vmem>>
        %dma_wait3A_230 = tpu.memref_squeeze %dma_wait3A_229 : memref<1x125x64xf32, #tpu.memory_space<vmem>> -> memref<125x64xf32, #tpu.memory_space<vmem>>
        %dma_wait3A_231 = arith.constant 0 : i32
        %dma_wait3A_232 = tpu.memref_slice %arg7[%add3A_106, %dma_wait3A_231] : memref<80x125xi32, #tpu.memory_space<vmem>> -> memref<1x125xi32, #tpu.memory_space<vmem>>
        %dma_wait3A_233 = tpu.memref_squeeze %dma_wait3A_232 : memref<1x125xi32, #tpu.memory_space<vmem>> -> memref<125xi32, #tpu.memory_space<vmem>>
        %dma_wait3A_234 = arith.constant 0 : i32
        %dma_wait3A_235 = arith.constant 0 : i32
        %dma_wait3A_236 = tpu.memref_slice %arg10[%dma_wait3A_234, %dma_wait3A_235] : memref<10000x64xf32, #tpu.memory_space<vmem_shared>> -> memref<10000x64xf32, #tpu.memory_space<vmem_shared>>
        tpu.wait_indirect_dma semaphore(%run_scoped3A_216 : memref<!tpu.dma_semaphore, #tpu.memory_space<semaphore_mem>>) src(%dma_wait3A_230 : memref<125x64xf32, #tpu.memory_space<vmem>>) dst(%dma_wait3A_236 : memref<10000x64xf32, #tpu.memory_space<vmem_shared>>)
        tpu.yield
      }) : () -> ()
      %add3A_117 = arith.constant 5 : i32
      %add3A_118 = arith.addi %add3A_106, %add3A_117 : i32
      %lt3A = arith.constant 80 : i32
      %lt3A_119 = arith.cmpi slt, %add3A_118, %lt3A : i32
      %convert_element_type3A_120 = arith.extui %lt3A_119 : i1 to i32
      %cond3A_121 = arith.constant 0 : i32
      %cond3A_122 = arith.cmpi ne, %convert_element_type3A_120, %cond3A_121 : i32
      scf.if %cond3A_122 {
        %add3A_216 = arith.constant 5 : i32
        %add3A_217 = arith.addi %add3A_106, %add3A_216 : i32
        %dma_start3A_218 = arith.constant 0 : i32
        %dma_start3A_219 = arith.constant 0 : i32
        %dma_start3A_220 = arith.constant 0 : i32
        %dma_start3A_221 = tpu.memref_slice %arg8[%dma_start3A_218, %dma_start3A_219, %dma_start3A_220] : memref<5x125x64xf32, #tpu.memory_space<vmem>> -> memref<1x125x64xf32, #tpu.memory_space<vmem>>
        %dma_start3A_222 = tpu.memref_squeeze %dma_start3A_221 : memref<1x125x64xf32, #tpu.memory_space<vmem>> -> memref<125x64xf32, #tpu.memory_space<vmem>>
        %dma_start3A_223 = arith.constant 0 : i32
        %dma_start3A_224 = tpu.memref_slice %arg6[%add3A_217, %dma_start3A_223] : memref<80x125xi32, #tpu.memory_space<vmem>> -> memref<1x125xi32, #tpu.memory_space<vmem>>
        %dma_start3A_225 = tpu.memref_squeeze %dma_start3A_224 : memref<1x125xi32, #tpu.memory_space<vmem>> -> memref<125xi32, #tpu.memory_space<vmem>>
        %dma_start3A_226 = arith.constant 0 : i32
        %dma_start3A_227 = arith.constant 0 : i32
        %dma_start3A_228 = tpu.memref_slice %arg2[%dma_start3A_226, %dma_start3A_227] : memref<10000x64xf32, #tpu.memory_space<hbm>> -> memref<10000x64xf32, #tpu.memory_space<hbm>>
        tpu.enqueue_indirect_dma source(%dma_start3A_228 : memref<10000x64xf32, #tpu.memory_space<hbm>>) target(%dma_start3A_222 : memref<125x64xf32, #tpu.memory_space<vmem>>) offsets(%dma_start3A_225 : memref<125xi32, #tpu.memory_space<vmem>>) semaphore(%arg11 : memref<!tpu.dma_semaphore, #tpu.memory_space<semaphore_mem>>)
      } else {
      }
      %mul3A_123 = arith.constant 5 : i32
      %mul3A_124 = arith.muli %scan3A_101, %mul3A_123 : i32
      %add3A_125 = arith.constant 1 : i32
      %add3A_126 = arith.addi %mul3A_124, %add3A_125 : i32
      %dma_wait3A_127 = arith.constant 1 : i32
      %dma_wait3A_128 = arith.constant 0 : i32
      %dma_wait3A_129 = arith.constant 0 : i32
      %dma_wait3A_130 = tpu.memref_slice %arg8[%dma_wait3A_127, %dma_wait3A_128, %dma_wait3A_129] : memref<5x125x64xf32, #tpu.memory_space<vmem>> -> memref<1x125x64xf32, #tpu.memory_space<vmem>>
      %dma_wait3A_131 = tpu.memref_squeeze %dma_wait3A_130 : memref<1x125x64xf32, #tpu.memory_space<vmem>> -> memref<125x64xf32, #tpu.memory_space<vmem>>
      %dma_wait3A_132 = arith.constant 0 : i32
      %dma_wait3A_133 = tpu.memref_slice %arg6[%add3A_126, %dma_wait3A_132] : memref<80x125xi32, #tpu.memory_space<vmem>> -> memref<1x125xi32, #tpu.memory_space<vmem>>
      %dma_wait3A_134 = tpu.memref_squeeze %dma_wait3A_133 : memref<1x125xi32, #tpu.memory_space<vmem>> -> memref<125xi32, #tpu.memory_space<vmem>>
      %dma_wait3A_135 = arith.constant 0 : i32
      %dma_wait3A_136 = arith.constant 0 : i32
      %dma_wait3A_137 = tpu.memref_slice %arg2[%dma_wait3A_135, %dma_wait3A_136] : memref<10000x64xf32, #tpu.memory_space<hbm>> -> memref<10000x64xf32, #tpu.memory_space<hbm>>
      tpu.wait_indirect_dma semaphore(%arg12 : memref<!tpu.dma_semaphore, #tpu.memory_space<semaphore_mem>>) src(%dma_wait3A_137 : memref<10000x64xf32, #tpu.memory_space<hbm>>) dst(%dma_wait3A_131 : memref<125x64xf32, #tpu.memory_space<vmem>>)
      %run_scoped3A_138 = arith.constant 1 : i32
      "tpu.region"() ({
        %run_scoped3A_216 = tpu.sem_alloc : memref<!tpu.dma_semaphore, #tpu.memory_space<semaphore_mem>>
        %dma_start3A_217 = arith.constant 0 : i32
        %dma_start3A_218 = arith.constant 0 : i32
        %dma_start3A_219 = tpu.memref_slice %arg8[%run_scoped3A_138, %dma_start3A_217, %dma_start3A_218] : memref<5x125x64xf32, #tpu.memory_space<vmem>> -> memref<1x125x64xf32, #tpu.memory_space<vmem>>
        %dma_start3A_220 = tpu.memref_squeeze %dma_start3A_219 : memref<1x125x64xf32, #tpu.memory_space<vmem>> -> memref<125x64xf32, #tpu.memory_space<vmem>>
        %dma_start3A_221 = arith.constant 0 : i32
        %dma_start3A_222 = tpu.memref_slice %arg7[%add3A_126, %dma_start3A_221] : memref<80x125xi32, #tpu.memory_space<vmem>> -> memref<1x125xi32, #tpu.memory_space<vmem>>
        %dma_start3A_223 = tpu.memref_squeeze %dma_start3A_222 : memref<1x125xi32, #tpu.memory_space<vmem>> -> memref<125xi32, #tpu.memory_space<vmem>>
        %dma_start3A_224 = arith.constant 0 : i32
        %dma_start3A_225 = arith.constant 0 : i32
        %dma_start3A_226 = tpu.memref_slice %arg10[%dma_start3A_224, %dma_start3A_225] : memref<10000x64xf32, #tpu.memory_space<vmem_shared>> -> memref<10000x64xf32, #tpu.memory_space<vmem_shared>>
        tpu.enqueue_indirect_dma source(%dma_start3A_220 : memref<125x64xf32, #tpu.memory_space<vmem>>) target(%dma_start3A_226 : memref<10000x64xf32, #tpu.memory_space<vmem_shared>>) offsets(%dma_start3A_223 : memref<125xi32, #tpu.memory_space<vmem>>) semaphore(%run_scoped3A_216 : memref<!tpu.dma_semaphore, #tpu.memory_space<semaphore_mem>>) {add = true}
        %dma_wait3A_227 = arith.constant 0 : i32
        %dma_wait3A_228 = arith.constant 0 : i32
        %dma_wait3A_229 = tpu.memref_slice %arg8[%run_scoped3A_138, %dma_wait3A_227, %dma_wait3A_228] : memref<5x125x64xf32, #tpu.memory_space<vmem>> -> memref<1x125x64xf32, #tpu.memory_space<vmem>>
        %dma_wait3A_230 = tpu.memref_squeeze %dma_wait3A_229 : memref<1x125x64xf32, #tpu.memory_space<vmem>> -> memref<125x64xf32, #tpu.memory_space<vmem>>
        %dma_wait3A_231 = arith.constant 0 : i32
        %dma_wait3A_232 = tpu.memref_slice %arg7[%add3A_126, %dma_wait3A_231] : memref<80x125xi32, #tpu.memory_space<vmem>> -> memref<1x125xi32, #tpu.memory_space<vmem>>
        %dma_wait3A_233 = tpu.memref_squeeze %dma_wait3A_232 : memref<1x125xi32, #tpu.memory_space<vmem>> -> memref<125xi32, #tpu.memory_space<vmem>>
        %dma_wait3A_234 = arith.constant 0 : i32
        %dma_wait3A_235 = arith.constant 0 : i32
        %dma_wait3A_236 = tpu.memref_slice %arg10[%dma_wait3A_234, %dma_wait3A_235] : memref<10000x64xf32, #tpu.memory_space<vmem_shared>> -> memref<10000x64xf32, #tpu.memory_space<vmem_shared>>
        tpu.wait_indirect_dma semaphore(%run_scoped3A_216 : memref<!tpu.dma_semaphore, #tpu.memory_space<semaphore_mem>>) src(%dma_wait3A_230 : memref<125x64xf32, #tpu.memory_space<vmem>>) dst(%dma_wait3A_236 : memref<10000x64xf32, #tpu.memory_space<vmem_shared>>)
        tpu.yield
      }) : () -> ()
      %add3A_139 = arith.constant 5 : i32
      %add3A_140 = arith.addi %add3A_126, %add3A_139 : i32
      %lt3A_141 = arith.constant 80 : i32
      %lt3A_142 = arith.cmpi slt, %add3A_140, %lt3A_141 : i32
      %convert_element_type3A_143 = arith.extui %lt3A_142 : i1 to i32
      %cond3A_144 = arith.constant 0 : i32
      %cond3A_145 = arith.cmpi ne, %convert_element_type3A_143, %cond3A_144 : i32
      scf.if %cond3A_145 {
        %add3A_216 = arith.constant 5 : i32
        %add3A_217 = arith.addi %add3A_126, %add3A_216 : i32
        %dma_start3A_218 = arith.constant 1 : i32
        %dma_start3A_219 = arith.constant 0 : i32
        %dma_start3A_220 = arith.constant 0 : i32
        %dma_start3A_221 = tpu.memref_slice %arg8[%dma_start3A_218, %dma_start3A_219, %dma_start3A_220] : memref<5x125x64xf32, #tpu.memory_space<vmem>> -> memref<1x125x64xf32, #tpu.memory_space<vmem>>
        %dma_start3A_222 = tpu.memref_squeeze %dma_start3A_221 : memref<1x125x64xf32, #tpu.memory_space<vmem>> -> memref<125x64xf32, #tpu.memory_space<vmem>>
        %dma_start3A_223 = arith.constant 0 : i32
        %dma_start3A_224 = tpu.memref_slice %arg6[%add3A_217, %dma_start3A_223] : memref<80x125xi32, #tpu.memory_space<vmem>> -> memref<1x125xi32, #tpu.memory_space<vmem>>
        %dma_start3A_225 = tpu.memref_squeeze %dma_start3A_224 : memref<1x125xi32, #tpu.memory_space<vmem>> -> memref<125xi32, #tpu.memory_space<vmem>>
        %dma_start3A_226 = arith.constant 0 : i32
        %dma_start3A_227 = arith.constant 0 : i32
        %dma_start3A_228 = tpu.memref_slice %arg2[%dma_start3A_226, %dma_start3A_227] : memref<10000x64xf32, #tpu.memory_space<hbm>> -> memref<10000x64xf32, #tpu.memory_space<hbm>>
        tpu.enqueue_indirect_dma source(%dma_start3A_228 : memref<10000x64xf32, #tpu.memory_space<hbm>>) target(%dma_start3A_222 : memref<125x64xf32, #tpu.memory_space<vmem>>) offsets(%dma_start3A_225 : memref<125xi32, #tpu.memory_space<vmem>>) semaphore(%arg12 : memref<!tpu.dma_semaphore, #tpu.memory_space<semaphore_mem>>)
      } else {
      }
      %mul3A_146 = arith.constant 5 : i32
      %mul3A_147 = arith.muli %scan3A_101, %mul3A_146 : i32
      %add3A_148 = arith.constant 2 : i32
      %add3A_149 = arith.addi %mul3A_147, %add3A_148 : i32
      %dma_wait3A_150 = arith.constant 2 : i32
      %dma_wait3A_151 = arith.constant 0 : i32
      %dma_wait3A_152 = arith.constant 0 : i32
      %dma_wait3A_153 = tpu.memref_slice %arg8[%dma_wait3A_150, %dma_wait3A_151, %dma_wait3A_152] : memref<5x125x64xf32, #tpu.memory_space<vmem>> -> memref<1x125x64xf32, #tpu.memory_space<vmem>>
      %dma_wait3A_154 = tpu.memref_squeeze %dma_wait3A_153 : memref<1x125x64xf32, #tpu.memory_space<vmem>> -> memref<125x64xf32, #tpu.memory_space<vmem>>
      %dma_wait3A_155 = arith.constant 0 : i32
      %dma_wait3A_156 = tpu.memref_slice %arg6[%add3A_149, %dma_wait3A_155] : memref<80x125xi32, #tpu.memory_space<vmem>> -> memref<1x125xi32, #tpu.memory_space<vmem>>
      %dma_wait3A_157 = tpu.memref_squeeze %dma_wait3A_156 : memref<1x125xi32, #tpu.memory_space<vmem>> -> memref<125xi32, #tpu.memory_space<vmem>>
      %dma_wait3A_158 = arith.constant 0 : i32
      %dma_wait3A_159 = arith.constant 0 : i32
      %dma_wait3A_160 = tpu.memref_slice %arg2[%dma_wait3A_158, %dma_wait3A_159] : memref<10000x64xf32, #tpu.memory_space<hbm>> -> memref<10000x64xf32, #tpu.memory_space<hbm>>
      tpu.wait_indirect_dma semaphore(%arg13 : memref<!tpu.dma_semaphore, #tpu.memory_space<semaphore_mem>>) src(%dma_wait3A_160 : memref<10000x64xf32, #tpu.memory_space<hbm>>) dst(%dma_wait3A_154 : memref<125x64xf32, #tpu.memory_space<vmem>>)
      %run_scoped3A_161 = arith.constant 2 : i32
      "tpu.region"() ({
        %run_scoped3A_216 = tpu.sem_alloc : memref<!tpu.dma_semaphore, #tpu.memory_space<semaphore_mem>>
        %dma_start3A_217 = arith.constant 0 : i32
        %dma_start3A_218 = arith.constant 0 : i32
        %dma_start3A_219 = tpu.memref_slice %arg8[%run_scoped3A_161, %dma_start3A_217, %dma_start3A_218] : memref<5x125x64xf32, #tpu.memory_space<vmem>> -> memref<1x125x64xf32, #tpu.memory_space<vmem>>
        %dma_start3A_220 = tpu.memref_squeeze %dma_start3A_219 : memref<1x125x64xf32, #tpu.memory_space<vmem>> -> memref<125x64xf32, #tpu.memory_space<vmem>>
        %dma_start3A_221 = arith.constant 0 : i32
        %dma_start3A_222 = tpu.memref_slice %arg7[%add3A_149, %dma_start3A_221] : memref<80x125xi32, #tpu.memory_space<vmem>> -> memref<1x125xi32, #tpu.memory_space<vmem>>
        %dma_start3A_223 = tpu.memref_squeeze %dma_start3A_222 : memref<1x125xi32, #tpu.memory_space<vmem>> -> memref<125xi32, #tpu.memory_space<vmem>>
        %dma_start3A_224 = arith.constant 0 : i32
        %dma_start3A_225 = arith.constant 0 : i32
        %dma_start3A_226 = tpu.memref_slice %arg10[%dma_start3A_224, %dma_start3A_225] : memref<10000x64xf32, #tpu.memory_space<vmem_shared>> -> memref<10000x64xf32, #tpu.memory_space<vmem_shared>>
        tpu.enqueue_indirect_dma source(%dma_start3A_220 : memref<125x64xf32, #tpu.memory_space<vmem>>) target(%dma_start3A_226 : memref<10000x64xf32, #tpu.memory_space<vmem_shared>>) offsets(%dma_start3A_223 : memref<125xi32, #tpu.memory_space<vmem>>) semaphore(%run_scoped3A_216 : memref<!tpu.dma_semaphore, #tpu.memory_space<semaphore_mem>>) {add = true}
        %dma_wait3A_227 = arith.constant 0 : i32
        %dma_wait3A_228 = arith.constant 0 : i32
        %dma_wait3A_229 = tpu.memref_slice %arg8[%run_scoped3A_161, %dma_wait3A_227, %dma_wait3A_228] : memref<5x125x64xf32, #tpu.memory_space<vmem>> -> memref<1x125x64xf32, #tpu.memory_space<vmem>>
        %dma_wait3A_230 = tpu.memref_squeeze %dma_wait3A_229 : memref<1x125x64xf32, #tpu.memory_space<vmem>> -> memref<125x64xf32, #tpu.memory_space<vmem>>
        %dma_wait3A_231 = arith.constant 0 : i32
        %dma_wait3A_232 = tpu.memref_slice %arg7[%add3A_149, %dma_wait3A_231] : memref<80x125xi32, #tpu.memory_space<vmem>> -> memref<1x125xi32, #tpu.memory_space<vmem>>
        %dma_wait3A_233 = tpu.memref_squeeze %dma_wait3A_232 : memref<1x125xi32, #tpu.memory_space<vmem>> -> memref<125xi32, #tpu.memory_space<vmem>>
        %dma_wait3A_234 = arith.constant 0 : i32
        %dma_wait3A_235 = arith.constant 0 : i32
        %dma_wait3A_236 = tpu.memref_slice %arg10[%dma_wait3A_234, %dma_wait3A_235] : memref<10000x64xf32, #tpu.memory_space<vmem_shared>> -> memref<10000x64xf32, #tpu.memory_space<vmem_shared>>
        tpu.wait_indirect_dma semaphore(%run_scoped3A_216 : memref<!tpu.dma_semaphore, #tpu.memory_space<semaphore_mem>>) src(%dma_wait3A_230 : memref<125x64xf32, #tpu.memory_space<vmem>>) dst(%dma_wait3A_236 : memref<10000x64xf32, #tpu.memory_space<vmem_shared>>)
        tpu.yield
      }) : () -> ()
      %add3A_162 = arith.constant 5 : i32
      %add3A_163 = arith.addi %add3A_149, %add3A_162 : i32
      %lt3A_164 = arith.constant 80 : i32
      %lt3A_165 = arith.cmpi slt, %add3A_163, %lt3A_164 : i32
      %convert_element_type3A_166 = arith.extui %lt3A_165 : i1 to i32
      %cond3A_167 = arith.constant 0 : i32
      %cond3A_168 = arith.cmpi ne, %convert_element_type3A_166, %cond3A_167 : i32
      scf.if %cond3A_168 {
        %add3A_216 = arith.constant 5 : i32
        %add3A_217 = arith.addi %add3A_149, %add3A_216 : i32
        %dma_start3A_218 = arith.constant 2 : i32
        %dma_start3A_219 = arith.constant 0 : i32
        %dma_start3A_220 = arith.constant 0 : i32
        %dma_start3A_221 = tpu.memref_slice %arg8[%dma_start3A_218, %dma_start3A_219, %dma_start3A_220] : memref<5x125x64xf32, #tpu.memory_space<vmem>> -> memref<1x125x64xf32, #tpu.memory_space<vmem>>
        %dma_start3A_222 = tpu.memref_squeeze %dma_start3A_221 : memref<1x125x64xf32, #tpu.memory_space<vmem>> -> memref<125x64xf32, #tpu.memory_space<vmem>>
        %dma_start3A_223 = arith.constant 0 : i32
        %dma_start3A_224 = tpu.memref_slice %arg6[%add3A_217, %dma_start3A_223] : memref<80x125xi32, #tpu.memory_space<vmem>> -> memref<1x125xi32, #tpu.memory_space<vmem>>
        %dma_start3A_225 = tpu.memref_squeeze %dma_start3A_224 : memref<1x125xi32, #tpu.memory_space<vmem>> -> memref<125xi32, #tpu.memory_space<vmem>>
        %dma_start3A_226 = arith.constant 0 : i32
        %dma_start3A_227 = arith.constant 0 : i32
        %dma_start3A_228 = tpu.memref_slice %arg2[%dma_start3A_226, %dma_start3A_227] : memref<10000x64xf32, #tpu.memory_space<hbm>> -> memref<10000x64xf32, #tpu.memory_space<hbm>>
        tpu.enqueue_indirect_dma source(%dma_start3A_228 : memref<10000x64xf32, #tpu.memory_space<hbm>>) target(%dma_start3A_222 : memref<125x64xf32, #tpu.memory_space<vmem>>) offsets(%dma_start3A_225 : memref<125xi32, #tpu.memory_space<vmem>>) semaphore(%arg13 : memref<!tpu.dma_semaphore, #tpu.memory_space<semaphore_mem>>)
      } else {
      }
      %mul3A_169 = arith.constant 5 : i32
      %mul3A_170 = arith.muli %scan3A_101, %mul3A_169 : i32
      %add3A_171 = arith.constant 3 : i32
      %add3A_172 = arith.addi %mul3A_170, %add3A_171 : i32
      %dma_wait3A_173 = arith.constant 3 : i32
      %dma_wait3A_174 = arith.constant 0 : i32
      %dma_wait3A_175 = arith.constant 0 : i32
      %dma_wait3A_176 = tpu.memref_slice %arg8[%dma_wait3A_173, %dma_wait3A_174, %dma_wait3A_175] : memref<5x125x64xf32, #tpu.memory_space<vmem>> -> memref<1x125x64xf32, #tpu.memory_space<vmem>>
      %dma_wait3A_177 = tpu.memref_squeeze %dma_wait3A_176 : memref<1x125x64xf32, #tpu.memory_space<vmem>> -> memref<125x64xf32, #tpu.memory_space<vmem>>
      %dma_wait3A_178 = arith.constant 0 : i32
      %dma_wait3A_179 = tpu.memref_slice %arg6[%add3A_172, %dma_wait3A_178] : memref<80x125xi32, #tpu.memory_space<vmem>> -> memref<1x125xi32, #tpu.memory_space<vmem>>
      %dma_wait3A_180 = tpu.memref_squeeze %dma_wait3A_179 : memref<1x125xi32, #tpu.memory_space<vmem>> -> memref<125xi32, #tpu.memory_space<vmem>>
      %dma_wait3A_181 = arith.constant 0 : i32
      %dma_wait3A_182 = arith.constant 0 : i32
      %dma_wait3A_183 = tpu.memref_slice %arg2[%dma_wait3A_181, %dma_wait3A_182] : memref<10000x64xf32, #tpu.memory_space<hbm>> -> memref<10000x64xf32, #tpu.memory_space<hbm>>
      tpu.wait_indirect_dma semaphore(%arg14 : memref<!tpu.dma_semaphore, #tpu.memory_space<semaphore_mem>>) src(%dma_wait3A_183 : memref<10000x64xf32, #tpu.memory_space<hbm>>) dst(%dma_wait3A_177 : memref<125x64xf32, #tpu.memory_space<vmem>>)
      %run_scoped3A_184 = arith.constant 3 : i32
      "tpu.region"() ({
        %run_scoped3A_216 = tpu.sem_alloc : memref<!tpu.dma_semaphore, #tpu.memory_space<semaphore_mem>>
        %dma_start3A_217 = arith.constant 0 : i32
        %dma_start3A_218 = arith.constant 0 : i32
        %dma_start3A_219 = tpu.memref_slice %arg8[%run_scoped3A_184, %dma_start3A_217, %dma_start3A_218] : memref<5x125x64xf32, #tpu.memory_space<vmem>> -> memref<1x125x64xf32, #tpu.memory_space<vmem>>
        %dma_start3A_220 = tpu.memref_squeeze %dma_start3A_219 : memref<1x125x64xf32, #tpu.memory_space<vmem>> -> memref<125x64xf32, #tpu.memory_space<vmem>>
        %dma_start3A_221 = arith.constant 0 : i32
        %dma_start3A_222 = tpu.memref_slice %arg7[%add3A_172, %dma_start3A_221] : memref<80x125xi32, #tpu.memory_space<vmem>> -> memref<1x125xi32, #tpu.memory_space<vmem>>
        %dma_start3A_223 = tpu.memref_squeeze %dma_start3A_222 : memref<1x125xi32, #tpu.memory_space<vmem>> -> memref<125xi32, #tpu.memory_space<vmem>>
        %dma_start3A_224 = arith.constant 0 : i32
        %dma_start3A_225 = arith.constant 0 : i32
        %dma_start3A_226 = tpu.memref_slice %arg10[%dma_start3A_224, %dma_start3A_225] : memref<10000x64xf32, #tpu.memory_space<vmem_shared>> -> memref<10000x64xf32, #tpu.memory_space<vmem_shared>>
        tpu.enqueue_indirect_dma source(%dma_start3A_220 : memref<125x64xf32, #tpu.memory_space<vmem>>) target(%dma_start3A_226 : memref<10000x64xf32, #tpu.memory_space<vmem_shared>>) offsets(%dma_start3A_223 : memref<125xi32, #tpu.memory_space<vmem>>) semaphore(%run_scoped3A_216 : memref<!tpu.dma_semaphore, #tpu.memory_space<semaphore_mem>>) {add = true}
        %dma_wait3A_227 = arith.constant 0 : i32
        %dma_wait3A_228 = arith.constant 0 : i32
        %dma_wait3A_229 = tpu.memref_slice %arg8[%run_scoped3A_184, %dma_wait3A_227, %dma_wait3A_228] : memref<5x125x64xf32, #tpu.memory_space<vmem>> -> memref<1x125x64xf32, #tpu.memory_space<vmem>>
        %dma_wait3A_230 = tpu.memref_squeeze %dma_wait3A_229 : memref<1x125x64xf32, #tpu.memory_space<vmem>> -> memref<125x64xf32, #tpu.memory_space<vmem>>
        %dma_wait3A_231 = arith.constant 0 : i32
        %dma_wait3A_232 = tpu.memref_slice %arg7[%add3A_172, %dma_wait3A_231] : memref<80x125xi32, #tpu.memory_space<vmem>> -> memref<1x125xi32, #tpu.memory_space<vmem>>
        %dma_wait3A_233 = tpu.memref_squeeze %dma_wait3A_232 : memref<1x125xi32, #tpu.memory_space<vmem>> -> memref<125xi32, #tpu.memory_space<vmem>>
        %dma_wait3A_234 = arith.constant 0 : i32
        %dma_wait3A_235 = arith.constant 0 : i32
        %dma_wait3A_236 = tpu.memref_slice %arg10[%dma_wait3A_234, %dma_wait3A_235] : memref<10000x64xf32, #tpu.memory_space<vmem_shared>> -> memref<10000x64xf32, #tpu.memory_space<vmem_shared>>
        tpu.wait_indirect_dma semaphore(%run_scoped3A_216 : memref<!tpu.dma_semaphore, #tpu.memory_space<semaphore_mem>>) src(%dma_wait3A_230 : memref<125x64xf32, #tpu.memory_space<vmem>>) dst(%dma_wait3A_236 : memref<10000x64xf32, #tpu.memory_space<vmem_shared>>)
        tpu.yield
      }) : () -> ()
      %add3A_185 = arith.constant 5 : i32
      %add3A_186 = arith.addi %add3A_172, %add3A_185 : i32
      %lt3A_187 = arith.constant 80 : i32
      %lt3A_188 = arith.cmpi slt, %add3A_186, %lt3A_187 : i32
      %convert_element_type3A_189 = arith.extui %lt3A_188 : i1 to i32
      %cond3A_190 = arith.constant 0 : i32
      %cond3A_191 = arith.cmpi ne, %convert_element_type3A_189, %cond3A_190 : i32
      scf.if %cond3A_191 {
        %add3A_216 = arith.constant 5 : i32
        %add3A_217 = arith.addi %add3A_172, %add3A_216 : i32
        %dma_start3A_218 = arith.constant 3 : i32
        %dma_start3A_219 = arith.constant 0 : i32
        %dma_start3A_220 = arith.constant 0 : i32
        %dma_start3A_221 = tpu.memref_slice %arg8[%dma_start3A_218, %dma_start3A_219, %dma_start3A_220] : memref<5x125x64xf32, #tpu.memory_space<vmem>> -> memref<1x125x64xf32, #tpu.memory_space<vmem>>
        %dma_start3A_222 = tpu.memref_squeeze %dma_start3A_221 : memref<1x125x64xf32, #tpu.memory_space<vmem>> -> memref<125x64xf32, #tpu.memory_space<vmem>>
        %dma_start3A_223 = arith.constant 0 : i32
        %dma_start3A_224 = tpu.memref_slice %arg6[%add3A_217, %dma_start3A_223] : memref<80x125xi32, #tpu.memory_space<vmem>> -> memref<1x125xi32, #tpu.memory_space<vmem>>
        %dma_start3A_225 = tpu.memref_squeeze %dma_start3A_224 : memref<1x125xi32, #tpu.memory_space<vmem>> -> memref<125xi32, #tpu.memory_space<vmem>>
        %dma_start3A_226 = arith.constant 0 : i32
        %dma_start3A_227 = arith.constant 0 : i32
        %dma_start3A_228 = tpu.memref_slice %arg2[%dma_start3A_226, %dma_start3A_227] : memref<10000x64xf32, #tpu.memory_space<hbm>> -> memref<10000x64xf32, #tpu.memory_space<hbm>>
        tpu.enqueue_indirect_dma source(%dma_start3A_228 : memref<10000x64xf32, #tpu.memory_space<hbm>>) target(%dma_start3A_222 : memref<125x64xf32, #tpu.memory_space<vmem>>) offsets(%dma_start3A_225 : memref<125xi32, #tpu.memory_space<vmem>>) semaphore(%arg14 : memref<!tpu.dma_semaphore, #tpu.memory_space<semaphore_mem>>)
      } else {
      }
      %mul3A_192 = arith.constant 5 : i32
      %mul3A_193 = arith.muli %scan3A_101, %mul3A_192 : i32
      %add3A_194 = arith.constant 4 : i32
      %add3A_195 = arith.addi %mul3A_193, %add3A_194 : i32
      %dma_wait3A_196 = arith.constant 4 : i32
      %dma_wait3A_197 = arith.constant 0 : i32
      %dma_wait3A_198 = arith.constant 0 : i32
      %dma_wait3A_199 = tpu.memref_slice %arg8[%dma_wait3A_196, %dma_wait3A_197, %dma_wait3A_198] : memref<5x125x64xf32, #tpu.memory_space<vmem>> -> memref<1x125x64xf32, #tpu.memory_space<vmem>>
      %dma_wait3A_200 = tpu.memref_squeeze %dma_wait3A_199 : memref<1x125x64xf32, #tpu.memory_space<vmem>> -> memref<125x64xf32, #tpu.memory_space<vmem>>
      %dma_wait3A_201 = arith.constant 0 : i32
      %dma_wait3A_202 = tpu.memref_slice %arg6[%add3A_195, %dma_wait3A_201] : memref<80x125xi32, #tpu.memory_space<vmem>> -> memref<1x125xi32, #tpu.memory_space<vmem>>
      %dma_wait3A_203 = tpu.memref_squeeze %dma_wait3A_202 : memref<1x125xi32, #tpu.memory_space<vmem>> -> memref<125xi32, #tpu.memory_space<vmem>>
      %dma_wait3A_204 = arith.constant 0 : i32
      %dma_wait3A_205 = arith.constant 0 : i32
      %dma_wait3A_206 = tpu.memref_slice %arg2[%dma_wait3A_204, %dma_wait3A_205] : memref<10000x64xf32, #tpu.memory_space<hbm>> -> memref<10000x64xf32, #tpu.memory_space<hbm>>
      tpu.wait_indirect_dma semaphore(%arg15 : memref<!tpu.dma_semaphore, #tpu.memory_space<semaphore_mem>>) src(%dma_wait3A_206 : memref<10000x64xf32, #tpu.memory_space<hbm>>) dst(%dma_wait3A_200 : memref<125x64xf32, #tpu.memory_space<vmem>>)
      %run_scoped3A_207 = arith.constant 4 : i32
      "tpu.region"() ({
        %run_scoped3A_216 = tpu.sem_alloc : memref<!tpu.dma_semaphore, #tpu.memory_space<semaphore_mem>>
        %dma_start3A_217 = arith.constant 0 : i32
        %dma_start3A_218 = arith.constant 0 : i32
        %dma_start3A_219 = tpu.memref_slice %arg8[%run_scoped3A_207, %dma_start3A_217, %dma_start3A_218] : memref<5x125x64xf32, #tpu.memory_space<vmem>> -> memref<1x125x64xf32, #tpu.memory_space<vmem>>
        %dma_start3A_220 = tpu.memref_squeeze %dma_start3A_219 : memref<1x125x64xf32, #tpu.memory_space<vmem>> -> memref<125x64xf32, #tpu.memory_space<vmem>>
        %dma_start3A_221 = arith.constant 0 : i32
        %dma_start3A_222 = tpu.memref_slice %arg7[%add3A_195, %dma_start3A_221] : memref<80x125xi32, #tpu.memory_space<vmem>> -> memref<1x125xi32, #tpu.memory_space<vmem>>
        %dma_start3A_223 = tpu.memref_squeeze %dma_start3A_222 : memref<1x125xi32, #tpu.memory_space<vmem>> -> memref<125xi32, #tpu.memory_space<vmem>>
        %dma_start3A_224 = arith.constant 0 : i32
        %dma_start3A_225 = arith.constant 0 : i32
        %dma_start3A_226 = tpu.memref_slice %arg10[%dma_start3A_224, %dma_start3A_225] : memref<10000x64xf32, #tpu.memory_space<vmem_shared>> -> memref<10000x64xf32, #tpu.memory_space<vmem_shared>>
        tpu.enqueue_indirect_dma source(%dma_start3A_220 : memref<125x64xf32, #tpu.memory_space<vmem>>) target(%dma_start3A_226 : memref<10000x64xf32, #tpu.memory_space<vmem_shared>>) offsets(%dma_start3A_223 : memref<125xi32, #tpu.memory_space<vmem>>) semaphore(%run_scoped3A_216 : memref<!tpu.dma_semaphore, #tpu.memory_space<semaphore_mem>>) {add = true}
        %dma_wait3A_227 = arith.constant 0 : i32
        %dma_wait3A_228 = arith.constant 0 : i32
        %dma_wait3A_229 = tpu.memref_slice %arg8[%run_scoped3A_207, %dma_wait3A_227, %dma_wait3A_228] : memref<5x125x64xf32, #tpu.memory_space<vmem>> -> memref<1x125x64xf32, #tpu.memory_space<vmem>>
        %dma_wait3A_230 = tpu.memref_squeeze %dma_wait3A_229 : memref<1x125x64xf32, #tpu.memory_space<vmem>> -> memref<125x64xf32, #tpu.memory_space<vmem>>
        %dma_wait3A_231 = arith.constant 0 : i32
        %dma_wait3A_232 = tpu.memref_slice %arg7[%add3A_195, %dma_wait3A_231] : memref<80x125xi32, #tpu.memory_space<vmem>> -> memref<1x125xi32, #tpu.memory_space<vmem>>
        %dma_wait3A_233 = tpu.memref_squeeze %dma_wait3A_232 : memref<1x125xi32, #tpu.memory_space<vmem>> -> memref<125xi32, #tpu.memory_space<vmem>>
        %dma_wait3A_234 = arith.constant 0 : i32
        %dma_wait3A_235 = arith.constant 0 : i32
        %dma_wait3A_236 = tpu.memref_slice %arg10[%dma_wait3A_234, %dma_wait3A_235] : memref<10000x64xf32, #tpu.memory_space<vmem_shared>> -> memref<10000x64xf32, #tpu.memory_space<vmem_shared>>
        tpu.wait_indirect_dma semaphore(%run_scoped3A_216 : memref<!tpu.dma_semaphore, #tpu.memory_space<semaphore_mem>>) src(%dma_wait3A_230 : memref<125x64xf32, #tpu.memory_space<vmem>>) dst(%dma_wait3A_236 : memref<10000x64xf32, #tpu.memory_space<vmem_shared>>)
        tpu.yield
      }) : () -> ()
      %add3A_208 = arith.constant 5 : i32
      %add3A_209 = arith.addi %add3A_195, %add3A_208 : i32
      %lt3A_210 = arith.constant 80 : i32
      %lt3A_211 = arith.cmpi slt, %add3A_209, %lt3A_210 : i32
      %convert_element_type3A_212 = arith.extui %lt3A_211 : i1 to i32
      %cond3A_213 = arith.constant 0 : i32
      %cond3A_214 = arith.cmpi ne, %convert_element_type3A_212, %cond3A_213 : i32
      scf.if %cond3A_214 {
        %add3A_216 = arith.constant 5 : i32
        %add3A_217 = arith.addi %add3A_195, %add3A_216 : i32
        %dma_start3A_218 = arith.constant 4 : i32
        %dma_start3A_219 = arith.constant 0 : i32
        %dma_start3A_220 = arith.constant 0 : i32
        %dma_start3A_221 = tpu.memref_slice %arg8[%dma_start3A_218, %dma_start3A_219, %dma_start3A_220] : memref<5x125x64xf32, #tpu.memory_space<vmem>> -> memref<1x125x64xf32, #tpu.memory_space<vmem>>
        %dma_start3A_222 = tpu.memref_squeeze %dma_start3A_221 : memref<1x125x64xf32, #tpu.memory_space<vmem>> -> memref<125x64xf32, #tpu.memory_space<vmem>>
        %dma_start3A_223 = arith.constant 0 : i32
        %dma_start3A_224 = tpu.memref_slice %arg6[%add3A_217, %dma_start3A_223] : memref<80x125xi32, #tpu.memory_space<vmem>> -> memref<1x125xi32, #tpu.memory_space<vmem>>
        %dma_start3A_225 = tpu.memref_squeeze %dma_start3A_224 : memref<1x125xi32, #tpu.memory_space<vmem>> -> memref<125xi32, #tpu.memory_space<vmem>>
        %dma_start3A_226 = arith.constant 0 : i32
        %dma_start3A_227 = arith.constant 0 : i32
        %dma_start3A_228 = tpu.memref_slice %arg2[%dma_start3A_226, %dma_start3A_227] : memref<10000x64xf32, #tpu.memory_space<hbm>> -> memref<10000x64xf32, #tpu.memory_space<hbm>>
        tpu.enqueue_indirect_dma source(%dma_start3A_228 : memref<10000x64xf32, #tpu.memory_space<hbm>>) target(%dma_start3A_222 : memref<125x64xf32, #tpu.memory_space<vmem>>) offsets(%dma_start3A_225 : memref<125xi32, #tpu.memory_space<vmem>>) semaphore(%arg15 : memref<!tpu.dma_semaphore, #tpu.memory_space<semaphore_mem>>)
      } else {
      }
      %scan3A_215 = arith.constant 0 : i32
      scf.yield %scan3A_215 : i32
    }
    %scan3A_90 = arith.constant 16 : i32
    %barrier3A_91 = arith.constant 0 : index
    tpu.barrier barrier_id(%barrier3A_91)
    %mul3A_92 = arith.constant 624 : i32
    %mul3A_93 = arith.muli %arg1, %mul3A_92 : i32
    %mul3A_94 = arith.constant 624 : i32
    %mul3A_95 = arith.muli %arg1, %mul3A_94 : i32
    "tpu.region"() ({
      %run_scoped3A = tpu.sem_alloc : memref<!tpu.dma_semaphore, #tpu.memory_space<semaphore_mem>>
      %dma_start3A_101 = arith.constant 0 : i32
      %dma_start3A_102 = tpu.memref_slice %arg5[%arg0, %mul3A_95, %dma_start3A_101] : memref<2x10000x64xf32, #tpu.memory_space<hbm>> -> memref<1x624x64xf32, #tpu.memory_space<hbm>>
      %dma_start3A_103 = tpu.memref_squeeze %dma_start3A_102 : memref<1x624x64xf32, #tpu.memory_space<hbm>> -> memref<624x64xf32, #tpu.memory_space<hbm>>
      %dma_start3A_104 = arith.constant 0 : i32
      %dma_start3A_105 = tpu.memref_slice %arg10[%mul3A_93, %dma_start3A_104] : memref<10000x64xf32, #tpu.memory_space<vmem_shared>> -> memref<624x64xf32, #tpu.memory_space<vmem_shared>>
      tpu.enqueue_dma source(%dma_start3A_105 : memref<624x64xf32, #tpu.memory_space<vmem_shared>>) target(%dma_start3A_103 : memref<624x64xf32, #tpu.memory_space<hbm>>) target_semaphore(%run_scoped3A : memref<!tpu.dma_semaphore, #tpu.memory_space<semaphore_mem>>)
      %dma_wait3A = arith.constant 0 : i32
      %dma_wait3A_106 = tpu.memref_slice %arg5[%arg0, %mul3A_95, %dma_wait3A] : memref<2x10000x64xf32, #tpu.memory_space<hbm>> -> memref<1x624x64xf32, #tpu.memory_space<hbm>>
      %dma_wait3A_107 = tpu.memref_squeeze %dma_wait3A_106 : memref<1x624x64xf32, #tpu.memory_space<hbm>> -> memref<624x64xf32, #tpu.memory_space<hbm>>
      %dma_wait3A_108 = arith.constant 0 : i32
      %dma_wait3A_109 = tpu.memref_slice %arg10[%mul3A_93, %dma_wait3A_108] : memref<10000x64xf32, #tpu.memory_space<vmem_shared>> -> memref<624x64xf32, #tpu.memory_space<vmem_shared>>
      tpu.wait_dma2 semaphore(%run_scoped3A : memref<!tpu.dma_semaphore, #tpu.memory_space<semaphore_mem>>) src(%dma_wait3A_109 : memref<624x64xf32, #tpu.memory_space<vmem_shared>>) dst(%dma_wait3A_107 : memref<624x64xf32, #tpu.memory_space<hbm>>)
      tpu.yield
    }) : () -> ()
    %eq3A_96 = arith.constant 15 : i32
    %eq3A_97 = arith.cmpi eq, %arg1, %eq3A_96 : i32
    %convert_element_type3A_98 = arith.extui %eq3A_97 : i1 to i32
    %cond3A_99 = arith.constant 0 : i32
    %cond3A_100 = arith.cmpi ne, %convert_element_type3A_98, %cond3A_99 : i32
    scf.if %cond3A_100 {
      "tpu.region"() ({
        %run_scoped3A = tpu.sem_alloc : memref<!tpu.dma_semaphore, #tpu.memory_space<semaphore_mem>>
        %dma_start3A_101 = arith.constant 9984 : i32
        %dma_start3A_102 = arith.constant 0 : i32
        %dma_start3A_103 = tpu.memref_slice %arg5[%arg0, %dma_start3A_101, %dma_start3A_102] : memref<2x10000x64xf32, #tpu.memory_space<hbm>> -> memref<1x16x64xf32, #tpu.memory_space<hbm>>
        %dma_start3A_104 = tpu.memref_squeeze %dma_start3A_103 : memref<1x16x64xf32, #tpu.memory_space<hbm>> -> memref<16x64xf32, #tpu.memory_space<hbm>>
        %dma_start3A_105 = arith.constant 9984 : i32
        %dma_start3A_106 = arith.constant 0 : i32
        %dma_start3A_107 = tpu.memref_slice %arg10[%dma_start3A_105, %dma_start3A_106] : memref<10000x64xf32, #tpu.memory_space<vmem_shared>> -> memref<16x64xf32, #tpu.memory_space<vmem_shared>>
        tpu.enqueue_dma source(%dma_start3A_107 : memref<16x64xf32, #tpu.memory_space<vmem_shared>>) target(%dma_start3A_104 : memref<16x64xf32, #tpu.memory_space<hbm>>) target_semaphore(%run_scoped3A : memref<!tpu.dma_semaphore, #tpu.memory_space<semaphore_mem>>)
        %dma_wait3A = arith.constant 9984 : i32
        %dma_wait3A_108 = arith.constant 0 : i32
        %dma_wait3A_109 = tpu.memref_slice %arg5[%arg0, %dma_wait3A, %dma_wait3A_108] : memref<2x10000x64xf32, #tpu.memory_space<hbm>> -> memref<1x16x64xf32, #tpu.memory_space<hbm>>
        %dma_wait3A_110 = tpu.memref_squeeze %dma_wait3A_109 : memref<1x16x64xf32, #tpu.memory_space<hbm>> -> memref<16x64xf32, #tpu.memory_space<hbm>>
        %dma_wait3A_111 = arith.constant 9984 : i32
        %dma_wait3A_112 = arith.constant 0 : i32
        %dma_wait3A_113 = tpu.memref_slice %arg10[%dma_wait3A_111, %dma_wait3A_112] : memref<10000x64xf32, #tpu.memory_space<vmem_shared>> -> memref<16x64xf32, #tpu.memory_space<vmem_shared>>
        tpu.wait_dma2 semaphore(%run_scoped3A : memref<!tpu.dma_semaphore, #tpu.memory_space<semaphore_mem>>) src(%dma_wait3A_113 : memref<16x64xf32, #tpu.memory_space<vmem_shared>>) dst(%dma_wait3A_110 : memref<16x64xf32, #tpu.memory_space<hbm>>)
        tpu.yield
      }) : () -> ()
    } else {
    }
    return
  }
}

module attributes {stable_mosaic.version = 14 : i64} {
  func.func @_tc_kl0_body(%arg0: i32, %arg1: memref<2000x128xf32, #tpu.memory_space<vmem>>, %arg2: memref<64x128xf32, #tpu.memory_space<vmem>>, %arg3: memref<64x64xf32, #tpu.memory_space<vmem>>, %arg4: memref<2000x64xf32, #tpu.memory_space<vmem>>) attributes {dimension_semantics = [#tpu.dimension_semantics<arbitrary>], iteration_bounds = array<i64: 5>, scalar_prefetch = 0 : i64, scratch_operands = 0 : i64, tpu.core_type = #tpu.core_type<tc>, window_params = [{transform_indices = @transform_0, window_bounds = array<i64: 2000, 128>}, {pipeline_mode = #tpu.pipeline_mode<synchronous>, transform_indices = @transform_1, window_bounds = array<i64: 64, 128>}, {pipeline_mode = #tpu.pipeline_mode<synchronous>, transform_indices = @transform_2, window_bounds = array<i64: 64, 64>}, {transform_indices = @transform_3, window_bounds = array<i64: 2000, 64>}]} {
    %get3A = arith.constant 0 : index
    %get3A_0 = arith.constant 0 : index
    %get3A_1 = vector.load %arg1[%get3A, %get3A_0] : memref<2000x128xf32, #tpu.memory_space<vmem>>, vector<2000x128xf32>
    %get3A_2 = arith.constant 0 : index
    %get3A_3 = arith.constant 0 : index
    %get3A_4 = vector.load %arg2[%get3A_2, %get3A_3] : memref<64x128xf32, #tpu.memory_space<vmem>>, vector<64x128xf32>
    %get3A_5 = arith.constant 0 : index
    %get3A_6 = arith.constant 0 : index
    %get3A_7 = vector.load %arg3[%get3A_5, %get3A_6] : memref<64x64xf32, #tpu.memory_space<vmem>>, vector<64x64xf32>
    %mul3A = arith.mulf %get3A_1, %get3A_1 : vector<2000x128xf32>
    %reduce_sum3A = arith.constant dense<0.000000e+00> : vector<2000xf32>
    %reduce_sum3A_8 = vector.multi_reduction <add>, %mul3A, %reduce_sum3A [1] : vector<2000x128xf32> to vector<2000xf32>
    %broadcast_in_dim3A = vector.shape_cast %reduce_sum3A_8 : vector<2000xf32> to vector<2000x1xf32>
    %sqrt3A = math.sqrt %broadcast_in_dim3A : vector<2000x1xf32>
    %max3A = arith.constant 9.99999997E-7 : f32
    %max3A_9 = vector.broadcast %max3A : f32 to vector<2000x1xf32>
    %max3A_10 = arith.maximumf %sqrt3A, %max3A_9 : vector<2000x1xf32>
    %div3A = vector.broadcast %max3A_10 : vector<2000x1xf32> to vector<2000x128xf32>
    %div3A_11 = arith.divf %get3A_1, %div3A : vector<2000x128xf32>
    %dot_general3A = arith.constant dense<0.000000e+00> : vector<2000x64xf32>
    %dot_general3A_12 = tpu.matmul %div3A_11, %get3A_4, %dot_general3A {dimension_numbers = #tpu.dot_dimension_numbers<[1], [1], [0], [0], [0, 0, 1, 0], [], []>, transpose_lhs_hint = false} : vector<2000x128xf32>, vector<64x128xf32>, vector<2000x64xf32> -> vector<2000x64xf32>
    %sub3A = arith.constant 1.000000e+00 : f32
    %sub3A_13 = vector.broadcast %sub3A : f32 to vector<2000x64xf32>
    %sub3A_14 = arith.subf %dot_general3A_12, %sub3A_13 : vector<2000x64xf32>
    %exp3A = math.exp %sub3A_14 : vector<2000x64xf32>
    %mul3A_15 = vector.broadcast %sqrt3A : vector<2000x1xf32> to vector<2000x64xf32>
    %mul3A_16 = arith.mulf %mul3A_15, %exp3A : vector<2000x64xf32>
    %dot_general3A_17 = arith.constant dense<0.000000e+00> : vector<2000x64xf32>
    %dot_general3A_18 = tpu.matmul %mul3A_16, %get3A_7, %dot_general3A_17 {dimension_numbers = #tpu.dot_dimension_numbers<[1], [0], [0], [1], [0, 0, 1, 1], [], []>, transpose_lhs_hint = false} : vector<2000x64xf32>, vector<64x64xf32>, vector<2000x64xf32> -> vector<2000x64xf32>
    %swap3A = arith.constant 0 : index
    %swap3A_19 = arith.constant 0 : index
    %swap3A_20 = vector.load %arg4[%swap3A, %swap3A_19] : memref<2000x64xf32, #tpu.memory_space<vmem>>, vector<2000x64xf32>
    tpu.vector_store %arg4[%swap3A, %swap3A_19], %dot_general3A_18 {strides = array<i32>} : memref<2000x64xf32, #tpu.memory_space<vmem>>, vector<2000x64xf32>,
    return
  }
  func.func @transform_0(%arg0: i32) -> (i32, i32) {
    %c0_i32 = arith.constant 0 : i32
    %c0_i32_0 = arith.constant 0 : i32
    return %arg0, %c0_i32 : i32, i32
  }
  func.func @transform_1(%arg0: i32) -> (i32, i32) {
    %c0_i32 = arith.constant 0 : i32
    %c0_i32_0 = arith.constant 0 : i32
    %c0_i32_1 = arith.constant 0 : i32
    return %c0_i32, %c0_i32_0 : i32, i32
  }
  func.func @transform_2(%arg0: i32) -> (i32, i32) {
    %c0_i32 = arith.constant 0 : i32
    %c0_i32_0 = arith.constant 0 : i32
    %c0_i32_1 = arith.constant 0 : i32
    return %c0_i32, %c0_i32_0 : i32, i32
  }
  func.func @transform_3(%arg0: i32) -> (i32, i32) {
    %c0_i32 = arith.constant 0 : i32
    %c0_i32_0 = arith.constant 0 : i32
    return %arg0, %c0_i32 : i32, i32
  }
}

module attributes {stable_mosaic.version = 14 : i64} {
  func.func @_tc_fie1_body(%arg0: i32, %arg1: memref<2x2000x64xf32, #tpu.memory_space<vmem>>, %arg2: memref<2x2000x16xf32, #tpu.memory_space<vmem>>, %arg3: memref<2000x64xf32, #tpu.memory_space<vmem>>, %arg4: memref<1x64xf32, #tpu.memory_space<vmem>>, %arg5: memref<64x64xf32, #tpu.memory_space<vmem>>, %arg6: memref<64x64xf32, #tpu.memory_space<vmem>>, %arg7: memref<2000x64xf32, #tpu.memory_space<vmem>>) attributes {dimension_semantics = [#tpu.dimension_semantics<arbitrary>], iteration_bounds = array<i64: 5>, scalar_prefetch = 0 : i64, scratch_operands = 0 : i64, tpu.core_type = #tpu.core_type<tc>, window_params = [{transform_indices = @transform_0, window_bounds = array<i64: 2, 2000, 64>}, {transform_indices = @transform_1, window_bounds = array<i64: 2, 2000, 16>}, {transform_indices = @transform_2, window_bounds = array<i64: 2000, 64>}, {pipeline_mode = #tpu.pipeline_mode<synchronous>, transform_indices = @transform_3, window_bounds = array<i64: 1, 64>}, {pipeline_mode = #tpu.pipeline_mode<synchronous>, transform_indices = @transform_4, window_bounds = array<i64: 64, 64>}, {pipeline_mode = #tpu.pipeline_mode<synchronous>, transform_indices = @transform_5, window_bounds = array<i64: 64, 64>}, {transform_indices = @transform_6, window_bounds = array<i64: 2000, 64>}]} {
    %get3A = arith.constant 0 : index
    %get3A_0 = arith.constant 0 : index
    %get3A_1 = arith.constant 0 : index
    %get3A_2 = vector.load %arg1[%get3A, %get3A_0, %get3A_1] : memref<2x2000x64xf32, #tpu.memory_space<vmem>>, vector<1x2000x64xf32>
    %get3A_3 = vector.shape_cast %get3A_2 : vector<1x2000x64xf32> to vector<2000x64xf32>
    %get3A_4 = arith.constant 1 : index
    %get3A_5 = arith.constant 0 : index
    %get3A_6 = arith.constant 0 : index
    %get3A_7 = vector.load %arg1[%get3A_4, %get3A_5, %get3A_6] : memref<2x2000x64xf32, #tpu.memory_space<vmem>>, vector<1x2000x64xf32>
    %get3A_8 = vector.shape_cast %get3A_7 : vector<1x2000x64xf32> to vector<2000x64xf32>
    %add3A = arith.addf %get3A_3, %get3A_8 : vector<2000x64xf32>
    %get3A_9 = arith.constant 0 : index
    %get3A_10 = arith.constant 0 : index
    %get3A_11 = arith.constant 0 : index
    %get3A_12 = vector.load %arg2[%get3A_9, %get3A_10, %get3A_11] : memref<2x2000x16xf32, #tpu.memory_space<vmem>>, vector<1x2000x1xf32>
    %get3A_13 = vector.shape_cast %get3A_12 : vector<1x2000x1xf32> to vector<2000x1xf32>
    %get3A_14 = arith.constant 1 : index
    %get3A_15 = arith.constant 0 : index
    %get3A_16 = arith.constant 0 : index
    %get3A_17 = vector.load %arg2[%get3A_14, %get3A_15, %get3A_16] : memref<2x2000x16xf32, #tpu.memory_space<vmem>>, vector<1x2000x1xf32>
    %get3A_18 = vector.shape_cast %get3A_17 : vector<1x2000x1xf32> to vector<2000x1xf32>
    %add3A_19 = arith.addf %get3A_13, %get3A_18 : vector<2000x1xf32>
    %get3A_20 = arith.constant 0 : index
    %get3A_21 = arith.constant 0 : index
    %get3A_22 = vector.load %arg4[%get3A_20, %get3A_21] : memref<1x64xf32, #tpu.memory_space<vmem>>, vector<1x64xf32>
    %mul3A = vector.broadcast %add3A_19 : vector<2000x1xf32> to vector<2000x64xf32>
    %mul3A_23 = vector.broadcast %get3A_22 : vector<1x64xf32> to vector<2000x64xf32>
    %mul3A_24 = arith.mulf %mul3A, %mul3A_23 : vector<2000x64xf32>
    %sub3A = arith.subf %add3A, %mul3A_24 : vector<2000x64xf32>
    %max3A = arith.constant 1.000000e+00 : f32
    %max3A_25 = vector.broadcast %max3A : f32 to vector<2000x1xf32>
    %max3A_26 = arith.maximumf %add3A_19, %max3A_25 : vector<2000x1xf32>
    %sqrt3A = math.sqrt %max3A_26 : vector<2000x1xf32>
    %div3A = vector.broadcast %sqrt3A : vector<2000x1xf32> to vector<2000x64xf32>
    %div3A_27 = arith.divf %sub3A, %div3A : vector<2000x64xf32>
    %get3A_28 = arith.constant 0 : index
    %get3A_29 = arith.constant 0 : index
    %get3A_30 = vector.load %arg5[%get3A_28, %get3A_29] : memref<64x64xf32, #tpu.memory_space<vmem>>, vector<64x64xf32>
    %get3A_31 = arith.constant 0 : index
    %get3A_32 = arith.constant 0 : index
    %get3A_33 = vector.load %arg6[%get3A_31, %get3A_32] : memref<64x64xf32, #tpu.memory_space<vmem>>, vector<64x64xf32>
    %mul3A_34 = arith.mulf %div3A_27, %div3A_27 : vector<2000x64xf32>
    %reduce_sum3A = arith.constant dense<0.000000e+00> : vector<2000xf32>
    %reduce_sum3A_35 = vector.multi_reduction <add>, %mul3A_34, %reduce_sum3A [1] : vector<2000x64xf32> to vector<2000xf32>
    %broadcast_in_dim3A = vector.shape_cast %reduce_sum3A_35 : vector<2000xf32> to vector<2000x1xf32>
    %sqrt3A_36 = math.sqrt %broadcast_in_dim3A : vector<2000x1xf32>
    %max3A_37 = arith.constant 9.99999997E-7 : f32
    %max3A_38 = vector.broadcast %max3A_37 : f32 to vector<2000x1xf32>
    %max3A_39 = arith.maximumf %sqrt3A_36, %max3A_38 : vector<2000x1xf32>
    %div3A_40 = vector.broadcast %max3A_39 : vector<2000x1xf32> to vector<2000x64xf32>
    %div3A_41 = arith.divf %div3A_27, %div3A_40 : vector<2000x64xf32>
    %dot_general3A = arith.constant dense<0.000000e+00> : vector<2000x64xf32>
    %dot_general3A_42 = tpu.matmul %div3A_41, %get3A_30, %dot_general3A {dimension_numbers = #tpu.dot_dimension_numbers<[1], [1], [0], [0], [0, 0, 1, 0], [], []>, transpose_lhs_hint = false} : vector<2000x64xf32>, vector<64x64xf32>, vector<2000x64xf32> -> vector<2000x64xf32>
    %sub3A_43 = arith.constant 1.000000e+00 : f32
    %sub3A_44 = vector.broadcast %sub3A_43 : f32 to vector<2000x64xf32>
    %sub3A_45 = arith.subf %dot_general3A_42, %sub3A_44 : vector<2000x64xf32>
    %exp3A = math.exp %sub3A_45 : vector<2000x64xf32>
    %mul3A_46 = vector.broadcast %sqrt3A_36 : vector<2000x1xf32> to vector<2000x64xf32>
    %mul3A_47 = arith.mulf %mul3A_46, %exp3A : vector<2000x64xf32>
    %dot_general3A_48 = arith.constant dense<0.000000e+00> : vector<2000x64xf32>
    %dot_general3A_49 = tpu.matmul %mul3A_47, %get3A_33, %dot_general3A_48 {dimension_numbers = #tpu.dot_dimension_numbers<[1], [0], [0], [1], [0, 0, 1, 1], [], []>, transpose_lhs_hint = false} : vector<2000x64xf32>, vector<64x64xf32>, vector<2000x64xf32> -> vector<2000x64xf32>
    %get3A_50 = arith.constant 0 : index
    %get3A_51 = arith.constant 0 : index
    %get3A_52 = vector.load %arg3[%get3A_50, %get3A_51] : memref<2000x64xf32, #tpu.memory_space<vmem>>, vector<2000x64xf32>
    %add3A_53 = arith.addf %dot_general3A_49, %get3A_52 : vector<2000x64xf32>
    %swap3A = arith.constant 0 : index
    %swap3A_54 = arith.constant 0 : index
    %swap3A_55 = vector.load %arg7[%swap3A, %swap3A_54] : memref<2000x64xf32, #tpu.memory_space<vmem>>, vector<2000x64xf32>
    tpu.vector_store %arg7[%swap3A, %swap3A_54], %add3A_53 {strides = array<i32>} : memref<2000x64xf32, #tpu.memory_space<vmem>>, vector<2000x64xf32>,
    return
  }
  func.func @transform_0(%arg0: i32) -> (i32, i32, i32) {
    %c0_i32 = arith.constant 0 : i32
    %c0_i32_0 = arith.constant 0 : i32
    %c0_i32_1 = arith.constant 0 : i32
    return %c0_i32, %arg0, %c0_i32_0 : i32, i32, i32
  }
  func.func @transform_1(%arg0: i32) -> (i32, i32, i32) {
    %c0_i32 = arith.constant 0 : i32
    %c0_i32_0 = arith.constant 0 : i32
    %c0_i32_1 = arith.constant 0 : i32
    return %c0_i32, %arg0, %c0_i32_0 : i32, i32, i32
  }
  func.func @transform_2(%arg0: i32) -> (i32, i32) {
    %c0_i32 = arith.constant 0 : i32
    %c0_i32_0 = arith.constant 0 : i32
    return %arg0, %c0_i32 : i32, i32
  }
  func.func @transform_3(%arg0: i32) -> (i32, i32) {
    %c0_i32 = arith.constant 0 : i32
    %c0_i32_0 = arith.constant 0 : i32
    %c0_i32_1 = arith.constant 0 : i32
    return %c0_i32, %c0_i32_0 : i32, i32
  }
  func.func @transform_4(%arg0: i32) -> (i32, i32) {
    %c0_i32 = arith.constant 0 : i32
    %c0_i32_0 = arith.constant 0 : i32
    %c0_i32_1 = arith.constant 0 : i32
    return %c0_i32, %c0_i32_0 : i32, i32
  }
  func.func @transform_5(%arg0: i32) -> (i32, i32) {
    %c0_i32 = arith.constant 0 : i32
    %c0_i32_0 = arith.constant 0 : i32
    %c0_i32_1 = arith.constant 0 : i32
    return %c0_i32, %c0_i32_0 : i32, i32
  }
  func.func @transform_6(%arg0: i32) -> (i32, i32) {
    %c0_i32 = arith.constant 0 : i32
    %c0_i32_0 = arith.constant 0 : i32
    return %arg0, %c0_i32 : i32, i32
  }
}

module attributes {stable_mosaic.version = 14 : i64} {
  func.func @_tc_final_body(%arg0: i32, %arg1: memref<2x2000x64xf32, #tpu.memory_space<vmem>>, %arg2: memref<2x2000x16xf32, #tpu.memory_space<vmem>>, %arg3: memref<2000x64xf32, #tpu.memory_space<vmem>>, %arg4: memref<1x1x2000xi32, #tpu.memory_space<vmem>>, %arg5: memref<1x64xf32, #tpu.memory_space<vmem>>, %arg6: memref<1x64xf32, #tpu.memory_space<vmem>>, %arg7: memref<64x64xf32, #tpu.memory_space<vmem>>, %arg8: memref<64x64xf32, #tpu.memory_space<vmem>>, %arg9: memref<64x64xf32, #tpu.memory_space<vmem>>, %arg10: memref<64x128xf32, #tpu.memory_space<vmem>>) attributes {dimension_semantics = [#tpu.dimension_semantics<arbitrary>], iteration_bounds = array<i64: 5>, scalar_prefetch = 0 : i64, scratch_operands = 1 : i64, tpu.core_type = #tpu.core_type<tc>, window_params = [{transform_indices = @transform_0, window_bounds = array<i64: 2, 2000, 64>}, {transform_indices = @transform_1, window_bounds = array<i64: 2, 2000, 16>}, {transform_indices = @transform_2, window_bounds = array<i64: 2000, 64>}, {transform_indices = @transform_3, window_bounds = array<i64: 1, 1, 2000>}, {pipeline_mode = #tpu.pipeline_mode<synchronous>, transform_indices = @transform_4, window_bounds = array<i64: 1, 64>}, {pipeline_mode = #tpu.pipeline_mode<synchronous>, transform_indices = @transform_5, window_bounds = array<i64: 1, 64>}, {pipeline_mode = #tpu.pipeline_mode<synchronous>, transform_indices = @transform_6, window_bounds = array<i64: 64, 64>}, {pipeline_mode = #tpu.pipeline_mode<synchronous>, transform_indices = @transform_7, window_bounds = array<i64: 64, 64>}, {pipeline_mode = #tpu.pipeline_mode<synchronous>, transform_indices = @transform_8, window_bounds = array<i64: 64, 64>}]} {
    %get3A = arith.constant 0 : index
    %get3A_0 = arith.constant 0 : index
    %get3A_1 = arith.constant 0 : index
    %get3A_2 = vector.load %arg1[%get3A, %get3A_0, %get3A_1] : memref<2x2000x64xf32, #tpu.memory_space<vmem>>, vector<1x2000x64xf32>
    %get3A_3 = vector.shape_cast %get3A_2 : vector<1x2000x64xf32> to vector<2000x64xf32>
    %get3A_4 = arith.constant 1 : index
    %get3A_5 = arith.constant 0 : index
    %get3A_6 = arith.constant 0 : index
    %get3A_7 = vector.load %arg1[%get3A_4, %get3A_5, %get3A_6] : memref<2x2000x64xf32, #tpu.memory_space<vmem>>, vector<1x2000x64xf32>
    %get3A_8 = vector.shape_cast %get3A_7 : vector<1x2000x64xf32> to vector<2000x64xf32>
    %add3A = arith.addf %get3A_3, %get3A_8 : vector<2000x64xf32>
    %get3A_9 = arith.constant 0 : index
    %get3A_10 = arith.constant 0 : index
    %get3A_11 = arith.constant 0 : index
    %get3A_12 = vector.load %arg2[%get3A_9, %get3A_10, %get3A_11] : memref<2x2000x16xf32, #tpu.memory_space<vmem>>, vector<1x2000x1xf32>
    %get3A_13 = vector.shape_cast %get3A_12 : vector<1x2000x1xf32> to vector<2000x1xf32>
    %get3A_14 = arith.constant 1 : index
    %get3A_15 = arith.constant 0 : index
    %get3A_16 = arith.constant 0 : index
    %get3A_17 = vector.load %arg2[%get3A_14, %get3A_15, %get3A_16] : memref<2x2000x16xf32, #tpu.memory_space<vmem>>, vector<1x2000x1xf32>
    %get3A_18 = vector.shape_cast %get3A_17 : vector<1x2000x1xf32> to vector<2000x1xf32>
    %add3A_19 = arith.addf %get3A_13, %get3A_18 : vector<2000x1xf32>
    %get3A_20 = arith.constant 0 : index
    %get3A_21 = arith.constant 0 : index
    %get3A_22 = vector.load %arg5[%get3A_20, %get3A_21] : memref<1x64xf32, #tpu.memory_space<vmem>>, vector<1x64xf32>
    %mul3A = vector.broadcast %add3A_19 : vector<2000x1xf32> to vector<2000x64xf32>
    %mul3A_23 = vector.broadcast %get3A_22 : vector<1x64xf32> to vector<2000x64xf32>
    %mul3A_24 = arith.mulf %mul3A, %mul3A_23 : vector<2000x64xf32>
    %sub3A = arith.subf %add3A, %mul3A_24 : vector<2000x64xf32>
    %max3A = arith.constant 1.000000e+00 : f32
    %max3A_25 = vector.broadcast %max3A : f32 to vector<2000x1xf32>
    %max3A_26 = arith.maximumf %add3A_19, %max3A_25 : vector<2000x1xf32>
    %sqrt3A = math.sqrt %max3A_26 : vector<2000x1xf32>
    %div3A = vector.broadcast %sqrt3A : vector<2000x1xf32> to vector<2000x64xf32>
    %div3A_27 = arith.divf %sub3A, %div3A : vector<2000x64xf32>
    %get3A_28 = arith.constant 0 : index
    %get3A_29 = arith.constant 0 : index
    %get3A_30 = vector.load %arg3[%get3A_28, %get3A_29] : memref<2000x64xf32, #tpu.memory_space<vmem>>, vector<2000x64xf32>
    %add3A_31 = arith.addf %div3A_27, %get3A_30 : vector<2000x64xf32>
    %get3A_32 = arith.constant 0 : index
    %get3A_33 = arith.constant 0 : index
    %get3A_34 = arith.constant 0 : index
    %get3A_35 = vector.load %arg4[%get3A_32, %get3A_33, %get3A_34] : memref<1x1x2000xi32, #tpu.memory_space<vmem>>, vector<1x1x2000xi32>
    %get3A_36 = vector.shape_cast %get3A_35 : vector<1x1x2000xi32> to vector<2000xi32>
    %broadcast_in_dim3A = vector.shape_cast %get3A_36 : vector<2000xi32> to vector<1x2000xi32>
    %iota3A = tpu.iota {dimensions = array<i32: 0>} : vector<64x2000xi32>
    %eq3A = vector.broadcast %broadcast_in_dim3A : vector<1x2000xi32> to vector<64x2000xi32>
    %eq3A_37 = arith.cmpi eq, %eq3A, %iota3A : vector<64x2000xi32>
    %convert_element_type3A = arith.extui %eq3A_37 : vector<64x2000xi1> to vector<64x2000xi32>
    %convert_element_type3A_38 = arith.sitofp %convert_element_type3A : vector<64x2000xi32> to vector<64x2000xf32>
    %convert_element_type3A_39 = arith.truncf %convert_element_type3A_38 : vector<64x2000xf32> to vector<64x2000xbf16>
    %broadcast_in_dim3A_40 = arith.constant 1.000000e+00 : f32
    %broadcast_in_dim3A_41 = vector.broadcast %broadcast_in_dim3A_40 : f32 to vector<2000x64xf32>
    %concatenate3A = tpu.concatenate %add3A_31, %broadcast_in_dim3A_41 in 1 : vector<2000x64xf32>, vector<2000x64xf32> -> vector<2000x128xf32>
    %convert_element_type3A_42 = arith.truncf %concatenate3A : vector<2000x128xf32> to vector<2000x128xbf16>
    %convert_element_type3A_43 = arith.extf %convert_element_type3A_42 : vector<2000x128xbf16> to vector<2000x128xf32>
    %sub3A_44 = arith.subf %concatenate3A, %convert_element_type3A_43 : vector<2000x128xf32>
    %convert_element_type3A_45 = arith.truncf %sub3A_44 : vector<2000x128xf32> to vector<2000x128xbf16>
    %dot_general3A = arith.constant dense<0.000000e+00> : vector<64x128xf32>
    %dot_general3A_46 = tpu.matmul %convert_element_type3A_39, %convert_element_type3A_42, %dot_general3A {dimension_numbers = #tpu.dot_dimension_numbers<[1], [0], [0], [1], [0, 0, 1, 1], [], []>, transpose_lhs_hint = false} : vector<64x2000xbf16>, vector<2000x128xbf16>, vector<64x128xf32> -> vector<64x128xf32>
    %dot_general3A_47 = arith.constant dense<0.000000e+00> : vector<64x128xf32>
    %dot_general3A_48 = tpu.matmul %convert_element_type3A_39, %convert_element_type3A_45, %dot_general3A_47 {dimension_numbers = #tpu.dot_dimension_numbers<[1], [0], [0], [1], [0, 0, 1, 1], [], []>, transpose_lhs_hint = false} : vector<64x2000xbf16>, vector<2000x128xbf16>, vector<64x128xf32> -> vector<64x128xf32>
    %add3A_49 = arith.addf %dot_general3A_46, %dot_general3A_48 : vector<64x128xf32>
    %eq3A_50 = arith.constant 0 : i32
    %eq3A_51 = arith.cmpi eq, %arg0, %eq3A_50 : i32
    %convert_element_type3A_52 = arith.extui %eq3A_51 : i1 to i32
    %cond3A = arith.constant 0 : i32
    %cond3A_53 = arith.cmpi ne, %convert_element_type3A_52, %cond3A : i32
    scf.if %cond3A_53 {
      %swap3A = arith.constant 0 : index
      %swap3A_63 = arith.constant 0 : index
      %swap3A_64 = vector.load %arg10[%swap3A, %swap3A_63] : memref<64x128xf32, #tpu.memory_space<vmem>>, vector<64x128xf32>
      tpu.vector_store %arg10[%swap3A, %swap3A_63], %add3A_49 {strides = array<i32>} : memref<64x128xf32, #tpu.memory_space<vmem>>, vector<64x128xf32>,
    } else {
    }
    %gt3A = arith.constant 0 : i32
    %gt3A_54 = arith.cmpi sgt, %arg0, %gt3A : i32
    %convert_element_type3A_55 = arith.extui %gt3A_54 : i1 to i32
    %cond3A_56 = arith.constant 0 : i32
    %cond3A_57 = arith.cmpi ne, %convert_element_type3A_55, %cond3A_56 : i32
    scf.if %cond3A_57 {
      %get3A_63 = arith.constant 0 : index
      %get3A_64 = arith.constant 0 : index
      %get3A_65 = vector.load %arg10[%get3A_63, %get3A_64] : memref<64x128xf32, #tpu.memory_space<vmem>>, vector<64x128xf32>
      %add3A_66 = arith.addf %get3A_65, %add3A_49 : vector<64x128xf32>
      %swap3A = arith.constant 0 : index
      %swap3A_67 = arith.constant 0 : index
      %swap3A_68 = vector.load %arg10[%swap3A, %swap3A_67] : memref<64x128xf32, #tpu.memory_space<vmem>>, vector<64x128xf32>
      tpu.vector_store %arg10[%swap3A, %swap3A_67], %add3A_66 {strides = array<i32>} : memref<64x128xf32, #tpu.memory_space<vmem>>, vector<64x128xf32>,
    } else {
    }
    %eq3A_58 = arith.constant 4 : i32
    %eq3A_59 = arith.cmpi eq, %arg0, %eq3A_58 : i32
    %convert_element_type3A_60 = arith.extui %eq3A_59 : i1 to i32
    %cond3A_61 = arith.constant 0 : i32
    %cond3A_62 = arith.cmpi ne, %convert_element_type3A_60, %cond3A_61 : i32
    scf.if %cond3A_62 {
      %get3A_63 = arith.constant 0 : index
      %get3A_64 = arith.constant 0 : index
      %get3A_65 = vector.load %arg10[%get3A_63, %get3A_64] : memref<64x128xf32, #tpu.memory_space<vmem>>, vector<64x64xf32>
      %get3A_66 = arith.constant 0 : index
      %get3A_67 = arith.constant 64 : index
      %get3A_68 = vector.load %arg10[%get3A_66, %get3A_67] : memref<64x128xf32, #tpu.memory_space<vmem>>, vector<64x1xf32>
      %get3A_69 = arith.constant 0 : index
      %get3A_70 = arith.constant 0 : index
      %get3A_71 = vector.load %arg6[%get3A_69, %get3A_70] : memref<1x64xf32, #tpu.memory_space<vmem>>, vector<1x64xf32>
      %mul3A_72 = vector.broadcast %get3A_68 : vector<64x1xf32> to vector<64x64xf32>
      %mul3A_73 = vector.broadcast %get3A_71 : vector<1x64xf32> to vector<64x64xf32>
      %mul3A_74 = arith.mulf %mul3A_72, %mul3A_73 : vector<64x64xf32>
      %sub3A_75 = arith.subf %get3A_65, %mul3A_74 : vector<64x64xf32>
      %max3A_76 = arith.constant 1.000000e+00 : f32
      %max3A_77 = vector.broadcast %max3A_76 : f32 to vector<64x1xf32>
      %max3A_78 = arith.maximumf %get3A_68, %max3A_77 : vector<64x1xf32>
      %rsqrt3A = math.rsqrt %max3A_78 : vector<64x1xf32>
      %mul3A_79 = vector.broadcast %rsqrt3A : vector<64x1xf32> to vector<64x64xf32>
      %mul3A_80 = arith.mulf %sub3A_75, %mul3A_79 : vector<64x64xf32>
      %get3A_81 = arith.constant 0 : index
      %get3A_82 = arith.constant 0 : index
      %get3A_83 = vector.load %arg7[%get3A_81, %get3A_82] : memref<64x64xf32, #tpu.memory_space<vmem>>, vector<64x64xf32>
      %get3A_84 = arith.constant 0 : index
      %get3A_85 = arith.constant 0 : index
      %get3A_86 = vector.load %arg8[%get3A_84, %get3A_85] : memref<64x64xf32, #tpu.memory_space<vmem>>, vector<64x64xf32>
      %mul3A_87 = arith.mulf %mul3A_80, %mul3A_80 : vector<64x64xf32>
      %reduce_sum3A = arith.constant dense<0.000000e+00> : vector<64xf32>
      %reduce_sum3A_88 = vector.multi_reduction <add>, %mul3A_87, %reduce_sum3A [1] : vector<64x64xf32> to vector<64xf32>
      %broadcast_in_dim3A_89 = vector.shape_cast %reduce_sum3A_88 : vector<64xf32> to vector<64x1xf32>
      %sqrt3A_90 = math.sqrt %broadcast_in_dim3A_89 : vector<64x1xf32>
      %max3A_91 = arith.constant 9.99999997E-7 : f32
      %max3A_92 = vector.broadcast %max3A_91 : f32 to vector<64x1xf32>
      %max3A_93 = arith.maximumf %sqrt3A_90, %max3A_92 : vector<64x1xf32>
      %div3A_94 = vector.broadcast %max3A_93 : vector<64x1xf32> to vector<64x64xf32>
      %div3A_95 = arith.divf %mul3A_80, %div3A_94 : vector<64x64xf32>
      %dot_general3A_96 = arith.constant dense<0.000000e+00> : vector<64x64xf32>
      %dot_general3A_97 = tpu.matmul %div3A_95, %get3A_83, %dot_general3A_96 {dimension_numbers = #tpu.dot_dimension_numbers<[1], [1], [0], [0], [0, 0, 1, 0], [], []>, transpose_lhs_hint = false} : vector<64x64xf32>, vector<64x64xf32>, vector<64x64xf32> -> vector<64x64xf32>
      %sub3A_98 = arith.constant 1.000000e+00 : f32
      %sub3A_99 = vector.broadcast %sub3A_98 : f32 to vector<64x64xf32>
      %sub3A_100 = arith.subf %dot_general3A_97, %sub3A_99 : vector<64x64xf32>
      %exp3A = math.exp %sub3A_100 : vector<64x64xf32>
      %mul3A_101 = vector.broadcast %sqrt3A_90 : vector<64x1xf32> to vector<64x64xf32>
      %mul3A_102 = arith.mulf %mul3A_101, %exp3A : vector<64x64xf32>
      %dot_general3A_103 = arith.constant dense<0.000000e+00> : vector<64x64xf32>
      %dot_general3A_104 = tpu.matmul %mul3A_102, %get3A_86, %dot_general3A_103 {dimension_numbers = #tpu.dot_dimension_numbers<[1], [0], [0], [1], [0, 0, 1, 1], [], []>, transpose_lhs_hint = false} : vector<64x64xf32>, vector<64x64xf32>, vector<64x64xf32> -> vector<64x64xf32>
      %max3A_105 = arith.constant 1.000000e+00 : f32
      %max3A_106 = vector.broadcast %max3A_105 : f32 to vector<64x1xf32>
      %max3A_107 = arith.maximumf %get3A_68, %max3A_106 : vector<64x1xf32>
      %div3A_108 = vector.broadcast %max3A_107 : vector<64x1xf32> to vector<64x64xf32>
      %div3A_109 = arith.divf %get3A_65, %div3A_108 : vector<64x64xf32>
      %add3A_110 = arith.addf %dot_general3A_104, %div3A_109 : vector<64x64xf32>
      %swap3A = arith.constant 0 : index
      %swap3A_111 = arith.constant 0 : index
      %swap3A_112 = vector.load %arg9[%swap3A, %swap3A_111] : memref<64x64xf32, #tpu.memory_space<vmem>>, vector<64x64xf32>
      tpu.vector_store %arg9[%swap3A, %swap3A_111], %add3A_110 {strides = array<i32>} : memref<64x64xf32, #tpu.memory_space<vmem>>, vector<64x64xf32>,
    } else {
    }
    return
  }
  func.func @transform_0(%arg0: i32) -> (i32, i32, i32) {
    %c0_i32 = arith.constant 0 : i32
    %c0_i32_0 = arith.constant 0 : i32
    %c0_i32_1 = arith.constant 0 : i32
    return %c0_i32, %arg0, %c0_i32_0 : i32, i32, i32
  }
  func.func @transform_1(%arg0: i32) -> (i32, i32, i32) {
    %c0_i32 = arith.constant 0 : i32
    %c0_i32_0 = arith.constant 0 : i32
    %c0_i32_1 = arith.constant 0 : i32
    return %c0_i32, %arg0, %c0_i32_0 : i32, i32, i32
  }
  func.func @transform_2(%arg0: i32) -> (i32, i32) {
    %c0_i32 = arith.constant 0 : i32
    %c0_i32_0 = arith.constant 0 : i32
    return %arg0, %c0_i32 : i32, i32
  }
  func.func @transform_3(%arg0: i32) -> (i32, i32, i32) {
    %c0_i32 = arith.constant 0 : i32
    %c0_i32_0 = arith.constant 0 : i32
    %c0_i32_1 = arith.constant 0 : i32
    return %arg0, %c0_i32, %c0_i32_0 : i32, i32, i32
  }
  func.func @transform_4(%arg0: i32) -> (i32, i32) {
    %c0_i32 = arith.constant 0 : i32
    %c0_i32_0 = arith.constant 0 : i32
    %c0_i32_1 = arith.constant 0 : i32
    return %c0_i32, %c0_i32_0 : i32, i32
  }
  func.func @transform_5(%arg0: i32) -> (i32, i32) {
    %c0_i32 = arith.constant 0 : i32
    %c0_i32_0 = arith.constant 0 : i32
    %c0_i32_1 = arith.constant 0 : i32
    return %c0_i32, %c0_i32_0 : i32, i32
  }
  func.func @transform_6(%arg0: i32) -> (i32, i32) {
    %c0_i32 = arith.constant 0 : i32
    %c0_i32_0 = arith.constant 0 : i32
    %c0_i32_1 = arith.constant 0 : i32
    return %c0_i32, %c0_i32_0 : i32, i32
  }
  func.func @transform_7(%arg0: i32) -> (i32, i32) {
    %c0_i32 = arith.constant 0 : i32
    %c0_i32_0 = arith.constant 0 : i32
    %c0_i32_1 = arith.constant 0 : i32
    return %c0_i32, %c0_i32_0 : i32, i32
  }
  func.func @transform_8(%arg0: i32) -> (i32, i32) {
    %c0_i32 = arith.constant 0 : i32
    %c0_i32_0 = arith.constant 0 : i32
    %c0_i32_1 = arith.constant 0 : i32
    return %c0_i32, %c0_i32_0 : i32, i32
  }
}

</mosaic_0001>

<sc_bundles>
// kernel: kernel.10.cloned.1.call-start
scs
__scs_entry_jumppad:
0x0: {  	(pc) =	sbr.rel $0x88, $3  }
0x1: {  	(tag) =	ssettag $0x0;
	lr =	simm.s32 $0x1  }
0x2: {  	[smem:$0x3F98] =	sst lr;
	_ =	strace $0xD0000000  }
0x3: {  	_ = 	snop  }
0x4: {  	_ = 	snop  }
0x5: {  	_ = 	snop  }
0x6: {  	_ = 	snop  }
0x7: {  	_ = 	snop  }
__scs_overlays_trampoline_lowered:
0x8: {  	[smem:$0x3FA7] =	sst s0  }
0x9: {  	[smem:$0x3FA8] =	sst s1  }
0xa: {  	[smem:$0x3FA9] =	sst s2  }
0xb: {  	[smem:$0x3FAA] =	sst s3  }
0xc: {  	[smem:$0x3FAB] =	sst s4  }
0xd: {  	[smem:$0x3FAC] =	sst s5  }
0xe: {  	[smem:$0x3FAD] =	sst s6  }
0xf: {  	[smem:$0x3FAE] =	sst s7  }
0x10: {  	[smem:$0x3FAF] =	sst s8  }
0x11: {  	[smem:$0x3FB0] =	sst s9;
	s0 =	simm.s32 @!p0 $0x0  }
0x12: {  	s1 =	sld [smem:$0x3F96];
	s0 =	simm.s32 @p0 $0x1  }
0x13: {  	[smem:$0x3FB1] =	sst s0;
	s0 =	simm.s32 @!p1 $0x0  }
0x14: {  	s2 =	sld [smem:$0x3F95];
	s0 =	simm.s32 @p1 $0x1  }
0x15: {  	[smem:$0x3FB2] =	sst s0;
	s0 =	simm.s32 @!p2 $0x0  }
0x16: {  	s3 =	sld [smem:$0x3FDB];
	s0 =	simm.s32 @p2 $0x1  }
0x17: {  	s4 =	simm.s32 $0x1BF5;
	[smem:$0x3FB4] =	sst s0  }
0x18: {  	s0 =	sld [smem:$0x3F97];
	_ =	swait.ge [sflag:s4], $0x0  }
0x19: {  	s7 =	sld [smem:$0x3F98]  }
0x1a: {  	s8 =	sadd.s32 $0xFFFFE003, lr  }
0x1b: {  	s9 =	sadd.s32 $0xFFFFFEF7, lr;
	s5 =	simm.s32 $0xFFFFFFFF;
	p2 =	slt.u32 s8, $0xFFFFF086  }
0x1c: {  	p1 =	slt.u32 s9, $0xF7A;
	s5 =	simm.s32 @!p2 $0x0  }
0x1d: {  	s5 =	simm.s32 @p1 $0x1;
	p0 =	seq.s32 s7, s2  }
0x1e: {  	s7 =	smul.u32 @!p0 $0xF7A, s2;
	p2 =	seq.s32 @!p0 s5, $0x0  }
0x1f: {  	s9 =	smul.u32 $0xF7A, s1;
	s8 =	simm.s32 @!p0 $0x1BF5;
	p2 =	por !p2, p0  }
0x20: {  	[sflag:s8] =	ssyncset.s32 @!p0 $0xFFFFF086;
	s6 =	sadd.s32 @!p0 s3, s7;
	s7 =	simm.s32 @!p0 $0x108  }
0x21: {  	s3 =	sadd.s32 s3, s9;
	s6 =	sadd.s32 @!p0 $0x88, s6;
	s7 =	simm.s32 @p2 $0x1082  }
0x22: {  	[simem:s7], [sflag:s8] =	dma.local @!p0 [hbm:s6], $0xF7A  }
0x23: {  	s9 =	sor.u32 $0xD0000000, s2;
	s6 =	simm.s32 $0x108;
	_ =	swait.ge @!p0 [sflag:s8], $0x0  }
0x24: {  	s3 =	sadd.s32 $0x88, s3;
	s6 =	simm.s32 @!p1 $0x1082;
	[sflag:s4] =	ssyncset.s32 $0xFFFFF086  }
0x25: {  	[simem:s6], [sflag:s4] =	dma.local [hbm:s3], $0xF7A  }
0x26: {  	[smem:$0x3F98] =	sst s1;
	(tag) =	ssettag s2;
	_ =	strace s9  }
0x27: {  	s1 =	sld [smem:$0x3FA8]  }
0x28: {  	s2 =	sld [smem:$0x3FA9]  }
0x29: {  	s4 =	sld [smem:$0x3FAB]  }
0x2a: {  	p0 =	seq.s32 s5, $0x0;
	s5 =	sld [smem:$0x3FAC]  }
0x2b: {  	s6 =	sld [smem:$0x3FAD]  }
0x2c: {  	s7 =	sld [smem:$0x3FAE]  }
0x2d: {  	s3 =	simm.s32 $0x108;
	s8 =	sld [smem:$0x3FAF]  }
0x2e: {  	s3 =	simm.s32 @!p0 $0x1082;
	s9 =	sld [smem:$0x3FB0]  }
0x2f: {  	lr =	sadd.s32 s0, s3;
	s0 =	sld [smem:$0x3FA7]  }
0x30: {  	s3 =	sld [smem:$0x3FAA]  }
0x31: {  	[smem:$0x3FB3] =	sst s10  }
0x32: {  	s10 =	sld [smem:$0x3FB1];
	_ =	sdelay $0x3  }
0x33: {  	p0 =	seq.s32 s10, $0x1;
	s10 =	sld [smem:$0x3FB3];
	_ =	sdelay $0x3  }
0x34: {  	[smem:$0x3FB3] =	sst s10  }
0x35: {  	s10 =	sld [smem:$0x3FB2];
	_ =	sdelay $0x3  }
0x36: {  	p1 =	seq.s32 s10, $0x1;
	s10 =	sld [smem:$0x3FB3];
	_ =	sdelay $0x3  }
0x37: {  	[smem:$0x3FB3] =	sst s10  }
0x38: {  	s10 =	sld [smem:$0x3FB4]  }
0x39: {  	_ = 	snop;
	(pc) =	sbr.ind lr, $3  }
0x3a: {  	_ = 	snop  }
0x3b: {  	_ = 	snop  }
0x3c: {  	p2 =	seq.s32 s10, $0x1;
	s10 =	sld [smem:$0x3FB3]  }
0x3d: {  	_ =	shalt  }
0x3e: {  	_ =	shalt  }
0x3f: {  	_ =	shalt  }
0x40: {  	_ =	shalt  }
0x41: {  	_ =	shalt  }
0x42: {  	_ =	shalt  }
0x43: {  	_ =	shalt  }
0x44: {  	_ =	shalt  }
0x45: {  	_ =	shalt  }
0x46: {  	_ =	shalt  }
0x47: {  	_ =	shalt  }
0x48: {  	_ =	shalt  }
0x49: {  	_ =	shalt  }
0x4a: {  	_ =	shalt  }
0x4b: {  	_ =	shalt  }
0x4c: {  	_ =	shalt  }
0x4d: {  	_ =	shalt  }
0x4e: {  	_ =	shalt  }
0x4f: {  	_ =	shalt  }
0x50: {  	_ =	shalt  }
0x51: {  	_ =	shalt  }
0x52: {  	_ =	shalt  }
0x53: {  	_ =	shalt  }
0x54: {  	_ =	shalt  }
0x55: {  	_ =	shalt  }
0x56: {  	_ =	shalt  }
0x57: {  	_ =	shalt  }
0x58: {  	_ =	shalt  }
0x59: {  	_ =	shalt  }
0x5a: {  	_ =	shalt  }
0x5b: {  	_ =	shalt  }
0x5c: {  	_ =	shalt  }
0x5d: {  	_ =	shalt  }
0x5e: {  	_ =	shalt  }
0x5f: {  	_ =	shalt  }
0x60: {  	_ =	shalt  }
0x61: {  	_ =	shalt  }
0x62: {  	_ =	shalt  }
0x63: {  	_ =	shalt  }
0x64: {  	_ =	shalt  }
0x65: {  	_ =	shalt  }
0x66: {  	_ =	shalt  }
0x67: {  	_ =	shalt  }
0x68: {  	_ =	shalt  }
0x69: {  	_ =	shalt  }
0x6a: {  	_ =	shalt  }
0x6b: {  	_ =	shalt  }
0x6c: {  	_ =	shalt  }
0x6d: {  	_ =	shalt  }
0x6e: {  	_ =	shalt  }
0x6f: {  	_ =	shalt  }
0x70: {  	_ =	shalt  }
0x71: {  	_ =	shalt  }
0x72: {  	_ =	shalt  }
0x73: {  	_ =	shalt  }
0x74: {  	_ =	shalt  }
0x75: {  	_ =	shalt  }
0x76: {  	_ =	shalt  }
0x77: {  	_ =	shalt  }
0x78: {  	_ =	shalt  }
0x79: {  	_ =	shalt  }
0x7a: {  	_ =	shalt  }
0x7b: {  	_ =	shalt  }
0x7c: {  	_ =	shalt  }
0x7d: {  	_ =	shalt  }
0x7e: {  	_ =	shalt  }
0x7f: {  	_ =	shalt  }
0x80: {  	_ =	shalt  }
0x81: {  	_ =	shalt  }
0x82: {  	_ =	shalt  }
0x83: {  	_ =	shalt  }
0x84: {  	_ =	shalt  }
0x85: {  	_ =	shalt  }
0x86: {  	_ =	shalt  }
0x87: {  	_ =	shalt  }
.Lfunc_end0:
.L_simem_size_0:
called_computation.1_lowered:
.L_overlay_start_0:
0x88: {  	s2 =	sld [smem:$0x3FD9]  }
0x89: {  	s3 =	sld [smem:$0x3FFE];
	_ =	sdelay $0x1  }
0x8a: {  	s1 =	srdreg.scid  }
0x8b: {  	s0 =	sand.u32 $0x1, s1  }
0x8c: {  	s16 =	sshll.u32 s0, $0xA;
	s2 =	sadd.s32 s3, s2  }
0x8d: {  	s2 =	sadd.s32 s2, s16  }
0x8e: {  	[smem:$0x3FBF] =	sst s2  }
0x8f: {  	_ = 	snop  }
0x90: {  	(tm) =	ssettm $0x1  }
0x91: {  	s17 =	sld [smem:$0x3FFB];
	_ =	sdelay $0x3  }
0x92: {  	_ =	strace s17  }
0x93: {  	s2 =	sld [smem:$0x3FFC];
	_ =	sdelay $0x3  }
0x94: {  	_ =	strace s2  }
0x95: {  	s2 =	sld [smem:$0x3FFD];
	_ =	sdelay $0x3  }
0x96: {  	_ =	strace s2  }
0x97: {  	_ =	strace $0x8FFFFFFF  }
0x98: {  	s18 =	sld [smem:$0x3FDB];
	_ =	sdelay $0x1  }
0x99: {  	s19 =	simm.s32 $_scs_section_size  }
0x9a: {  	s4 =	simm.s32 $_size__tile_overlayer_lowered;
	s5 =	simm.s32 $_tile_overlayer_lowered  }
0x9b: {  	s22 =	simm.s32 $0x1BFF;
	s21 =	sshll.u32 s5, $0x1;
	s2 =	sadd.s32 s19, s18  }
0x9c: {  	s6 =	simm.s32 $0x0;
	s20 =	sshll.u32 s4, $0x1;
	s4 =	sadd.s32 s21, s2  }
0x9d: {  	[timem:s6], [sflag:s22] =	dma.local [hbm:s4], s20  }
0x9e: {  	_ =	swait.ge [sflag:s22], s20  }
0x9f: {  	s3 =	ssub.s32 $0x0, s20;
	[sflag:s22] =	ssyncset.done $0x0  }
0xa0: {  	[sflag:s22] =	ssyncadd.s32 s3;
	_ =	sdelay $0x1  }
0xa1: {  	s23 =	simm.s32 $0x1B8B  }
0xa2: {  	_ =	swait.ge [sflag:s23], $0x1  }
0xa3: {  	[sflag:s23] =	ssyncset.done $0x0  }
0xa4: {  	s25 =	simm.s32 $0x1B8E;
	s24 =	sld [smem:$0x3FFE];
	[sflag:s23] =	ssyncadd.s32 $0xFFFFFFFF  }
0xa5: {  	s26 =	simm.s32 $execute0_lowered;
	[smem:$0x3FD2] =	sst s25  }
0xa6: {  	s4 =	sshll.u32 s26, $0x1;
	_ =	strace $0x80000049;
	[dreg:$0x1] =	wrdreg $0xFFFFFFFF  }
0xa7: {  	s28 =	simm.s32 $_size_execute0_lowered;
	s2 =	sadd.s32 s2, s4;
	[dreg:$0x0] =	wrdreg $0x0  }
0xa8: {  	s4 =	sshll.u32 s28, $0x1;
	[dreg:$0x2] =	wrdreg s2  }
0xa9: {  	[dreg:$0x3] =	wrdreg s4  }
0xaa: {  	[dreg:$0x4] =	wrdreg $0xC0  }
0xab: {  	_ =	task [dreg:s6], $0x5FFFF  }
0xac: {  	[dreg:$0x1] =	wrdreg $0xFFFFFFFF  }
0xad: {  	[dreg:$0x0] =	wrdreg $0x60  }
0xae: {  	[dreg:$0x2] =	wrdreg s24  }
0xaf: {  	[dreg:$0x3] =	wrdreg $0x120400  }
0xb0: {  	[dreg:$0x4] =	wrdreg $0x9  }
0xb1: {  	_ =	task.clear_ibuf [dreg:s6], $0x5FFFF;
	_ =	strace $0x90000049  }
0xb2: {  	s29 =	simm.s32 $0x9;
	_ =	strace $0x8000004B  }
0xb3: {  	_ =	swait.ge [sflag:s29], $0x1  }
0xb4: {  	[sflag:s29] =	ssyncadd.s32 $0xFFFFFFFF  }
0xb5: {  	_ =	strace $0x9000004B  }
0xb6: {  	_ =	sfence  }
0xb7: {  	s30 =	sld [smem:$0x0];
	_ =	sdelay $0x2  }
0xb8: {  	s31 =	sshll.u32 s1, $0xD;
	s1 =	sshrl.u32 s1, $0x2  }
0xb9: {  	s3 =	sand.u32 $0x4000, s31;
	s1 =	sadd.s32 s1, s30  }
0xba: {  	s0 =	sor.u32 s3, s0;
	s1 =	sshll.u32 s1, $0x11  }
0xbb: {  	s0 =	sor.u32 s1, s0  }
0xbc: {  	s0 =	sadd.s32 $0x8F2B, s0  }
0xbd: {  	[sflag:s0] =	ssyncadd.remote.s32 $0x1  }
0xbe: {  	_ =	sfence.sel $0xFFFF  }
0xbf: {  	[dreg:$0x0] =	wrdreg $0xFFFFFFFF;
	(pc) =	sbr.abs _section_cstart, $3  }
0xc0: {  	[dreg:$0x1] =	wrdreg $0xFFFFFFFF  }
0xc1: {  	_ =	task.clear_ibuf [dreg:s6], $0x2FFFF;
	_ =	strace $0x9FFFFFFF  }
0xc2: {  	(tm) =	ssettm $0x7FFFFFFF  }
0xc3: {  	_ =	shalt  }
tec
execute0_lowered:
.L_overlay_start_1:
0x0: {  	(tag) =	ssettag $0x1  }
0x1: {  	s2 =	rddreg [dreg:$0x0]  }
0x2: {  	s0 =	srdreg.scid;
	s15 =	stileid.u32  }
0x3: {  	s3 =	rddreg [dreg:$0x1];
	s4 =	simm.s32 $0x0;
	s14 =	simm.s32 $0x6  }
0x4: {  	s16 =	simm.s32 $0xEC40;
	s17 =	simm.s32 $0x7D;
	s18 =	simm.s32 $0x5000  }
0x5: {  	s20 =	simm.s32 $0x6F40;
	s22 =	simm.s32 $0x8E80;
	s28 =	simm.s32 $0x1  }
0x6: {  	s29 =	simm.s32 $0x2;
	s30 =	simm.s32 $0x3;
	s31 =	simm.s32 $0x4  }
0x7: {  	s23 =	simm.s32 $0x4F80;
	s0 =	sand.u32 $0x1, s0;
	s1 =	sshll.u32 s15, $0x1  }
0x8: {  	[smem:$0x7FF] =	sst s4;
	s6 =	smul.u32 $0x27000, s15;
	s12 =	sadd.s32 $0x27A00, s2  }
0x9: {  	s9 =	smul.u32 $0x9C00, s15;
	p0 =	sne.s32 s15, $0xF;
	s1 =	sor.u32 s0, s1  }
0xa: {  	_ =	strace $0x8000004A;
	s5 =	ssub.s32 $0x2, s0;
	s0 =	smul.u32 $0x9C400, s0  }
0xb: {  	s1 =	smul.u32 $0x500, s1;
	s7 =	sshrl.u32 s5, $0x1;
	s24 =	sshrl.u32 s6, $0x2  }
0xc: {  	s13 =	ssub.s32 s5, s7;
	s25 =	sadd.s32 s24, s3;
	s7 =	sadd.s32 s9, s3  }
0xd: {  	s10 =	sadd.s32 s9, s0;
	s0 =	sshrl.u32 s0, $0x3;
	s24 =	simm.s32 $0xADC0  }
0xe: {  	s1 =	sadd.s32 s1, s2;
	s8 =	sadd.s32 $0x3400, s25;
	s9 =	sadd.s32 $0x6800, s25  }
0xf: {  	s26 =	sshrl.u32 s10, $0x3;
	s10 =	sadd.s32 $0x9C000, s3;
	s0 =	sadd.s32 s12, s0  }
0x10: {  	s13 =	smax.u32 s13, $0x1;
	s25 =	simm.s32 $0x0;
	s5 =	sadd.s32 $0x1DA00, s1  }
0x11: {  	s6 =	sadd.s32 $0x13A00, s1;
	s11 =	sadd.s32 s12, s26;
	s12 =	sadd.s32 $0x13800, s0  }
0x12: {  	v0 =	vimm.f32 $0.0e+00;
	s26 =	simm.s32 $0xCD00;
	s1 =	simm.s32 $0x5;
	s0 =	simm.s32 $0x4F00  }
.LBB2_1:
0x13: {  	[tilespmem:s4], [sflag:$0x6] =	stream.linear.gather [hbm4b:s5+s4], $0x2800, $0x38;
	[tilespmem:$0x1BC80] =	vst v63  }
0x14: {  	_ =	swait.ge [sflag:s14], $0x2800  }
0x15: {  	[sflag:s14] =	ssyncset.done $0x0  }
0x16: {  	s15 =	simm.s32 $0x2800;
	[sflag:s14] =	ssyncadd.s32 $0xFFFFD800  }
0x17: {  	[tilespmem:s15], [sflag:$0x6] =	stream.linear.gather [hbm4b:s6+s4], $0x2800, $0x38;
	[tilespmem:$0x1BC80] =	vst v63  }
0x18: {  	_ =	swait.ge [sflag:s14], $0x2800  }
0x19: {  	[sflag:s14] =	ssyncset.done $0x0  }
0x1a: {  	s19 =	simm.s32 $0x100;
	s15 =	simm.s32 $0x0;
	[sflag:s14] =	ssyncadd.s32 $0xFFFFD800  }
.LBB2_2:
0x1b: {  	p1 =	sne.s32 s19, $0xCF00;
	[tilespmem:s15+$0xEC70] =	vst v0;
	s21 =	smov.u32 s19;
	s19 =	sadd.s32 $0x100, s19  }
.Ltmp0:
0x1c: {  	[tilespmem:s15+$0xEC60] =	vst v0;
	(pc) =	sbr.rel @p1 .LBB2_2-.Ltmp0, $3  }
0x1d: {  	[tilespmem:s15+$0xEC40] =	vst v0  }
0x1e: {  	[tilespmem:s15+$0xEC50] =	vst v0;
	_ =	sdelay $0x1  }
0x1f: {  	s15 =	sshra.s32 s21, $0x2  }
0x20: {  	[tilespmem:s15+$0xEC70] =	vst v0  }
0x21: {  	[tilespmem:s15+$0xEC60] =	vst v0  }
0x22: {  	[tilespmem:s15+$0xEC40] =	vst v0  }
0x23: {  	[tilespmem:s15+$0xEC50] =	vst v0  }
0x24: {  	[spmem:s7] =	stream.linear.scatter [tilespmem:s16], [sflag:$0x6], $0x3400, $0x38;
	[tilespmem:$0x1BC80] =	vst v63  }
0x25: {  	_ =	swait.ge [sflag:s14], $0x3400  }
0x26: {  	[sflag:s14] =	ssyncset.done $0x0  }
0x27: {  	[sflag:s14] =	ssyncadd.s32 $0xFFFFCC00  }
0x28: {  	[spmem:s8] =	stream.linear.scatter [tilespmem:s16], [sflag:$0x6], $0x3400, $0x38;
	[tilespmem:$0x1BC80] =	vst v63  }
0x29: {  	_ =	swait.ge [sflag:s14], $0x3400  }
0x2a: {  	[sflag:s14] =	ssyncset.done $0x0  }
0x2b: {  	[sflag:s14] =	ssyncadd.s32 $0xFFFFCC00  }
0x2c: {  	[spmem:s9] =	stream.linear.scatter [tilespmem:s16], [sflag:$0x6], $0x3400, $0x38;
	[tilespmem:$0x1BC80] =	vst v63  }
0x2d: {  	_ =	swait.ge [sflag:s14], $0x3400  }
0x2e: {  	[sflag:s14] =	ssyncset.done $0x0  }
0x2f: {  	s15 =	simm.s32 @!p0 $0xEC40;
	[sflag:s14] =	ssyncadd.s32 $0xFFFFCC00  }
0x30: {  	[spmem:s10] =	stream.linear.scatter @!p0 [tilespmem:s15], [sflag:$0x6], $0x400, $0x38;
	[tilespmem:$0x1BC80] =	vst v63  }
0x31: {  	s15 =	simm.s32 @!p0 $0x6  }
0x32: {  	_ =	swait.ge @!p0 [sflag:s15], $0x400  }
0x33: {  	[sflag:s15] =	ssyncset.done @!p0 $0x0  }
0x34: {  	[sflag:s15] =	ssyncadd.s32 @!p0 $0xFFFFFC00  }
0x35: {  	s19 =	simm.s32 $0x0;
	[bflag:$0x0] =	sbarrier.arrive $0xFFFF  }
0x36: {  	[tilespmem:s18], [sflag:$0x1] =	stream.indirect.gather [hbm4b:s2+s17], $0x40, s19, s17, $0xb8;
	[tilespmem:$0x1BC80] =	vst v63  }
0x37: {  	s21 =	simm.s32 $0x80  }
0x38: {  	[tilespmem:s20], [sflag:$0x2] =	stream.indirect.gather [hbm4b:s2+s17], $0x40, s21, s17, $0xb8;
	[tilespmem:$0x1BC80] =	vst v63  }
0x39: {  	s19 =	simm.s32 $0x100  }
0x3a: {  	[tilespmem:s22], [sflag:$0x3] =	stream.indirect.gather [hbm4b:s2+s17], $0x40, s19, s17, $0xb8;
	[tilespmem:$0x1BC80] =	vst v63  }
0x3b: {  	s21 =	simm.s32 $0x180  }
0x3c: {  	[tilespmem:s24], [sflag:$0x4] =	stream.indirect.gather [hbm4b:s2+s17], $0x40, s21, s17, $0xb8;
	[tilespmem:$0x1BC80] =	vst v63  }
0x3d: {  	s19 =	simm.s32 $0x200  }
0x3e: {  	[tilespmem:s26], [sflag:$0x5] =	stream.indirect.gather [hbm4b:s2+s17], $0x40, s19, s17, $0xb8;
	[tilespmem:$0x1BC80] =	vst v63  }
0x3f: {  	_ =	swait.ge [sflag:s28], $0x1F40  }
0x40: {  	[sflag:s28] =	ssyncset.done $0x0  }
0x41: {  	s21 =	simm.s32 $0x2800;
	[sflag:s28] =	ssyncadd.s32 $0xFFFFE0C0  }
0x42: {  	[spmem:s3] =	stream.indirect.scatter.add.f32 [tilespmem:s18], [sflag:$0x6], $0x40, s21, s17, $0xb8;
	[tilespmem:$0x1BC80] =	vst v63  }
0x43: {  	_ =	swait.ge [sflag:s14], $0x1F40  }
0x44: {  	[sflag:s14] =	ssyncset.done $0x0  }
0x45: {  	s19 =	simm.s32 $0x280;
	[sflag:s14] =	ssyncadd.s32 $0xFFFFE0C0  }
0x46: {  	[tilespmem:s18], [sflag:$0x1] =	stream.indirect.gather [hbm4b:s2+s17], $0x40, s19, s17, $0xb8;
	[tilespmem:$0x1BC80] =	vst v63  }
0x47: {  	_ =	swait.ge [sflag:s29], $0x1F40  }
0x48: {  	[sflag:s29] =	ssyncset.done $0x0  }
0x49: {  	s21 =	simm.s32 $0x2880;
	[sflag:s29] =	ssyncadd.s32 $0xFFFFE0C0  }
0x4a: {  	[spmem:s3] =	stream.indirect.scatter.add.f32 [tilespmem:s20], [sflag:$0x6], $0x40, s21, s17, $0xb8;
	[tilespmem:$0x1BC80] =	vst v63  }
0x4b: {  	_ =	swait.ge [sflag:s14], $0x1F40  }
0x4c: {  	[sflag:s14] =	ssyncset.done $0x0  }
0x4d: {  	s19 =	simm.s32 $0x300;
	[sflag:s14] =	ssyncadd.s32 $0xFFFFE0C0  }
0x4e: {  	[tilespmem:s20], [sflag:$0x2] =	stream.indirect.gather [hbm4b:s2+s17], $0x40, s19, s17, $0xb8;
	[tilespmem:$0x1BC80] =	vst v63  }
0x4f: {  	_ =	swait.ge [sflag:s30], $0x1F40  }
0x50: {  	[sflag:s30] =	ssyncset.done $0x0  }
0x51: {  	s21 =	simm.s32 $0x2900;
	[sflag:s30] =	ssyncadd.s32 $0xFFFFE0C0  }
0x52: {  	[spmem:s3] =	stream.indirect.scatter.add.f32 [tilespmem:s22], [sflag:$0x6], $0x40, s21, s17, $0xb8;
	[tilespmem:$0x1BC80] =	vst v63  }
0x53: {  	_ =	swait.ge [sflag:s14], $0x1F40  }
0x54: {  	[sflag:s14] =	ssyncset.done $0x0  }
0x55: {  	s19 =	simm.s32 $0x380;
	[sflag:s14] =	ssyncadd.s32 $0xFFFFE0C0  }
0x56: {  	[tilespmem:s22], [sflag:$0x3] =	stream.indirect.gather [hbm4b:s2+s17], $0x40, s19, s17, $0xb8;
	[tilespmem:$0x1BC80] =	vst v63  }
0x57: {  	_ =	swait.ge [sflag:s31], $0x1F40  }
0x58: {  	[sflag:s31] =	ssyncset.done $0x0  }
0x59: {  	s21 =	simm.s32 $0x2980;
	[sflag:s31] =	ssyncadd.s32 $0xFFFFE0C0  }
0x5a: {  	[spmem:s3] =	stream.indirect.scatter.add.f32 [tilespmem:s24], [sflag:$0x6], $0x40, s21, s17, $0xb8;
	[tilespmem:$0x1BC80] =	vst v63  }
0x5b: {  	_ =	swait.ge [sflag:s14], $0x1F40  }
0x5c: {  	[sflag:s14] =	ssyncset.done $0x0  }
0x5d: {  	s19 =	simm.s32 $0x400;
	[sflag:s14] =	ssyncadd.s32 $0xFFFFE0C0  }
0x5e: {  	[tilespmem:s24], [sflag:$0x4] =	stream.indirect.gather [hbm4b:s2+s17], $0x40, s19, s17, $0xb8;
	[tilespmem:$0x1BC80] =	vst v63  }
0x5f: {  	_ =	swait.ge [sflag:s1], $0x1F40  }
0x60: {  	[sflag:s1] =	ssyncset.done $0x0  }
0x61: {  	s21 =	simm.s32 $0x2A00;
	[sflag:s1] =	ssyncadd.s32 $0xFFFFE0C0  }
0x62: {  	[spmem:s3] =	stream.indirect.scatter.add.f32 [tilespmem:s26], [sflag:$0x6], $0x40, s21, s17, $0xb8;
	[tilespmem:$0x1BC80] =	vst v63  }
0x63: {  	_ =	swait.ge [sflag:s14], $0x1F40  }
0x64: {  	[sflag:s14] =	ssyncset.done $0x0  }
0x65: {  	s15 =	simm.s32 $0xA00;
	s19 =	simm.s32 $0x480;
	[sflag:s14] =	ssyncadd.s32 $0xFFFFE0C0  }
.LBB2_4:
0x66: {  	[tilespmem:s26], [sflag:$0x5] =	stream.indirect.gather [hbm4b:s2+s17], $0x40, s19, s17, $0xb8;
	[tilespmem:$0x1BC80] =	vst v63  }
0x67: {  	s19 =	smov.u32 s15  }
0x68: {  	p1 =	sne.s32 s15, $0x8C00;
	s15 =	sadd.s32 $0xA00, s15;
	_ =	swait.ge [sflag:s28], $0x1F40  }
0x69: {  	s19 =	sshra.s32 s19, $0x2;
	[sflag:s28] =	ssyncset.done $0x0  }
0x6a: {  	s21 =	sadd.s32 $0x2800, s19;
	[sflag:s28] =	ssyncadd.s32 $0xFFFFE0C0  }
0x6b: {  	[spmem:s3] =	stream.indirect.scatter.add.f32 [tilespmem:s18], [sflag:$0x6], $0x40, s21, s17, $0xb8;
	[tilespmem:$0x1BC80] =	vst v63  }
0x6c: {  	_ =	swait.ge [sflag:s14], $0x1F40  }
0x6d: {  	[sflag:s14] =	ssyncset.done $0x0  }
0x6e: {  	s21 =	sadd.s32 $0x280, s19;
	[sflag:s14] =	ssyncadd.s32 $0xFFFFE0C0  }
0x6f: {  	[tilespmem:s18], [sflag:$0x1] =	stream.indirect.gather [hbm4b:s2+s17], $0x40, s21, s17, $0xb8;
	[tilespmem:$0x1BC80] =	vst v63  }
0x70: {  	_ =	swait.ge [sflag:s29], $0x1F40  }
0x71: {  	[sflag:s29] =	ssyncset.done $0x0  }
0x72: {  	s21 =	sadd.s32 $0x2880, s19;
	[sflag:s29] =	ssyncadd.s32 $0xFFFFE0C0  }
0x73: {  	[spmem:s3] =	stream.indirect.scatter.add.f32 [tilespmem:s20], [sflag:$0x6], $0x40, s21, s17, $0xb8;
	[tilespmem:$0x1BC80] =	vst v63  }
0x74: {  	_ =	swait.ge [sflag:s14], $0x1F40  }
0x75: {  	[sflag:s14] =	ssyncset.done $0x0  }
0x76: {  	s21 =	sadd.s32 $0x300, s19;
	[sflag:s14] =	ssyncadd.s32 $0xFFFFE0C0  }
0x77: {  	[tilespmem:s20], [sflag:$0x2] =	stream.indirect.gather [hbm4b:s2+s17], $0x40, s21, s17, $0xb8;
	[tilespmem:$0x1BC80] =	vst v63  }
0x78: {  	_ =	swait.ge [sflag:s30], $0x1F40  }
0x79: {  	[sflag:s30] =	ssyncset.done $0x0  }
0x7a: {  	s21 =	sadd.s32 $0x2900, s19;
	[sflag:s30] =	ssyncadd.s32 $0xFFFFE0C0  }
0x7b: {  	[spmem:s3] =	stream.indirect.scatter.add.f32 [tilespmem:s22], [sflag:$0x6], $0x40, s21, s17, $0xb8;
	[tilespmem:$0x1BC80] =	vst v63  }
0x7c: {  	_ =	swait.ge [sflag:s14], $0x1F40  }
0x7d: {  	[sflag:s14] =	ssyncset.done $0x0  }
0x7e: {  	s21 =	sadd.s32 $0x380, s19;
	[sflag:s14] =	ssyncadd.s32 $0xFFFFE0C0  }
0x7f: {  	[tilespmem:s22], [sflag:$0x3] =	stream.indirect.gather [hbm4b:s2+s17], $0x40, s21, s17, $0xb8;
	[tilespmem:$0x1BC80] =	vst v63  }
0x80: {  	_ =	swait.ge [sflag:s31], $0x1F40  }
0x81: {  	[sflag:s31] =	ssyncset.done $0x0  }
0x82: {  	s21 =	sadd.s32 $0x2980, s19;
	[sflag:s31] =	ssyncadd.s32 $0xFFFFE0C0  }
0x83: {  	[spmem:s3] =	stream.indirect.scatter.add.f32 [tilespmem:s24], [sflag:$0x6], $0x40, s21, s17, $0xb8;
	[tilespmem:$0x1BC80] =	vst v63  }
0x84: {  	_ =	swait.ge [sflag:s14], $0x1F40  }
0x85: {  	[sflag:s14] =	ssyncset.done $0x0  }
0x86: {  	s21 =	sadd.s32 $0x400, s19;
	[sflag:s14] =	ssyncadd.s32 $0xFFFFE0C0  }
0x87: {  	[tilespmem:s24], [sflag:$0x4] =	stream.indirect.gather [hbm4b:s2+s17], $0x40, s21, s17, $0xb8;
	[tilespmem:$0x1BC80] =	vst v63  }
0x88: {  	_ =	swait.ge [sflag:s1], $0x1F40  }
0x89: {  	[sflag:s1] =	ssyncset.done $0x0  }
.Ltmp1:
0x8a: {  	s21 =	sadd.s32 $0x2A00, s19;
	[sflag:s1] =	ssyncadd.s32 $0xFFFFE0C0;
	(pc) =	sbr.rel @p1 .LBB2_4-.Ltmp1, $4  }
0x8b: {  	[spmem:s3] =	stream.indirect.scatter.add.f32 [tilespmem:s26], [sflag:$0x6], $0x40, s21, s17, $0xb8;
	[tilespmem:$0x1BC80] =	vst v63  }
0x8c: {  	_ =	swait.ge [sflag:s14], $0x1F40  }
0x8d: {  	[sflag:s14] =	ssyncset.done $0x0  }
0x8e: {  	s19 =	sadd.s32 $0x480, s19;
	[sflag:s14] =	ssyncadd.s32 $0xFFFFE0C0  }
0x8f: {  	[tilespmem:s26], [sflag:$0x5] =	stream.indirect.gather [hbm4b:s2+s17], $0x40, s19, s17, $0xb8;
	[tilespmem:$0x1BC80] =	vst v63  }
0x90: {  	_ =	swait.ge [sflag:s28], $0x1F40  }
0x91: {  	[sflag:s28] =	ssyncset.done $0x0  }
0x92: {  	s15 =	simm.s32 $0x4D80;
	[sflag:s28] =	ssyncadd.s32 $0xFFFFE0C0  }
0x93: {  	[spmem:s3] =	stream.indirect.scatter.add.f32 [tilespmem:s18], [sflag:$0x6], $0x40, s15, s17, $0xb8;
	[tilespmem:$0x1BC80] =	vst v63  }
0x94: {  	_ =	swait.ge [sflag:s14], $0x1F40  }
0x95: {  	[sflag:s14] =	ssyncset.done $0x0  }
0x96: {  	[sflag:s14] =	ssyncadd.s32 $0xFFFFE0C0  }
0x97: {  	_ =	swait.ge [sflag:s29], $0x1F40  }
0x98: {  	[sflag:s29] =	ssyncset.done $0x0  }
0x99: {  	s19 =	simm.s32 $0x4E00;
	[sflag:s29] =	ssyncadd.s32 $0xFFFFE0C0  }
0x9a: {  	[spmem:s3] =	stream.indirect.scatter.add.f32 [tilespmem:s20], [sflag:$0x6], $0x40, s19, s17, $0xb8;
	[tilespmem:$0x1BC80] =	vst v63  }
0x9b: {  	_ =	swait.ge [sflag:s14], $0x1F40  }
0x9c: {  	[sflag:s14] =	ssyncset.done $0x0  }
0x9d: {  	[sflag:s14] =	ssyncadd.s32 $0xFFFFE0C0  }
0x9e: {  	_ =	swait.ge [sflag:s30], $0x1F40  }
0x9f: {  	[sflag:s30] =	ssyncset.done $0x0  }
0xa0: {  	s21 =	simm.s32 $0x4E80;
	[sflag:s30] =	ssyncadd.s32 $0xFFFFE0C0  }
0xa1: {  	[spmem:s3] =	stream.indirect.scatter.add.f32 [tilespmem:s22], [sflag:$0x6], $0x40, s21, s17, $0xb8;
	[tilespmem:$0x1BC80] =	vst v63  }
0xa2: {  	_ =	swait.ge [sflag:s14], $0x1F40  }
0xa3: {  	[sflag:s14] =	ssyncset.done $0x0  }
0xa4: {  	[sflag:s14] =	ssyncadd.s32 $0xFFFFE0C0  }
0xa5: {  	_ =	swait.ge [sflag:s31], $0x1F40  }
0xa6: {  	[sflag:s31] =	ssyncset.done $0x0  }
0xa7: {  	[sflag:s31] =	ssyncadd.s32 $0xFFFFE0C0  }
0xa8: {  	[spmem:s3] =	stream.indirect.scatter.add.f32 [tilespmem:s24], [sflag:$0x6], $0x40, s0, s17, $0xb8;
	[tilespmem:$0x1BC80] =	vst v63  }
0xa9: {  	_ =	swait.ge [sflag:s14], $0x1F40  }
0xaa: {  	[sflag:s14] =	ssyncset.done $0x0  }
0xab: {  	[sflag:s14] =	ssyncadd.s32 $0xFFFFE0C0  }
0xac: {  	_ =	swait.ge [sflag:s1], $0x1F40  }
0xad: {  	[sflag:s1] =	ssyncset.done $0x0  }
0xae: {  	[sflag:s1] =	ssyncadd.s32 $0xFFFFE0C0  }
0xaf: {  	[spmem:s3] =	stream.indirect.scatter.add.f32 [tilespmem:s26], [sflag:$0x6], $0x40, s23, s17, $0xb8;
	[tilespmem:$0x1BC80] =	vst v63  }
0xb0: {  	_ =	swait.ge [sflag:s14], $0x1F40  }
0xb1: {  	s19 =	stileid.u32;
	[sflag:s14] =	ssyncset.done $0x0  }
0xb2: {  	s15 =	sshll.u32 s19, $0x6;
	[sflag:s14] =	ssyncadd.s32 $0xFFFFE0C0  }
0xb3: {  	s15 =	sor.u32 $0x1C06, s15;
	s21 =	sshrl.u32 s7, $0x3;
	[bflag:$0x0] =	sbarrier.arrive $0xFFFF  }
0xb4: {  	[hbm:s11], [sflag:s15] =	dma.local [spmem:s21], $0x1380  }
0xb5: {  	_ =	swait.ge [sflag:s14], $0x1380  }
0xb6: {  	s25 =	sadd.s32 $0x1, s25;
	[sflag:s14] =	ssyncset.done $0x0  }
0xb7: {  	p1 =	sne.s32 s25, s13;
	s19 =	sshrl.u32 @!p0 s10, $0x3;
	[sflag:s14] =	ssyncadd.s32 $0xFFFFEC80  }
0xb8: {  	[hbm:s12], [sflag:s15] =	dma.local @!p0 [spmem:s19], $0x80  }
.Ltmp2:
0xb9: {  	_ = 	snop;
	(pc) =	sbr.rel @p1 .LBB2_1-.Ltmp2, $4  }
0xba: {  	s15 =	simm.s32 @!p0 $0x6  }
0xbb: {  	_ =	swait.ge @!p0 [sflag:s15], $0x80  }
0xbc: {  	[sflag:s15] =	ssyncset.done @!p0 $0x0  }
0xbd: {  	[sflag:s15] =	ssyncadd.s32 @!p0 $0xFFFFFF80  }
0xbe: {  	_ =	sfence.sel $0x180000  }
0xbf: {  	[bflag:$0x0] =	sbarrier.arrive $0xFFFF  }
0xc0: {  	_ =	strace $0x9000004A  }
0xc1: {  	s0 =	stileid.u32;
	[bflag:$0x2] =	sbarrier.arrive $0xFFFF  }
0xc2: {  	p0 =	sne.s32 s0, $0x0;
	s0 =	rddreg [dreg:$0x2]  }
0xc3: {  	s0 =	sadd.s32 @!p0 $0x100000, s0  }
0xc4: {  	[sflag:s0] =	ssyncadd.tile.s32 @!p0 $0x1;
	_ =	shalt  }
.Lfunc_end2:
_tile_overlayer_lowered:
.L_overlay_start_2:
0xc5: {  	(tag) =	ssettag $0x2  }
0xc6: {  	s0 =	rddreg [dreg:$0x0];
	s2 =	stileid.u32  }
0xc7: {  	s1 =	rddreg [dreg:$0x1];
	p0 =	sne.s32 s2, $0x0  }
0xc8: {  	s3 =	rddreg [dreg:$0x2];
	[bflag:$0x3] =	sbarrier.arrive $0xFFFF;
	s2 =	simm.s32 @!p0 $0x1C06  }
0xc9: {  	[timem:s3], [sflag:s2] =	dma.local @!p0 [hbm:s0], s1  }
0xca: {  	s0 =	simm.s32 @!p0 $0x6  }
0xcb: {  	_ =	swait.ge @!p0 [sflag:s0], s1  }
0xcc: {  	s1 =	ssub.s32 @!p0 $0x0, s1;
	[sflag:s0] =	ssyncset.done @!p0 $0x0  }
0xcd: {  	[sflag:s0] =	ssyncadd.s32 @!p0 s1  }
0xce: {  	[bflag:$0x3] =	sbarrier.arrive $0xFFFF  }
0xcf: {  	_ =	shalt  }

// kernel: kernel.7.cloned.1.call-start
scs
__scs_entry_jumppad:
0x0: {  	(pc) =	sbr.rel $0x88, $3  }
0x1: {  	(tag) =	ssettag $0x0;
	lr =	simm.s32 $0x1  }
0x2: {  	[smem:$0x3F98] =	sst lr;
	_ =	strace $0xD0000000  }
0x3: {  	_ = 	snop  }
0x4: {  	_ = 	snop  }
0x5: {  	_ = 	snop  }
0x6: {  	_ = 	snop  }
0x7: {  	_ = 	snop  }
__scs_overlays_trampoline_lowered:
0x8: {  	[smem:$0x3FA7] =	sst s0  }
0x9: {  	[smem:$0x3FA8] =	sst s1  }
0xa: {  	[smem:$0x3FA9] =	sst s2  }
0xb: {  	[smem:$0x3FAA] =	sst s3  }
0xc: {  	[smem:$0x3FAB] =	sst s4  }
0xd: {  	[smem:$0x3FAC] =	sst s5  }
0xe: {  	[smem:$0x3FAD] =	sst s6  }
0xf: {  	[smem:$0x3FAE] =	sst s7  }
0x10: {  	[smem:$0x3FAF] =	sst s8  }
0x11: {  	[smem:$0x3FB0] =	sst s9;
	s0 =	simm.s32 @!p0 $0x0  }
0x12: {  	s1 =	sld [smem:$0x3F96];
	s0 =	simm.s32 @p0 $0x1  }
0x13: {  	[smem:$0x3FB1] =	sst s0;
	s0 =	simm.s32 @!p1 $0x0  }
0x14: {  	s2 =	sld [smem:$0x3F95];
	s0 =	simm.s32 @p1 $0x1  }
0x15: {  	[smem:$0x3FB2] =	sst s0;
	s0 =	simm.s32 @!p2 $0x0  }
0x16: {  	s3 =	sld [smem:$0x3FDB];
	s0 =	simm.s32 @p2 $0x1  }
0x17: {  	s4 =	simm.s32 $0x1BF5;
	[smem:$0x3FB4] =	sst s0  }
0x18: {  	s0 =	sld [smem:$0x3F97];
	_ =	swait.ge [sflag:s4], $0x0  }
0x19: {  	s7 =	sld [smem:$0x3F98]  }
0x1a: {  	s8 =	sadd.s32 $0xFFFFE003, lr  }
0x1b: {  	s9 =	sadd.s32 $0xFFFFFEF7, lr;
	s5 =	simm.s32 $0xFFFFFFFF;
	p2 =	slt.u32 s8, $0xFFFFF086  }
0x1c: {  	p1 =	slt.u32 s9, $0xF7A;
	s5 =	simm.s32 @!p2 $0x0  }
0x1d: {  	s5 =	simm.s32 @p1 $0x1;
	p0 =	seq.s32 s7, s2  }
0x1e: {  	s7 =	smul.u32 @!p0 $0xF7A, s2;
	p2 =	seq.s32 @!p0 s5, $0x0  }
0x1f: {  	s9 =	smul.u32 $0xF7A, s1;
	s8 =	simm.s32 @!p0 $0x1BF5;
	p2 =	por !p2, p0  }
0x20: {  	[sflag:s8] =	ssyncset.s32 @!p0 $0xFFFFF086;
	s6 =	sadd.s32 @!p0 s3, s7;
	s7 =	simm.s32 @!p0 $0x108  }
0x21: {  	s3 =	sadd.s32 s3, s9;
	s6 =	sadd.s32 @!p0 $0x88, s6;
	s7 =	simm.s32 @p2 $0x1082  }
0x22: {  	[simem:s7], [sflag:s8] =	dma.local @!p0 [hbm:s6], $0xF7A  }
0x23: {  	s9 =	sor.u32 $0xD0000000, s2;
	s6 =	simm.s32 $0x108;
	_ =	swait.ge @!p0 [sflag:s8], $0x0  }
0x24: {  	s3 =	sadd.s32 $0x88, s3;
	s6 =	simm.s32 @!p1 $0x1082;
	[sflag:s4] =	ssyncset.s32 $0xFFFFF086  }
0x25: {  	[simem:s6], [sflag:s4] =	dma.local [hbm:s3], $0xF7A  }
0x26: {  	[smem:$0x3F98] =	sst s1;
	(tag) =	ssettag s2;
	_ =	strace s9  }
0x27: {  	s1 =	sld [smem:$0x3FA8]  }
0x28: {  	s2 =	sld [smem:$0x3FA9]  }
0x29: {  	s4 =	sld [smem:$0x3FAB]  }
0x2a: {  	p0 =	seq.s32 s5, $0x0;
	s5 =	sld [smem:$0x3FAC]  }
0x2b: {  	s6 =	sld [smem:$0x3FAD]  }
0x2c: {  	s7 =	sld [smem:$0x3FAE]  }
0x2d: {  	s3 =	simm.s32 $0x108;
	s8 =	sld [smem:$0x3FAF]  }
0x2e: {  	s3 =	simm.s32 @!p0 $0x1082;
	s9 =	sld [smem:$0x3FB0]  }
0x2f: {  	lr =	sadd.s32 s0, s3;
	s0 =	sld [smem:$0x3FA7]  }
0x30: {  	s3 =	sld [smem:$0x3FAA]  }
0x31: {  	[smem:$0x3FB3] =	sst s10  }
0x32: {  	s10 =	sld [smem:$0x3FB1];
	_ =	sdelay $0x3  }
0x33: {  	p0 =	seq.s32 s10, $0x1;
	s10 =	sld [smem:$0x3FB3];
	_ =	sdelay $0x3  }
0x34: {  	[smem:$0x3FB3] =	sst s10  }
0x35: {  	s10 =	sld [smem:$0x3FB2];
	_ =	sdelay $0x3  }
0x36: {  	p1 =	seq.s32 s10, $0x1;
	s10 =	sld [smem:$0x3FB3];
	_ =	sdelay $0x3  }
0x37: {  	[smem:$0x3FB3] =	sst s10  }
0x38: {  	s10 =	sld [smem:$0x3FB4]  }
0x39: {  	_ = 	snop;
	(pc) =	sbr.ind lr, $3  }
0x3a: {  	_ = 	snop  }
0x3b: {  	_ = 	snop  }
0x3c: {  	p2 =	seq.s32 s10, $0x1;
	s10 =	sld [smem:$0x3FB3]  }
0x3d: {  	_ =	shalt  }
0x3e: {  	_ =	shalt  }
0x3f: {  	_ =	shalt  }
0x40: {  	_ =	shalt  }
0x41: {  	_ =	shalt  }
0x42: {  	_ =	shalt  }
0x43: {  	_ =	shalt  }
0x44: {  	_ =	shalt  }
0x45: {  	_ =	shalt  }
0x46: {  	_ =	shalt  }
0x47: {  	_ =	shalt  }
0x48: {  	_ =	shalt  }
0x49: {  	_ =	shalt  }
0x4a: {  	_ =	shalt  }
0x4b: {  	_ =	shalt  }
0x4c: {  	_ =	shalt  }
0x4d: {  	_ =	shalt  }
0x4e: {  	_ =	shalt  }
0x4f: {  	_ =	shalt  }
0x50: {  	_ =	shalt  }
0x51: {  	_ =	shalt  }
0x52: {  	_ =	shalt  }
0x53: {  	_ =	shalt  }
0x54: {  	_ =	shalt  }
0x55: {  	_ =	shalt  }
0x56: {  	_ =	shalt  }
0x57: {  	_ =	shalt  }
0x58: {  	_ =	shalt  }
0x59: {  	_ =	shalt  }
0x5a: {  	_ =	shalt  }
0x5b: {  	_ =	shalt  }
0x5c: {  	_ =	shalt  }
0x5d: {  	_ =	shalt  }
0x5e: {  	_ =	shalt  }
0x5f: {  	_ =	shalt  }
0x60: {  	_ =	shalt  }
0x61: {  	_ =	shalt  }
0x62: {  	_ =	shalt  }
0x63: {  	_ =	shalt  }
0x64: {  	_ =	shalt  }
0x65: {  	_ =	shalt  }
0x66: {  	_ =	shalt  }
0x67: {  	_ =	shalt  }
0x68: {  	_ =	shalt  }
0x69: {  	_ =	shalt  }
0x6a: {  	_ =	shalt  }
0x6b: {  	_ =	shalt  }
0x6c: {  	_ =	shalt  }
0x6d: {  	_ =	shalt  }
0x6e: {  	_ =	shalt  }
0x6f: {  	_ =	shalt  }
0x70: {  	_ =	shalt  }
0x71: {  	_ =	shalt  }
0x72: {  	_ =	shalt  }
0x73: {  	_ =	shalt  }
0x74: {  	_ =	shalt  }
0x75: {  	_ =	shalt  }
0x76: {  	_ =	shalt  }
0x77: {  	_ =	shalt  }
0x78: {  	_ =	shalt  }
0x79: {  	_ =	shalt  }
0x7a: {  	_ =	shalt  }
0x7b: {  	_ =	shalt  }
0x7c: {  	_ =	shalt  }
0x7d: {  	_ =	shalt  }
0x7e: {  	_ =	shalt  }
0x7f: {  	_ =	shalt  }
0x80: {  	_ =	shalt  }
0x81: {  	_ =	shalt  }
0x82: {  	_ =	shalt  }
0x83: {  	_ =	shalt  }
0x84: {  	_ =	shalt  }
0x85: {  	_ =	shalt  }
0x86: {  	_ =	shalt  }
0x87: {  	_ =	shalt  }
.Lfunc_end0:
.L_simem_size_0:
called_computation_lowered:
.L_overlay_start_0:
0x88: {  	s2 =	sld [smem:$0x3FD9]  }
0x89: {  	s3 =	sld [smem:$0x3FFE];
	_ =	sdelay $0x1  }
0x8a: {  	s1 =	srdreg.scid  }
0x8b: {  	s0 =	sand.u32 $0x1, s1  }
0x8c: {  	s16 =	sshll.u32 s0, $0xA;
	s2 =	sadd.s32 s3, s2  }
0x8d: {  	s2 =	sadd.s32 s2, s16  }
0x8e: {  	[smem:$0x3FBF] =	sst s2  }
0x8f: {  	_ = 	snop  }
0x90: {  	(tm) =	ssettm $0x1  }
0x91: {  	s17 =	sld [smem:$0x3FFB];
	_ =	sdelay $0x3  }
0x92: {  	_ =	strace s17  }
0x93: {  	s2 =	sld [smem:$0x3FFC];
	_ =	sdelay $0x3  }
0x94: {  	_ =	strace s2  }
0x95: {  	s2 =	sld [smem:$0x3FFD];
	_ =	sdelay $0x3  }
0x96: {  	_ =	strace s2  }
0x97: {  	_ =	strace $0x8FFFFFFF  }
0x98: {  	s18 =	sld [smem:$0x3FDB];
	_ =	sdelay $0x1  }
0x99: {  	s19 =	simm.s32 $_scs_section_size  }
0x9a: {  	s4 =	simm.s32 $_size__tile_overlayer_lowered;
	s5 =	simm.s32 $_tile_overlayer_lowered  }
0x9b: {  	s22 =	simm.s32 $0x1BFF;
	s21 =	sshll.u32 s5, $0x1;
	s2 =	sadd.s32 s19, s18  }
0x9c: {  	s6 =	simm.s32 $0x0;
	s20 =	sshll.u32 s4, $0x1;
	s4 =	sadd.s32 s21, s2  }
0x9d: {  	[timem:s6], [sflag:s22] =	dma.local [hbm:s4], s20  }
0x9e: {  	_ =	swait.ge [sflag:s22], s20  }
0x9f: {  	s3 =	ssub.s32 $0x0, s20;
	[sflag:s22] =	ssyncset.done $0x0  }
0xa0: {  	[sflag:s22] =	ssyncadd.s32 s3;
	_ =	sdelay $0x1  }
0xa1: {  	s23 =	simm.s32 $0x1B8B  }
0xa2: {  	_ =	swait.ge [sflag:s23], $0x1  }
0xa3: {  	[sflag:s23] =	ssyncset.done $0x0  }
0xa4: {  	s25 =	simm.s32 $0x1B8E;
	s24 =	sld [smem:$0x3FFE];
	[sflag:s23] =	ssyncadd.s32 $0xFFFFFFFF  }
0xa5: {  	s26 =	simm.s32 $execute0_lowered;
	[smem:$0x3FD2] =	sst s25  }
0xa6: {  	s4 =	sshll.u32 s26, $0x1;
	_ =	strace $0x80000046;
	[dreg:$0x1] =	wrdreg $0xFFFFFFFF  }
0xa7: {  	s28 =	simm.s32 $_size_execute0_lowered;
	s2 =	sadd.s32 s2, s4;
	[dreg:$0x0] =	wrdreg $0x0  }
0xa8: {  	s4 =	sshll.u32 s28, $0x1;
	[dreg:$0x2] =	wrdreg s2  }
0xa9: {  	[dreg:$0x3] =	wrdreg s4  }
0xaa: {  	[dreg:$0x4] =	wrdreg $0xC0  }
0xab: {  	_ =	task [dreg:s6], $0x5FFFF  }
0xac: {  	[dreg:$0x1] =	wrdreg $0xFFFFFFFF  }
0xad: {  	[dreg:$0x0] =	wrdreg $0x60  }
0xae: {  	[dreg:$0x2] =	wrdreg s24  }
0xaf: {  	[dreg:$0x3] =	wrdreg $0x135100  }
0xb0: {  	[dreg:$0x4] =	wrdreg $0x1D1500  }
0xb1: {  	[dreg:$0x5] =	wrdreg $0x9  }
0xb2: {  	_ =	task.clear_ibuf [dreg:s6], $0x6FFFF;
	_ =	strace $0x90000046  }
0xb3: {  	s29 =	simm.s32 $0x9;
	_ =	strace $0x80000048  }
0xb4: {  	_ =	swait.ge [sflag:s29], $0x1  }
0xb5: {  	[sflag:s29] =	ssyncadd.s32 $0xFFFFFFFF  }
0xb6: {  	_ =	strace $0x90000048  }
0xb7: {  	_ =	sfence  }
0xb8: {  	s30 =	sld [smem:$0x0];
	_ =	sdelay $0x2  }
0xb9: {  	s31 =	sshll.u32 s1, $0xD;
	s1 =	sshrl.u32 s1, $0x2  }
0xba: {  	s3 =	sand.u32 $0x4000, s31;
	s1 =	sadd.s32 s1, s30  }
0xbb: {  	s0 =	sor.u32 s3, s0;
	s1 =	sshll.u32 s1, $0x11  }
0xbc: {  	s0 =	sor.u32 s1, s0  }
0xbd: {  	s0 =	sadd.s32 $0x8F2B, s0  }
0xbe: {  	[sflag:s0] =	ssyncadd.remote.s32 $0x1  }
0xbf: {  	_ =	sfence.sel $0xFFFF  }
0xc0: {  	[dreg:$0x0] =	wrdreg $0xFFFFFFFF;
	(pc) =	sbr.abs _section_cstart, $3  }
0xc1: {  	[dreg:$0x1] =	wrdreg $0xFFFFFFFF  }
0xc2: {  	_ =	task.clear_ibuf [dreg:s6], $0x2FFFF;
	_ =	strace $0x9FFFFFFF  }
0xc3: {  	(tm) =	ssettm $0x7FFFFFFF  }
tec
execute0_lowered:
.L_overlay_start_1:
0x0: {  	(tag) =	ssettag $0x1  }
0x1: {  	s1 =	rddreg [dreg:$0x0]  }
0x2: {  	s0 =	srdreg.scid;
	s3 =	rddreg [dreg:$0x1]  }
0x3: {  	s16 =	stileid.u32;
	s4 =	rddreg [dreg:$0x2]  }
0x4: {  	s5 =	simm.s32 $0x0;
	s28 =	simm.s32 $0x5000;
	s30 =	simm.s32 $0x6F40  }
0x5: {  	s29 =	simm.s32 $0xADC0;
	s31 =	simm.s32 $0x1;
	s9 =	smul.u32 $0x270, s16  }
0x6: {  	s0 =	sand.u32 $0x1, s0;
	s2 =	sshll.u32 s16, $0x1;
	s17 =	smul.u32 $0x9C00, s16  }
0x7: {  	[smem:$0x7FF] =	sst s5;
	s6 =	sadd.s32 $0x31800, s1;
	s13 =	smul.u32 $0x2700, s16  }
0x8: {  	s10 =	sadd.s32 $0x27A00, s1;
	p0 =	sne.s32 s16, $0xF;
	s14 =	smul.u32 $0x9C400, s0  }
0x9: {  	s2 =	sor.u32 s0, s2;
	s15 =	ssub.s32 $0x2, s0;
	s0 =	smul.u32 $0x27100, s0  }
0xa: {  	s16 =	simm.s32 $0x4F00;
	_ =	strace $0x80000047;
	s2 =	smul.u32 $0x500, s2  }
0xb: {  	s7 =	sshrl.u32 s15, $0x1;
	s18 =	sadd.s32 $0xD0, s9;
	s9 =	sadd.s32 $0x1A0, s9  }
0xc: {  	s12 =	sadd.s32 s13, s4;
	s5 =	ssub.s32 s15, s7;
	s11 =	sshll.u32 s18, $0x6  }
0xd: {  	s19 =	sshll.u32 s9, $0x6;
	s20 =	sshll.u32 s9, $0x4;
	s7 =	sadd.s32 s17, s14  }
0xe: {  	s15 =	sadd.s32 $0x27000, s4;
	s22 =	sadd.s32 s13, s0;
	s23 =	sshrl.u32 s14, $0x3  }
0xf: {  	s0 =	sshrl.u32 s0, $0x3;
	s9 =	simm.s32 $0x5;
	s13 =	simm.s32 $0x4E00  }
0x10: {  	s14 =	simm.s32 $0x4E80;
	s2 =	sadd.s32 s2, s1;
	s11 =	sadd.s32 s11, s3  }
0x11: {  	s21 =	sshrl.u32 s7, $0x3;
	s26 =	smax.u32 s5, $0x1;
	[dreg:$0x6] =	wrdreg s11  }
0x12: {  	s0 =	sadd.s32 s10, s0;
	s8 =	sadd.s32 $0x1DA00, s2;
	[dreg:$0xf] =	wrdreg s26  }
0x13: {  	s5 =	simm.s32 $0x2;
	s2 =	sadd.s32 $0x13A00, s2;
	[dreg:$0x4] =	wrdreg s8  }
0x14: {  	s7 =	simm.s32 $0x4;
	s11 =	sadd.s32 s19, s3;
	[dreg:$0x5] =	wrdreg s2  }
0x15: {  	s25 =	sadd.s32 $0x4920, s0;
	s0 =	sadd.s32 $0x4E00, s0;
	[dreg:$0x7] =	wrdreg s11  }
0x16: {  	s26 =	simm.s32 $0x7D;
	s8 =	sadd.s32 s17, s3;
	[dreg:$0xd] =	wrdreg s25  }
0x17: {  	s2 =	sshll.u32 s18, $0x4;
	s11 =	sadd.s32 $0x9C000, s3;
	[dreg:$0xe] =	wrdreg s0  }
0x18: {  	s25 =	simm.s32 $0x12810;
	s0 =	simm.s32 $0xEC40;
	s2 =	sadd.s32 s2, s4  }
0x19: {  	s17 =	simm.s32 $0x4F80;
	[dreg:$0x8] =	wrdreg s2;
	s2 =	sadd.s32 s20, s4  }
0x1a: {  	s18 =	simm.s32 $0x0;
	[dreg:$0x9] =	wrdreg s2;
	s2 =	sadd.s32 s6, s21  }
0x1b: {  	s6 =	sadd.s32 s6, s23;
	s23 =	simm.s32 $0xCD00;
	[dreg:$0xa] =	wrdreg s2  }
0x1c: {  	s2 =	sshrl.u32 s22, $0x3;
	s24 =	sadd.s32 $0x13800, s6;
	s22 =	simm.s32 $0x6  }
0x1d: {  	s6 =	simm.s32 $0x3;
	s2 =	sadd.s32 s10, s2;
	[dreg:$0xc] =	wrdreg s24  }
0x1e: {  	v0 =	vimm.f32 $0.0e+00;
	v1 =	vimm.f32 $1.000000000e+00;
	s24 =	simm.s32 $0xF410;
	[dreg:$0xb] =	wrdreg s2;
	s2 =	simm.s32 $0x8E80  }
.LBB2_1:
0x1f: {  	s19 =	simm.s32 $0x0;
	s20 =	rddreg [dreg:$0x4]  }
0x20: {  	[tilespmem:s19], [sflag:$0x6] =	stream.linear.gather [hbm4b:s20+s19], $0x2800, $0x38;
	[tilespmem:$0x1F860] =	vst v63  }
0x21: {  	_ =	swait.ge [sflag:s22], $0x2800  }
0x22: {  	[sflag:s22] =	ssyncset.done $0x0  }
0x23: {  	s10 =	simm.s32 $0x2800;
	s21 =	rddreg [dreg:$0x5];
	[sflag:s22] =	ssyncadd.s32 $0xFFFFD800  }
0x24: {  	[tilespmem:s10], [sflag:$0x6] =	stream.linear.gather [hbm4b:s21+s19], $0x2800, $0x38;
	[tilespmem:$0x1F860] =	vst v63  }
0x25: {  	_ =	swait.ge [sflag:s22], $0x2800  }
0x26: {  	[sflag:s22] =	ssyncset.done $0x0  }
0x27: {  	s20 =	simm.s32 $0x100;
	s19 =	simm.s32 $0x0;
	[sflag:s22] =	ssyncadd.s32 $0xFFFFD800  }
.LBB2_2:
0x28: {  	p1 =	sne.s32 s20, $0xCF00;
	[tilespmem:s19+$0xF440] =	vst v0;
	s21 =	smov.u32 s20;
	s20 =	sadd.s32 $0x100, s20  }
.Ltmp0:
0x29: {  	[tilespmem:s19+$0xF430] =	vst v0;
	(pc) =	sbr.rel @p1 .LBB2_2-.Ltmp0, $3  }
0x2a: {  	[tilespmem:s19+$0xF410] =	vst v0  }
0x2b: {  	[tilespmem:s19+$0xF420] =	vst v0;
	_ =	sdelay $0x1  }
0x2c: {  	s19 =	sshra.s32 s21, $0x2  }
0x2d: {  	[tilespmem:s19+$0xF440] =	vst v0  }
0x2e: {  	[tilespmem:s19+$0xF430] =	vst v0  }
0x2f: {  	[tilespmem:s19+$0xF410] =	vst v0  }
0x30: {  	[tilespmem:s19+$0xF420] =	vst v0  }
0x31: {  	[spmem:s8] =	stream.linear.scatter [tilespmem:s24], [sflag:$0x6], $0x3400, $0x38;
	[tilespmem:$0x1F860] =	vst v63  }
0x32: {  	_ =	swait.ge [sflag:s22], $0x3400  }
0x33: {  	[sflag:s22] =	ssyncset.done $0x0  }
0x34: {  	s20 =	rddreg [dreg:$0x6];
	[sflag:s22] =	ssyncadd.s32 $0xFFFFCC00  }
0x35: {  	[spmem:s20] =	stream.linear.scatter [tilespmem:s24], [sflag:$0x6], $0x3400, $0x38;
	[tilespmem:$0x1F860] =	vst v63  }
0x36: {  	_ =	swait.ge [sflag:s22], $0x3400  }
0x37: {  	[sflag:s22] =	ssyncset.done $0x0  }
0x38: {  	s21 =	rddreg [dreg:$0x7];
	[sflag:s22] =	ssyncadd.s32 $0xFFFFCC00  }
0x39: {  	[spmem:s21] =	stream.linear.scatter [tilespmem:s24], [sflag:$0x6], $0x3400, $0x38;
	[tilespmem:$0x1F860] =	vst v63  }
0x3a: {  	_ =	swait.ge [sflag:s22], $0x3400  }
0x3b: {  	[sflag:s22] =	ssyncset.done $0x0  }
0x3c: {  	s19 =	simm.s32 @!p0 $0xF410;
	[sflag:s22] =	ssyncadd.s32 $0xFFFFCC00  }
0x3d: {  	[spmem:s11] =	stream.linear.scatter @!p0 [tilespmem:s19], [sflag:$0x6], $0x400, $0x38;
	[tilespmem:$0x1F860] =	vst v63  }
0x3e: {  	s19 =	simm.s32 @!p0 $0x6  }
0x3f: {  	_ =	swait.ge @!p0 [sflag:s19], $0x400  }
0x40: {  	[sflag:s19] =	ssyncset.done @!p0 $0x0  }
0x41: {  	s20 =	simm.s32 $0x0;
	[sflag:s19] =	ssyncadd.s32 @!p0 $0xFFFFFC00;
	s19 =	simm.s32 $0x40  }
.LBB2_4:
0x42: {  	p1 =	sne.s32 s19, $0x33C0;
	[tilespmem:s20+$0x12810] =	vst v0;
	s20 =	smov.u32 s19;
	s19 =	sadd.s32 $0x40, s19  }
.Ltmp1:
0x43: {  	(pc) =	sbr.rel @p1 .LBB2_4-.Ltmp1, $2  }
0x44: {  	_ =	sdelay $0x2  }
0x45: {  	s20 =	sshra.s32 s20, $0x2  }
0x46: {  	[tilespmem:s20+$0x12810] =	vst v0  }
0x47: {  	[spmem:s12] =	stream.linear.scatter [tilespmem:s25], [sflag:$0x6], $0xD00, $0x38;
	[tilespmem:$0x1F860] =	vst v63  }
0x48: {  	_ =	swait.ge [sflag:s22], $0xD00  }
0x49: {  	[sflag:s22] =	ssyncset.done $0x0  }
0x4a: {  	s19 =	rddreg [dreg:$0x8];
	[sflag:s22] =	ssyncadd.s32 $0xFFFFF300  }
0x4b: {  	[spmem:s19] =	stream.linear.scatter [tilespmem:s25], [sflag:$0x6], $0xD00, $0x38;
	[tilespmem:$0x1F860] =	vst v63  }
0x4c: {  	_ =	swait.ge [sflag:s22], $0xD00  }
0x4d: {  	[sflag:s22] =	ssyncset.done $0x0  }
0x4e: {  	s21 =	rddreg [dreg:$0x9];
	[sflag:s22] =	ssyncadd.s32 $0xFFFFF300  }
0x4f: {  	[spmem:s21] =	stream.linear.scatter [tilespmem:s25], [sflag:$0x6], $0xD00, $0x38;
	[tilespmem:$0x1F860] =	vst v63  }
0x50: {  	_ =	swait.ge [sflag:s22], $0xD00  }
0x51: {  	[sflag:s22] =	ssyncset.done $0x0  }
0x52: {  	s19 =	simm.s32 @!p0 $0x12810;
	[sflag:s22] =	ssyncadd.s32 $0xFFFFF300  }
0x53: {  	[spmem:s15] =	stream.linear.scatter @!p0 [tilespmem:s19], [sflag:$0x6], $0x100, $0x38;
	[tilespmem:$0x1F860] =	vst v63  }
0x54: {  	s19 =	simm.s32 @!p0 $0x6  }
0x55: {  	_ =	swait.ge @!p0 [sflag:s19], $0x100  }
0x56: {  	[sflag:s19] =	ssyncset.done @!p0 $0x0  }
0x57: {  	s20 =	simm.s32 $0x0;
	[sflag:s19] =	ssyncadd.s32 @!p0 $0xFFFFFF00;
	s19 =	simm.s32 $0x40  }
.LBB2_6:
0x58: {  	p1 =	sne.s32 s19, $0x1F00;
	[tilespmem:s20+$0xEC40] =	vst v1;
	s20 =	smov.u32 s19;
	s19 =	sadd.s32 $0x40, s19  }
.Ltmp2:
0x59: {  	(pc) =	sbr.rel @p1 .LBB2_6-.Ltmp2, $2  }
0x5a: {  	_ =	sdelay $0x2  }
0x5b: {  	s20 =	sshra.s32 s20, $0x2  }
0x5c: {  	[tilespmem:s20+$0xEC40] =	vst v1  }
0x5d: {  	s19 =	simm.s32 $0x0;
	[bflag:$0x0] =	sbarrier.arrive $0xFFFF  }
0x5e: {  	[tilespmem:s28], [sflag:$0x1] =	stream.indirect.gather [hbm4b:s1+s26], $0x40, s19, s26, $0xb8;
	[tilespmem:$0x1F860] =	vst v63  }
0x5f: {  	s10 =	simm.s32 $0x80  }
0x60: {  	[tilespmem:s30], [sflag:$0x2] =	stream.indirect.gather [hbm4b:s1+s26], $0x40, s10, s26, $0xb8;
	[tilespmem:$0x1F860] =	vst v63  }
0x61: {  	s19 =	simm.s32 $0x100  }
0x62: {  	[tilespmem:s2], [sflag:$0x3] =	stream.indirect.gather [hbm4b:s1+s26], $0x40, s19, s26, $0xb8;
	[tilespmem:$0x1F860] =	vst v63  }
0x63: {  	s20 =	simm.s32 $0x180  }
0x64: {  	[tilespmem:s29], [sflag:$0x4] =	stream.indirect.gather [hbm4b:s1+s26], $0x40, s20, s26, $0xb8;
	[tilespmem:$0x1F860] =	vst v63  }
0x65: {  	s21 =	simm.s32 $0x200  }
0x66: {  	[tilespmem:s23], [sflag:$0x5] =	stream.indirect.gather [hbm4b:s1+s26], $0x40, s21, s26, $0xb8;
	[tilespmem:$0x1F860] =	vst v63  }
0x67: {  	_ =	swait.ge [sflag:s31], $0x1F40  }
0x68: {  	[sflag:s31] =	ssyncset.done $0x0  }
0x69: {  	s10 =	simm.s32 $0x2800;
	[sflag:s31] =	ssyncadd.s32 $0xFFFFE0C0  }
0x6a: {  	[spmem:s3] =	stream.indirect.scatter.add.f32 [tilespmem:s28], [sflag:$0x6], $0x40, s10, s26, $0xb8;
	[tilespmem:$0x1F860] =	vst v63  }
0x6b: {  	_ =	swait.ge [sflag:s22], $0x1F40  }
0x6c: {  	[sflag:s22] =	ssyncset.done $0x0  }
0x6d: {  	[sflag:s22] =	ssyncadd.s32 $0xFFFFE0C0  }
0x6e: {  	[spmem:s4] =	stream.indirect.scatter.add.f32 [tilespmem:s0], [sflag:$0x6], $0x10, s10, s26, $0xb8;
	[tilespmem:$0x1F860] =	vst v63  }
0x6f: {  	_ =	swait.ge [sflag:s22], $0x7D0  }
0x70: {  	[sflag:s22] =	ssyncset.done $0x0  }
0x71: {  	s20 =	simm.s32 $0x280;
	[sflag:s22] =	ssyncadd.s32 $0xFFFFF830  }
0x72: {  	[tilespmem:s28], [sflag:$0x1] =	stream.indirect.gather [hbm4b:s1+s26], $0x40, s20, s26, $0xb8;
	[tilespmem:$0x1F860] =	vst v63  }
0x73: {  	_ =	swait.ge [sflag:s5], $0x1F40  }
0x74: {  	[sflag:s5] =	ssyncset.done $0x0  }
0x75: {  	s21 =	simm.s32 $0x2880;
	[sflag:s5] =	ssyncadd.s32 $0xFFFFE0C0  }
0x76: {  	[spmem:s3] =	stream.indirect.scatter.add.f32 [tilespmem:s30], [sflag:$0x6], $0x40, s21, s26, $0xb8;
	[tilespmem:$0x1F860] =	vst v63  }
0x77: {  	_ =	swait.ge [sflag:s22], $0x1F40  }
0x78: {  	[sflag:s22] =	ssyncset.done $0x0  }
0x79: {  	[sflag:s22] =	ssyncadd.s32 $0xFFFFE0C0  }
0x7a: {  	[spmem:s4] =	stream.indirect.scatter.add.f32 [tilespmem:s0], [sflag:$0x6], $0x10, s21, s26, $0xb8;
	[tilespmem:$0x1F860] =	vst v63  }
0x7b: {  	_ =	swait.ge [sflag:s22], $0x7D0  }
0x7c: {  	[sflag:s22] =	ssyncset.done $0x0  }
0x7d: {  	s10 =	simm.s32 $0x300;
	[sflag:s22] =	ssyncadd.s32 $0xFFFFF830  }
0x7e: {  	[tilespmem:s30], [sflag:$0x2] =	stream.indirect.gather [hbm4b:s1+s26], $0x40, s10, s26, $0xb8;
	[tilespmem:$0x1F860] =	vst v63  }
0x7f: {  	_ =	swait.ge [sflag:s6], $0x1F40  }
0x80: {  	[sflag:s6] =	ssyncset.done $0x0  }
0x81: {  	s20 =	simm.s32 $0x2900;
	[sflag:s6] =	ssyncadd.s32 $0xFFFFE0C0  }
0x82: {  	[spmem:s3] =	stream.indirect.scatter.add.f32 [tilespmem:s2], [sflag:$0x6], $0x40, s20, s26, $0xb8;
	[tilespmem:$0x1F860] =	vst v63  }
0x83: {  	_ =	swait.ge [sflag:s22], $0x1F40  }
0x84: {  	[sflag:s22] =	ssyncset.done $0x0  }
0x85: {  	[sflag:s22] =	ssyncadd.s32 $0xFFFFE0C0  }
0x86: {  	[spmem:s4] =	stream.indirect.scatter.add.f32 [tilespmem:s0], [sflag:$0x6], $0x10, s20, s26, $0xb8;
	[tilespmem:$0x1F860] =	vst v63  }
0x87: {  	_ =	swait.ge [sflag:s22], $0x7D0  }
0x88: {  	[sflag:s22] =	ssyncset.done $0x0  }
0x89: {  	s21 =	simm.s32 $0x380;
	[sflag:s22] =	ssyncadd.s32 $0xFFFFF830  }
0x8a: {  	[tilespmem:s2], [sflag:$0x3] =	stream.indirect.gather [hbm4b:s1+s26], $0x40, s21, s26, $0xb8;
	[tilespmem:$0x1F860] =	vst v63  }
0x8b: {  	_ =	swait.ge [sflag:s7], $0x1F40  }
0x8c: {  	[sflag:s7] =	ssyncset.done $0x0  }
0x8d: {  	s10 =	simm.s32 $0x2980;
	[sflag:s7] =	ssyncadd.s32 $0xFFFFE0C0  }
0x8e: {  	[spmem:s3] =	stream.indirect.scatter.add.f32 [tilespmem:s29], [sflag:$0x6], $0x40, s10, s26, $0xb8;
	[tilespmem:$0x1F860] =	vst v63  }
0x8f: {  	_ =	swait.ge [sflag:s22], $0x1F40  }
0x90: {  	[sflag:s22] =	ssyncset.done $0x0  }
0x91: {  	[sflag:s22] =	ssyncadd.s32 $0xFFFFE0C0  }
0x92: {  	[spmem:s4] =	stream.indirect.scatter.add.f32 [tilespmem:s0], [sflag:$0x6], $0x10, s10, s26, $0xb8;
	[tilespmem:$0x1F860] =	vst v63  }
0x93: {  	_ =	swait.ge [sflag:s22], $0x7D0  }
0x94: {  	[sflag:s22] =	ssyncset.done $0x0  }
0x95: {  	s20 =	simm.s32 $0x400;
	[sflag:s22] =	ssyncadd.s32 $0xFFFFF830  }
0x96: {  	[tilespmem:s29], [sflag:$0x4] =	stream.indirect.gather [hbm4b:s1+s26], $0x40, s20, s26, $0xb8;
	[tilespmem:$0x1F860] =	vst v63  }
0x97: {  	_ =	swait.ge [sflag:s9], $0x1F40  }
0x98: {  	[sflag:s9] =	ssyncset.done $0x0  }
0x99: {  	s21 =	simm.s32 $0x2A00;
	[sflag:s9] =	ssyncadd.s32 $0xFFFFE0C0  }
0x9a: {  	[spmem:s3] =	stream.indirect.scatter.add.f32 [tilespmem:s23], [sflag:$0x6], $0x40, s21, s26, $0xb8;
	[tilespmem:$0x1F860] =	vst v63  }
0x9b: {  	_ =	swait.ge [sflag:s22], $0x1F40  }
0x9c: {  	[sflag:s22] =	ssyncset.done $0x0  }
0x9d: {  	[sflag:s22] =	ssyncadd.s32 $0xFFFFE0C0  }
0x9e: {  	[spmem:s4] =	stream.indirect.scatter.add.f32 [tilespmem:s0], [sflag:$0x6], $0x10, s21, s26, $0xb8;
	[tilespmem:$0x1F860] =	vst v63  }
0x9f: {  	_ =	swait.ge [sflag:s22], $0x7D0  }
0xa0: {  	[sflag:s22] =	ssyncset.done $0x0  }
0xa1: {  	s19 =	simm.s32 $0xA00;
	s20 =	simm.s32 $0x480;
	[sflag:s22] =	ssyncadd.s32 $0xFFFFF830  }
.LBB2_8:
0xa2: {  	[tilespmem:s23], [sflag:$0x5] =	stream.indirect.gather [hbm4b:s1+s26], $0x40, s20, s26, $0xb8;
	[tilespmem:$0x1F860] =	vst v63  }
0xa3: {  	s20 =	smov.u32 s19  }
0xa4: {  	p1 =	sne.s32 s19, $0x8C00;
	s19 =	sadd.s32 $0xA00, s19;
	_ =	swait.ge [sflag:s31], $0x1F40  }
0xa5: {  	s20 =	sshra.s32 s20, $0x2;
	[sflag:s31] =	ssyncset.done $0x0  }
0xa6: {  	s21 =	sadd.s32 $0x2800, s20;
	[sflag:s31] =	ssyncadd.s32 $0xFFFFE0C0  }
0xa7: {  	[spmem:s3] =	stream.indirect.scatter.add.f32 [tilespmem:s28], [sflag:$0x6], $0x40, s21, s26, $0xb8;
	[tilespmem:$0x1F860] =	vst v63  }
0xa8: {  	_ =	swait.ge [sflag:s22], $0x1F40  }
0xa9: {  	[sflag:s22] =	ssyncset.done $0x0  }
0xaa: {  	[sflag:s22] =	ssyncadd.s32 $0xFFFFE0C0  }
0xab: {  	[spmem:s4] =	stream.indirect.scatter.add.f32 [tilespmem:s0], [sflag:$0x6], $0x10, s21, s26, $0xb8;
	[tilespmem:$0x1F860] =	vst v63  }
0xac: {  	_ =	swait.ge [sflag:s22], $0x7D0  }
0xad: {  	[sflag:s22] =	ssyncset.done $0x0  }
0xae: {  	s21 =	sadd.s32 $0x280, s20;
	[sflag:s22] =	ssyncadd.s32 $0xFFFFF830  }
0xaf: {  	[tilespmem:s28], [sflag:$0x1] =	stream.indirect.gather [hbm4b:s1+s26], $0x40, s21, s26, $0xb8;
	[tilespmem:$0x1F860] =	vst v63  }
0xb0: {  	_ =	swait.ge [sflag:s5], $0x1F40  }
0xb1: {  	[sflag:s5] =	ssyncset.done $0x0  }
0xb2: {  	s21 =	sadd.s32 $0x2880, s20;
	[sflag:s5] =	ssyncadd.s32 $0xFFFFE0C0  }
0xb3: {  	[spmem:s3] =	stream.indirect.scatter.add.f32 [tilespmem:s30], [sflag:$0x6], $0x40, s21, s26, $0xb8;
	[tilespmem:$0x1F860] =	vst v63  }
0xb4: {  	_ =	swait.ge [sflag:s22], $0x1F40  }
0xb5: {  	[sflag:s22] =	ssyncset.done $0x0  }
0xb6: {  	[sflag:s22] =	ssyncadd.s32 $0xFFFFE0C0  }
0xb7: {  	[spmem:s4] =	stream.indirect.scatter.add.f32 [tilespmem:s0], [sflag:$0x6], $0x10, s21, s26, $0xb8;
	[tilespmem:$0x1F860] =	vst v63  }
0xb8: {  	_ =	swait.ge [sflag:s22], $0x7D0  }
0xb9: {  	[sflag:s22] =	ssyncset.done $0x0  }
0xba: {  	s21 =	sadd.s32 $0x300, s20;
	[sflag:s22] =	ssyncadd.s32 $0xFFFFF830  }
0xbb: {  	[tilespmem:s30], [sflag:$0x2] =	stream.indirect.gather [hbm4b:s1+s26], $0x40, s21, s26, $0xb8;
	[tilespmem:$0x1F860] =	vst v63  }
0xbc: {  	_ =	swait.ge [sflag:s6], $0x1F40  }
0xbd: {  	[sflag:s6] =	ssyncset.done $0x0  }
0xbe: {  	s21 =	sadd.s32 $0x2900, s20;
	[sflag:s6] =	ssyncadd.s32 $0xFFFFE0C0  }
0xbf: {  	[spmem:s3] =	stream.indirect.scatter.add.f32 [tilespmem:s2], [sflag:$0x6], $0x40, s21, s26, $0xb8;
	[tilespmem:$0x1F860] =	vst v63  }
0xc0: {  	_ =	swait.ge [sflag:s22], $0x1F40  }
0xc1: {  	[sflag:s22] =	ssyncset.done $0x0  }
0xc2: {  	[sflag:s22] =	ssyncadd.s32 $0xFFFFE0C0  }
0xc3: {  	[spmem:s4] =	stream.indirect.scatter.add.f32 [tilespmem:s0], [sflag:$0x6], $0x10, s21, s26, $0xb8;
	[tilespmem:$0x1F860] =	vst v63  }
0xc4: {  	_ =	swait.ge [sflag:s22], $0x7D0  }
0xc5: {  	[sflag:s22] =	ssyncset.done $0x0  }
0xc6: {  	s21 =	sadd.s32 $0x380, s20;
	[sflag:s22] =	ssyncadd.s32 $0xFFFFF830  }
0xc7: {  	[tilespmem:s2], [sflag:$0x3] =	stream.indirect.gather [hbm4b:s1+s26], $0x40, s21, s26, $0xb8;
	[tilespmem:$0x1F860] =	vst v63  }
0xc8: {  	_ =	swait.ge [sflag:s7], $0x1F40  }
0xc9: {  	[sflag:s7] =	ssyncset.done $0x0  }
0xca: {  	s21 =	sadd.s32 $0x2980, s20;
	[sflag:s7] =	ssyncadd.s32 $0xFFFFE0C0  }
0xcb: {  	[spmem:s3] =	stream.indirect.scatter.add.f32 [tilespmem:s29], [sflag:$0x6], $0x40, s21, s26, $0xb8;
	[tilespmem:$0x1F860] =	vst v63  }
0xcc: {  	_ =	swait.ge [sflag:s22], $0x1F40  }
0xcd: {  	[sflag:s22] =	ssyncset.done $0x0  }
0xce: {  	[sflag:s22] =	ssyncadd.s32 $0xFFFFE0C0  }
0xcf: {  	[spmem:s4] =	stream.indirect.scatter.add.f32 [tilespmem:s0], [sflag:$0x6], $0x10, s21, s26, $0xb8;
	[tilespmem:$0x1F860] =	vst v63  }
0xd0: {  	_ =	swait.ge [sflag:s22], $0x7D0  }
0xd1: {  	[sflag:s22] =	ssyncset.done $0x0  }
0xd2: {  	s21 =	sadd.s32 $0x400, s20;
	[sflag:s22] =	ssyncadd.s32 $0xFFFFF830  }
0xd3: {  	[tilespmem:s29], [sflag:$0x4] =	stream.indirect.gather [hbm4b:s1+s26], $0x40, s21, s26, $0xb8;
	[tilespmem:$0x1F860] =	vst v63  }
0xd4: {  	_ =	swait.ge [sflag:s9], $0x1F40  }
0xd5: {  	[sflag:s9] =	ssyncset.done $0x0  }
0xd6: {  	s21 =	sadd.s32 $0x2A00, s20;
	[sflag:s9] =	ssyncadd.s32 $0xFFFFE0C0  }
0xd7: {  	[spmem:s3] =	stream.indirect.scatter.add.f32 [tilespmem:s23], [sflag:$0x6], $0x40, s21, s26, $0xb8;
	[tilespmem:$0x1F860] =	vst v63  }
0xd8: {  	_ =	swait.ge [sflag:s22], $0x1F40  }
0xd9: {  	[sflag:s22] =	ssyncset.done $0x0  }
.Ltmp3:
0xda: {  	[sflag:s22] =	ssyncadd.s32 $0xFFFFE0C0;
	(pc) =	sbr.rel @p1 .LBB2_8-.Ltmp3, $4  }
0xdb: {  	[spmem:s4] =	stream.indirect.scatter.add.f32 [tilespmem:s0], [sflag:$0x6], $0x10, s21, s26, $0xb8;
	[tilespmem:$0x1F860] =	vst v63  }
0xdc: {  	_ =	swait.ge [sflag:s22], $0x7D0  }
0xdd: {  	[sflag:s22] =	ssyncset.done $0x0  }
0xde: {  	s20 =	sadd.s32 $0x480, s20;
	[sflag:s22] =	ssyncadd.s32 $0xFFFFF830  }
0xdf: {  	[tilespmem:s23], [sflag:$0x5] =	stream.indirect.gather [hbm4b:s1+s26], $0x40, s20, s26, $0xb8;
	[tilespmem:$0x1F860] =	vst v63  }
0xe0: {  	_ =	swait.ge [sflag:s31], $0x1F40  }
0xe1: {  	[sflag:s31] =	ssyncset.done $0x0  }
0xe2: {  	s10 =	simm.s32 $0x4D80;
	[sflag:s31] =	ssyncadd.s32 $0xFFFFE0C0  }
0xe3: {  	[spmem:s3] =	stream.indirect.scatter.add.f32 [tilespmem:s28], [sflag:$0x6], $0x40, s10, s26, $0xb8;
	[tilespmem:$0x1F860] =	vst v63  }
0xe4: {  	_ =	swait.ge [sflag:s22], $0x1F40  }
0xe5: {  	[sflag:s22] =	ssyncset.done $0x0  }
0xe6: {  	[sflag:s22] =	ssyncadd.s32 $0xFFFFE0C0  }
0xe7: {  	[spmem:s4] =	stream.indirect.scatter.add.f32 [tilespmem:s0], [sflag:$0x6], $0x10, s10, s26, $0xb8;
	[tilespmem:$0x1F860] =	vst v63  }
0xe8: {  	_ =	swait.ge [sflag:s22], $0x7D0  }
0xe9: {  	[sflag:s22] =	ssyncset.done $0x0  }
0xea: {  	[sflag:s22] =	ssyncadd.s32 $0xFFFFF830  }
0xeb: {  	_ =	swait.ge [sflag:s5], $0x1F40  }
0xec: {  	[sflag:s5] =	ssyncset.done $0x0  }
0xed: {  	[sflag:s5] =	ssyncadd.s32 $0xFFFFE0C0  }
0xee: {  	[spmem:s3] =	stream.indirect.scatter.add.f32 [tilespmem:s30], [sflag:$0x6], $0x40, s13, s26, $0xb8;
	[tilespmem:$0x1F860] =	vst v63  }
0xef: {  	_ =	swait.ge [sflag:s22], $0x1F40  }
0xf0: {  	[sflag:s22] =	ssyncset.done $0x0  }
0xf1: {  	[sflag:s22] =	ssyncadd.s32 $0xFFFFE0C0  }
0xf2: {  	[spmem:s4] =	stream.indirect.scatter.add.f32 [tilespmem:s0], [sflag:$0x6], $0x10, s13, s26, $0xb8;
	[tilespmem:$0x1F860] =	vst v63  }
0xf3: {  	_ =	swait.ge [sflag:s22], $0x7D0  }
0xf4: {  	[sflag:s22] =	ssyncset.done $0x0  }
0xf5: {  	[sflag:s22] =	ssyncadd.s32 $0xFFFFF830  }
0xf6: {  	_ =	swait.ge [sflag:s6], $0x1F40  }
0xf7: {  	[sflag:s6] =	ssyncset.done $0x0  }
0xf8: {  	[sflag:s6] =	ssyncadd.s32 $0xFFFFE0C0  }
0xf9: {  	[spmem:s3] =	stream.indirect.scatter.add.f32 [tilespmem:s2], [sflag:$0x6], $0x40, s14, s26, $0xb8;
	[tilespmem:$0x1F860] =	vst v63  }
0xfa: {  	_ =	swait.ge [sflag:s22], $0x1F40  }
0xfb: {  	[sflag:s22] =	ssyncset.done $0x0  }
0xfc: {  	[sflag:s22] =	ssyncadd.s32 $0xFFFFE0C0  }
0xfd: {  	[spmem:s4] =	stream.indirect.scatter.add.f32 [tilespmem:s0], [sflag:$0x6], $0x10, s14, s26, $0xb8;
	[tilespmem:$0x1F860] =	vst v63  }
0xfe: {  	_ =	swait.ge [sflag:s22], $0x7D0  }
0xff: {  	[sflag:s22] =	ssyncset.done $0x0  }
0x100: {  	[sflag:s22] =	ssyncadd.s32 $0xFFFFF830  }
0x101: {  	_ =	swait.ge [sflag:s7], $0x1F40  }
0x102: {  	[sflag:s7] =	ssyncset.done $0x0  }
0x103: {  	[sflag:s7] =	ssyncadd.s32 $0xFFFFE0C0  }
0x104: {  	[spmem:s3] =	stream.indirect.scatter.add.f32 [tilespmem:s29], [sflag:$0x6], $0x40, s16, s26, $0xb8;
	[tilespmem:$0x1F860] =	vst v63  }
0x105: {  	_ =	swait.ge [sflag:s22], $0x1F40  }
0x106: {  	[sflag:s22] =	ssyncset.done $0x0  }
0x107: {  	[sflag:s22] =	ssyncadd.s32 $0xFFFFE0C0  }
0x108: {  	[spmem:s4] =	stream.indirect.scatter.add.f32 [tilespmem:s0], [sflag:$0x6], $0x10, s16, s26, $0xb8;
	[tilespmem:$0x1F860] =	vst v63  }
0x109: {  	_ =	swait.ge [sflag:s22], $0x7D0  }
0x10a: {  	[sflag:s22] =	ssyncset.done $0x0  }
0x10b: {  	[sflag:s22] =	ssyncadd.s32 $0xFFFFF830  }
0x10c: {  	_ =	swait.ge [sflag:s9], $0x1F40  }
0x10d: {  	[sflag:s9] =	ssyncset.done $0x0  }
0x10e: {  	[sflag:s9] =	ssyncadd.s32 $0xFFFFE0C0  }
0x10f: {  	[spmem:s3] =	stream.indirect.scatter.add.f32 [tilespmem:s23], [sflag:$0x6], $0x40, s17, s26, $0xb8;
	[tilespmem:$0x1F860] =	vst v63  }
0x110: {  	_ =	swait.ge [sflag:s22], $0x1F40  }
0x111: {  	[sflag:s22] =	ssyncset.done $0x0  }
0x112: {  	[sflag:s22] =	ssyncadd.s32 $0xFFFFE0C0  }
0x113: {  	[spmem:s4] =	stream.indirect.scatter.add.f32 [tilespmem:s0], [sflag:$0x6], $0x10, s17, s26, $0xb8;
	[tilespmem:$0x1F860] =	vst v63  }
0x114: {  	_ =	swait.ge [sflag:s22], $0x7D0  }
0x115: {  	[sflag:s22] =	ssyncset.done $0x0  }
0x116: {  	s19 =	stileid.u32;
	[sflag:s22] =	ssyncadd.s32 $0xFFFFF830  }
0x117: {  	s19 =	sshll.u32 s19, $0x6;
	[bflag:$0x0] =	sbarrier.arrive $0xFFFF  }
0x118: {  	s19 =	sor.u32 $0x1C06, s19;
	s10 =	sshrl.u32 s8, $0x3;
	s21 =	rddreg [dreg:$0xa]  }
0x119: {  	[hbm:s21], [sflag:s19] =	dma.local [spmem:s10], $0x1380  }
0x11a: {  	_ =	swait.ge [sflag:s22], $0x1380  }
0x11b: {  	[sflag:s22] =	ssyncset.done $0x0  }
0x11c: {  	s20 =	sshrl.u32 @p0 s12, $0x3;
	s21 =	rddreg [dreg:$0xb];
	[sflag:s22] =	ssyncadd.s32 $0xFFFFEC80  }
0x11d: {  	[hbm:s21], [sflag:s19] =	dma.local @p0 [spmem:s20], $0x4E0  }
0x11e: {  	s20 =	simm.s32 @p0 $0x6  }
0x11f: {  	_ =	swait.ge @p0 [sflag:s20], $0x4E0  }
0x120: {  	[sflag:s20] =	ssyncset.done @p0 $0x0  }
0x121: {  	s21 =	rddreg [dreg:$0xc];
	[sflag:s20] =	ssyncadd.s32 @p0 $0xFFFFFB20;
	s20 =	sshrl.u32 @!p0 s11, $0x3  }
0x122: {  	[hbm:s21], [sflag:s19] =	dma.local @!p0 [spmem:s20], $0x80  }
0x123: {  	s20 =	simm.s32 @!p0 $0x6  }
0x124: {  	_ =	swait.ge @!p0 [sflag:s20], $0x80  }
0x125: {  	[sflag:s20] =	ssyncset.done @!p0 $0x0  }
0x126: {  	s21 =	sshrl.u32 @!p0 s12, $0x3;
	s10 =	rddreg [dreg:$0xd];
	[sflag:s20] =	ssyncadd.s32 @!p0 $0xFFFFFF80  }
0x127: {  	[hbm:s10], [sflag:s19] =	dma.local @!p0 [spmem:s21], $0x4E0  }
0x128: {  	_ =	swait.ge @!p0 [sflag:s20], $0x4E0  }
0x129: {  	[sflag:s20] =	ssyncset.done @!p0 $0x0  }
0x12a: {  	s21 =	sshrl.u32 @!p0 s15, $0x3;
	s10 =	rddreg [dreg:$0xe];
	[sflag:s20] =	ssyncadd.s32 @!p0 $0xFFFFFB20  }
0x12b: {  	[hbm:s10], [sflag:s19] =	dma.local @!p0 [spmem:s21], $0x20  }
0x12c: {  	_ =	swait.ge @!p0 [sflag:s20], $0x20  }
0x12d: {  	s18 =	sadd.s32 $0x1, s18;
	s21 =	rddreg [dreg:$0xf]  }
0x12e: {  	p1 =	sne.s32 s18, s21  }
.Ltmp4:
0x12f: {  	_ = 	snop;
	(pc) =	sbr.rel @p1 .LBB2_1-.Ltmp4, $3  }
0x130: {  	_ =	sdelay $0x1  }
0x131: {  	[sflag:s20] =	ssyncset.done @!p0 $0x0  }
0x132: {  	[sflag:s20] =	ssyncadd.s32 @!p0 $0xFFFFFFE0  }
0x133: {  	_ =	sfence.sel $0x180000  }
0x134: {  	[bflag:$0x0] =	sbarrier.arrive $0xFFFF  }
0x135: {  	_ =	strace $0x90000047  }
0x136: {  	s0 =	stileid.u32;
	[bflag:$0x2] =	sbarrier.arrive $0xFFFF  }
0x137: {  	p0 =	sne.s32 s0, $0x0;
	s0 =	rddreg [dreg:$0x3]  }
0x138: {  	s0 =	sadd.s32 @!p0 $0x100000, s0  }
0x139: {  	[sflag:s0] =	ssyncadd.tile.s32 @!p0 $0x1;
	_ =	shalt  }
.Lfunc_end2:
_tile_overlayer_lowered:
.L_overlay_start_2:
0x13a: {  	(tag) =	ssettag $0x2  }
0x13b: {  	s0 =	rddreg [dreg:$0x0];
	s2 =	stileid.u32  }
0x13c: {  	s1 =	rddreg [dreg:$0x1];
	p0 =	sne.s32 s2, $0x0  }
0x13d: {  	s3 =	rddreg [dreg:$0x2];
	[bflag:$0x3] =	sbarrier.arrive $0xFFFF;
	s2 =	simm.s32 @!p0 $0x1C06  }
0x13e: {  	[timem:s3], [sflag:s2] =	dma.local @!p0 [hbm:s0], s1  }
0x13f: {  	s0 =	simm.s32 @!p0 $0x6  }
0x140: {  	_ =	swait.ge @!p0 [sflag:s0], s1  }
0x141: {  	s1 =	ssub.s32 @!p0 $0x0, s1;
	[sflag:s0] =	ssyncset.done @!p0 $0x0  }
0x142: {  	[sflag:s0] =	ssyncadd.s32 @!p0 s1  }
0x143: {  	[bflag:$0x3] =	sbarrier.arrive $0xFFFF  }
0x144: {  	_ =	shalt  }

</sc_bundles>
